<compile_context>
chip_gen: v7x
topology: tpu7x:2x2x1
jax: 0.10.2.dev20260603
libtpu: 0.0.44.dev20260713+nightly
codegen_flags: <defaults>
</compile_context>

<pallas_src>
import functools

import jax
import jax.numpy as jnp
from jax import lax
from jax.experimental import pallas as pl
from jax.experimental.pallas import tpu as pltpu
from jax.experimental.pallas import tpu_sc as plsc

_TOPK = 2
_CAP_FRAC = 1.0


_BL = 256


def _router_body(cap, E,
                 x_ref, noise_ref, lww_ref, lwb_ref, lnw_ref, lnb_ref,
                 sidx0_ref, sidx1_ref, gidx0_ref, gidx1_ref, w0_ref, w1_ref,
                 base_ref):
    i = pl.program_id(0)

    @pl.when(i == 0)
    def _init():
        base_ref[...] = jnp.zeros_like(base_ref)

    xb = x_ref[...]
    logits = lax.dot_general(
        xb, lww_ref[...], (((1,), (1,)), ((), ())),
        preferred_element_type=jnp.float32) + lwb_ref[...]
    zn = lax.dot_general(
        xb, lnw_ref[...], (((1,), (1,)), ((), ())),
        preferred_element_type=jnp.float32) + lnb_ref[...]
    sp = jnp.maximum(zn, 0.0) + jnp.log1p(jnp.exp(-jnp.abs(zn)))
    noisy = logits + noise_ref[...] * sp

    iota = lax.broadcasted_iota(jnp.int32, (_BL, E), 1)
    m0 = jnp.max(noisy, axis=1, keepdims=True)
    e0 = jnp.min(jnp.where(noisy == m0, iota, E), axis=1, keepdims=True)
    sel0 = iota == e0
    masked = jnp.where(sel0, -jnp.inf, noisy)
    m1 = jnp.max(masked, axis=1, keepdims=True)
    e1 = jnp.min(jnp.where(masked == m1, iota, E), axis=1, keepdims=True)
    sel1 = iota == e1

    ex = jnp.exp(m1 - m0)
    denom = 1.0 + ex
    p0 = 1.0 / denom
    p1 = ex / denom

    selc = (sel0 | sel1).astype(jnp.float32)
    r = lax.broadcasted_iota(jnp.int32, (_BL, _BL), 0)
    c = lax.broadcasted_iota(jnp.int32, (_BL, _BL), 1)
    tri = (c < r).astype(jnp.float32)
    prefix = lax.dot_general(
        tri, selc, (((1,), (0,)), ((), ())),
        preferred_element_type=jnp.float32)
    base = base_ref[...]
    pos = prefix + base
    base_ref[...] = base + jnp.sum(selc, axis=0, keepdims=True)

    pos0 = jnp.sum(jnp.where(sel0, pos, 0.0), axis=1, keepdims=True).astype(jnp.int32)
    pos1 = jnp.sum(jnp.where(sel1, pos, 0.0), axis=1, keepdims=True).astype(jnp.int32)
    slot0 = e0 * cap + pos0
    slot1 = e1 * cap + pos1
    valid0 = pos0 < cap
    valid1 = pos1 < cap
    trash = E * cap
    sidx0_ref[...] = jnp.where(valid0, slot0, trash)
    sidx1_ref[...] = jnp.where(valid1, slot1, trash)
    gidx0_ref[...] = jnp.where(valid0, slot0, 0)
    gidx1_ref[...] = jnp.where(valid1, slot1, 0)
    w0_ref[...] = jnp.where(valid0, p0, 0.0)
    w1_ref[...] = jnp.where(valid1, p1, 0.0)


def _run_router(xf, noise_f, lw_w, lw_b, ln_w, ln_b, cap):
    N, D = xf.shape
    E = lw_w.shape[0]
    nblk = N // _BL
    out_shapes = [jax.ShapeDtypeStruct((N, 1), jnp.int32)] * 4 + \
                 [jax.ShapeDtypeStruct((N, 1), jnp.float32)] * 2
    tok_spec = pl.BlockSpec((_BL, 1), lambda i: (i, 0))
    outs = pl.pallas_call(
        functools.partial(_router_body, cap, E),
        grid=(nblk,),
        in_specs=[
            pl.BlockSpec((_BL, D), lambda i: (i, 0)),
            pl.BlockSpec((_BL, E), lambda i: (i, 0)),
            pl.BlockSpec((E, D), lambda i: (0, 0)),
            pl.BlockSpec((1, E), lambda i: (0, 0)),
            pl.BlockSpec((E, D), lambda i: (0, 0)),
            pl.BlockSpec((1, E), lambda i: (0, 0)),
        ],
        out_specs=[tok_spec] * 6,
        out_shape=out_shapes,
        scratch_shapes=[pltpu.VMEM((1, E), jnp.float32)],
        compiler_params=pltpu.CompilerParams(
            dimension_semantics=("arbitrary",)),
    )(xf, noise_f, lw_w, lw_b.reshape(1, E), ln_w, ln_b.reshape(1, E))
    return outs



_CH = 64


def _make_dispatch(N, D, nrows):
    info = plsc.get_sparse_core_info()
    NC, NS = info.num_cores, info.num_subcores
    NW = NC * NS
    tok_w = N // NW
    mesh = plsc.VectorSubcoreMesh(core_axis_name="c", subcore_axis_name="s")

    @functools.partial(
        pl.kernel, mesh=mesh,
        out_type=jax.ShapeDtypeStruct((nrows, D), jnp.float32),
        scratch_types=[
            pltpu.VMEM((_CH, D), jnp.float32),
            pltpu.VMEM((_CH,), jnp.int32),
            pltpu.VMEM((_CH,), jnp.int32),
            pltpu.SemaphoreType.DMA,
        ],
    )
    def dispatch(x_hbm, sidx0_hbm, sidx1_hbm, xbuf_hbm, xv, iv0, iv1, sem):
        wid = lax.axis_index("s") * NC + lax.axis_index("c")
        base = wid * tok_w
        for j in range(tok_w // _CH):
            off = base + j * _CH
            pltpu.sync_copy(x_hbm.at[pl.ds(off, _CH)], xv)
            pltpu.sync_copy(sidx0_hbm.at[pl.ds(off, _CH)], iv0)
            pltpu.sync_copy(sidx1_hbm.at[pl.ds(off, _CH)], iv1)
            pltpu.async_copy(xv, xbuf_hbm.at[iv0], sem).wait()
            pltpu.async_copy(xv, xbuf_hbm.at[iv1], sem).wait()

    return dispatch



def _ffn_body(x_ref, w1_ref, b1_ref, w2_ref, b2_ref, out_ref):
    hb = pl.program_id(1)
    h = lax.dot_general(
        x_ref[...].astype(jnp.bfloat16), w1_ref[0].astype(jnp.bfloat16),
        (((1,), (1,)), ((), ())),
        preferred_element_type=jnp.float32)
    h = jnp.maximum(h + b1_ref[0], 0.0).astype(jnp.bfloat16)
    contrib = lax.dot_general(
        h, w2_ref[0].astype(jnp.bfloat16), (((1,), (1,)), ((), ())),
        preferred_element_type=jnp.float32)

    @pl.when(hb == 0)
    def _first():
        out_ref[...] = contrib + b2_ref[0]

    @pl.when(hb != 0)
    def _rest():
        out_ref[...] += contrib


def _run_ffn(xbuf, W1, b1, W2, b2, cap):
    E, H, D = W1.shape
    BH = 1024
    nhb = H // BH
    out = pl.pallas_call(
        _ffn_body,
        grid=(E, nhb),
        in_specs=[
            pl.BlockSpec((cap, D), lambda e, hb: (e, 0)),
            pl.BlockSpec((1, BH, D), lambda e, hb: (e, hb, 0)),
            pl.BlockSpec((1, 1, BH), lambda e, hb: (e, 0, hb)),
            pl.BlockSpec((1, D, BH), lambda e, hb: (e, 0, hb)),
            pl.BlockSpec((1, 1, D), lambda e, hb: (e, 0, 0)),
        ],
        out_specs=pl.BlockSpec((cap, D), lambda e, hb: (e, 0)),
        out_shape=jax.ShapeDtypeStruct((E * cap, D), jnp.float32),
        compiler_params=pltpu.CompilerParams(
            dimension_semantics=("arbitrary", "arbitrary")),
    )(xbuf[:E * cap], W1, b1.reshape(E, 1, H), W2, b2.reshape(E, 1, D))
    return out



def _make_gather(N, D, nrows):
    info = plsc.get_sparse_core_info()
    NC, NS = info.num_cores, info.num_subcores
    NW = NC * NS
    tok_w = N // NW
    mesh = plsc.VectorSubcoreMesh(core_axis_name="c", subcore_axis_name="s")

    @functools.partial(
        pl.kernel, mesh=mesh,
        out_type=[jax.ShapeDtypeStruct((N, D), jnp.float32),
                  jax.ShapeDtypeStruct((N, D), jnp.float32)],
        scratch_types=[
            pltpu.VMEM((_CH, D), jnp.float32),
            pltpu.VMEM((_CH,), jnp.int32),
            pltpu.SemaphoreType.DMA,
        ],
    )
    def gather(outbuf_hbm, gidx0_hbm, gidx1_hbm, g0_hbm, g1_hbm, gv, iv, sem):
        wid = lax.axis_index("s") * NC + lax.axis_index("c")
        base = wid * tok_w
        for j in range(tok_w // _CH):
            off = base + j * _CH
            pltpu.sync_copy(gidx0_hbm.at[pl.ds(off, _CH)], iv)
            pltpu.async_copy(outbuf_hbm.at[iv], gv, sem).wait()
            pltpu.sync_copy(gv, g0_hbm.at[pl.ds(off, _CH)])
            pltpu.sync_copy(gidx1_hbm.at[pl.ds(off, _CH)], iv)
            pltpu.async_copy(outbuf_hbm.at[iv], gv, sem).wait()
            pltpu.sync_copy(gv, g1_hbm.at[pl.ds(off, _CH)])

    return gather



def _combine_body(g0_ref, g1_ref, w0_ref, w1_ref, y_ref):
    w0 = w0_ref[...]
    w1 = w1_ref[...]
    y0 = jnp.where(w0 > 0.0, w0 * g0_ref[...], 0.0)
    y1 = jnp.where(w1 > 0.0, w1 * g1_ref[...], 0.0)
    y_ref[...] = y0 + y1


def _run_combine(g0, g1, w0, w1):
    N, D = g0.shape
    nblk = N // _BL
    y = pl.pallas_call(
        _combine_body,
        grid=(nblk,),
        in_specs=[
            pl.BlockSpec((_BL, D), lambda i: (i, 0)),
            pl.BlockSpec((_BL, D), lambda i: (i, 0)),
            pl.BlockSpec((_BL, 1), lambda i: (i, 0)),
            pl.BlockSpec((_BL, 1), lambda i: (i, 0)),
        ],
        out_specs=pl.BlockSpec((_BL, D), lambda i: (i, 0)),
        out_shape=jax.ShapeDtypeStruct((N, D), jnp.float32),
    )(g0, g1, w0, w1)
    return y



def kernel(x, noise, lw_w, lw_b, ln_w, ln_b, W1, b1, W2, b2):
    B, T, D = x.shape
    E = lw_w.shape[0]
    N = B * T
    cap = int(N * _TOPK / E * _CAP_FRAC)
    nrows = E * cap + 8

    xf = x.reshape(N, D)
    noise_f = noise.reshape(N, E)

    sidx0, sidx1, gidx0, gidx1, w0, w1 = _run_router(
        xf, noise_f, lw_w, lw_b, ln_w, ln_b, cap)

    dispatch = _make_dispatch(N, D, nrows)
    xbuf = dispatch(xf, sidx0.reshape(N), sidx1.reshape(N))

    outbuf = xbuf[:E * cap]

    gather = _make_gather(N, D, E * cap)
    g0, g1 = gather(outbuf, gidx0.reshape(N), gidx1.reshape(N))

    y = _run_combine(g0, g1, w0, w1)
    return y.reshape(B, T, D)

# --- scband reference (transcript-rebuilt; emitter-appended) ---
"""Pipeline reference for scband-sparse-mo-e-26414048870706 (READ-ONLY COPY).

The authoritative reference and input builder live on the scoring server;
editing this copy changes nothing except your own understanding.
"""

import jax, jax.numpy as jnp
import numpy as np

B, T, D = 4, 2048, 1024
E, TOPK, CAP = 8, 2, 1.0


def setup_inputs(seed: int = 0):
    key = jax.random.key(seed)
    ks = jax.random.split(key, 8)
    s = 0.02
    x = jax.random.normal(ks[0], (B, T, D), dtype=jnp.float32)
    noise = jax.random.normal(ks[1], (B, T, E), dtype=jnp.float32)
    lw_w = jax.random.normal(ks[2], (E, D), dtype=jnp.float32) * s
    lw_b = jnp.zeros((E,), dtype=jnp.float32)
    ln_w = jax.random.normal(ks[3], (E, D), dtype=jnp.float32) * s
    ln_b = jnp.zeros((E,), dtype=jnp.float32)
    W1 = jax.random.normal(ks[4], (E, 4 * D, D), dtype=jnp.float32) * s
    b1 = jnp.zeros((E, 4 * D), dtype=jnp.float32)
    W2 = jax.random.normal(ks[5], (E, D, 4 * D), dtype=jnp.float32) * s
    b2 = jnp.zeros((E, D), dtype=jnp.float32)
    return {"x": x, "noise": noise, "lw_w": lw_w, "lw_b": lw_b, "ln_w": ln_w, "ln_b": ln_b, "W1": W1, "b1": b1, "W2": W2, "b2": b2}


def reference(x, noise, lw_w, lw_b, ln_w, ln_b, W1, b1, W2, b2):
    Bx, Tx, Dx = x.shape
    # NoisyTopkRouter
    logits = x @ lw_w.T + lw_b
    noisy = logits + noise * jax.nn.softplus(x @ ln_w.T + ln_b)
    topk_vals, ix = jax.lax.top_k(noisy, TOPK)
    # softmax over sparse (-inf elsewhere) == softmax over topk values scattered back
    probs_topk = jax.nn.softmax(topk_vals, axis=-1)
    p = jnp.sum(jax.nn.one_hot(ix, E, dtype=x.dtype) * probs_topk[..., None], axis=-2)
    flat_x = x.reshape(-1, Dx)
    flat_p = p.reshape(-1, E)
    flat_ix = ix.reshape(-1, TOPK)
    N = Bx * Tx
    capacity = int(N * TOPK / E * CAP)
    upd = jnp.zeros_like(flat_x)
    for i in range(E):
        mask = (flat_ix == i).any(-1)
        sel = jnp.nonzero(mask, size=capacity, fill_value=0)[0]
        valid = (jnp.arange(capacity) < mask.sum()).astype(x.dtype)[:, None]
        h = flat_x[sel]
        out = jax.nn.relu(h @ W1[i].T + b1[i]) @ W2[i].T + b2[i]
        upd = upd.at[sel].add(out * flat_p[sel, i][:, None] * valid)
    y = upd.reshape(Bx, Tx, Dx)
    return y

if __name__ == "__main__":
    import jax
    _d = setup_inputs()
    print(jax.jit(kernel)(*tuple(_d.values())))

</pallas_src>

<mosaic_0001>
#map = affine_map<(d0, d1) -> (0, 0)>
#map1 = affine_map<(d0, d1) -> (0)>
module attributes {stable_mosaic.version = 14 : i64} {
  func.func @gather(%arg0: i32, %arg1: i32, %arg2: memref<16384x1024xf32, #tpu.memory_space<hbm>>, %arg3: memref<8192xi32, #tpu.memory_space<hbm>>, %arg4: memref<8192xi32, #tpu.memory_space<hbm>>, %arg5: memref<8192x1024xf32, #tpu.memory_space<hbm>>, %arg6: memref<8192x1024xf32, #tpu.memory_space<hbm>>, %arg7: memref<64x1024xf32, #tpu.memory_space<vmem>>, %arg8: memref<64xi32, #tpu.memory_space<vmem>>, %arg9: memref<!tpu.dma_semaphore, #tpu.memory_space<semaphore_mem>>) attributes {dimension_semantics = [#tpu.dimension_semantics<core_parallel>, #tpu.dimension_semantics<subcore_parallel>], iteration_bounds = array<i64: 2, 16>, scalar_prefetch = 0 : i64, scratch_operands = 3 : i64, tpu.core_type = #tpu.core_type<sc_vector_subcore>, window_params = [{transform_indices = #map}, {transform_indices = #map1}, {transform_indices = #map1}, {transform_indices = #map}, {transform_indices = #map}]} {
    %mul3A = arith.constant 2 : i32
    %mul3A_0 = arith.muli %arg1, %mul3A : i32
    %add3A = arith.addi %mul3A_0, %arg0 : i32
    %mul3A_1 = arith.constant 256 : i32
    %mul3A_2 = arith.muli %add3A, %mul3A_1 : i32
    %add3A_3 = arith.constant 0 : i32
    %add3A_4 = arith.addi %mul3A_2, %add3A_3 : i32
    "tpu.region"() ({
      %run_scoped3A = tpu.sem_alloc : memref<!tpu.dma_semaphore, #tpu.memory_space<semaphore_mem>>
      %dma_start3A_57 = tpu.memref_slice %arg3[%add3A_4] : memref<8192xi32, #tpu.memory_space<hbm>> -> memref<64xi32, #tpu.memory_space<hbm>>
      %dma_start3A_58 = tpu.memref_slice %arg3[%add3A_4] : memref<8192xi32, #tpu.memory_space<hbm>> -> memref<64xi32, #tpu.memory_space<hbm>>
      tpu.enqueue_dma source(%dma_start3A_58 : memref<64xi32, #tpu.memory_space<hbm>>) target(%arg8 : memref<64xi32, #tpu.memory_space<vmem>>) target_semaphore(%run_scoped3A : memref<!tpu.dma_semaphore, #tpu.memory_space<semaphore_mem>>)
      %dma_wait3A_59 = tpu.memref_slice %arg3[%add3A_4] : memref<8192xi32, #tpu.memory_space<hbm>> -> memref<64xi32, #tpu.memory_space<hbm>>
      %dma_wait3A_60 = tpu.memref_slice %arg3[%add3A_4] : memref<8192xi32, #tpu.memory_space<hbm>> -> memref<64xi32, #tpu.memory_space<hbm>>
      tpu.wait_dma2 semaphore(%run_scoped3A : memref<!tpu.dma_semaphore, #tpu.memory_space<semaphore_mem>>) src(%dma_wait3A_60 : memref<64xi32, #tpu.memory_space<hbm>>) dst(%arg8 : memref<64xi32, #tpu.memory_space<vmem>>)
      tpu.yield
    }) : () -> ()
    %dma_start3A = arith.constant 0 : i32
    %dma_start3A_5 = arith.constant 0 : i32
    %dma_start3A_6 = tpu.memref_slice %arg2[%dma_start3A, %dma_start3A_5] : memref<16384x1024xf32, #tpu.memory_space<hbm>> -> memref<16384x1024xf32, #tpu.memory_space<hbm>>
    tpu.enqueue_indirect_dma source(%dma_start3A_6 : memref<16384x1024xf32, #tpu.memory_space<hbm>>) target(%arg7 : memref<64x1024xf32, #tpu.memory_space<vmem>>) offsets(%arg8 : memref<64xi32, #tpu.memory_space<vmem>>) semaphore(%arg9 : memref<!tpu.dma_semaphore, #tpu.memory_space<semaphore_mem>>)
    %dma_wait3A = arith.constant 0 : i32
    %dma_wait3A_7 = arith.constant 0 : i32
    %dma_wait3A_8 = tpu.memref_slice %arg2[%dma_wait3A, %dma_wait3A_7] : memref<16384x1024xf32, #tpu.memory_space<hbm>> -> memref<16384x1024xf32, #tpu.memory_space<hbm>>
    tpu.wait_indirect_dma semaphore(%arg9 : memref<!tpu.dma_semaphore, #tpu.memory_space<semaphore_mem>>) src(%dma_wait3A_8 : memref<16384x1024xf32, #tpu.memory_space<hbm>>) dst(%arg7 : memref<64x1024xf32, #tpu.memory_space<vmem>>)
    "tpu.region"() ({
      %run_scoped3A = tpu.sem_alloc : memref<!tpu.dma_semaphore, #tpu.memory_space<semaphore_mem>>
      %dma_start3A_57 = arith.constant 0 : i32
      %dma_start3A_58 = tpu.memref_slice %arg5[%add3A_4, %dma_start3A_57] : memref<8192x1024xf32, #tpu.memory_space<hbm>> -> memref<64x1024xf32, #tpu.memory_space<hbm>>
      %dma_start3A_59 = arith.constant 0 : i32
      %dma_start3A_60 = tpu.memref_slice %arg5[%add3A_4, %dma_start3A_59] : memref<8192x1024xf32, #tpu.memory_space<hbm>> -> memref<64x1024xf32, #tpu.memory_space<hbm>>
      tpu.enqueue_dma source(%arg7 : memref<64x1024xf32, #tpu.memory_space<vmem>>) target(%dma_start3A_60 : memref<64x1024xf32, #tpu.memory_space<hbm>>) target_semaphore(%run_scoped3A : memref<!tpu.dma_semaphore, #tpu.memory_space<semaphore_mem>>)
      %dma_wait3A_61 = arith.constant 0 : i32
      %dma_wait3A_62 = tpu.memref_slice %arg5[%add3A_4, %dma_wait3A_61] : memref<8192x1024xf32, #tpu.memory_space<hbm>> -> memref<64x1024xf32, #tpu.memory_space<hbm>>
      %dma_wait3A_63 = arith.constant 0 : i32
      %dma_wait3A_64 = tpu.memref_slice %arg5[%add3A_4, %dma_wait3A_63] : memref<8192x1024xf32, #tpu.memory_space<hbm>> -> memref<64x1024xf32, #tpu.memory_space<hbm>>
      tpu.wait_dma2 semaphore(%run_scoped3A : memref<!tpu.dma_semaphore, #tpu.memory_space<semaphore_mem>>) src(%arg7 : memref<64x1024xf32, #tpu.memory_space<vmem>>) dst(%dma_wait3A_64 : memref<64x1024xf32, #tpu.memory_space<hbm>>)
      tpu.yield
    }) : () -> ()
    "tpu.region"() ({
      %run_scoped3A = tpu.sem_alloc : memref<!tpu.dma_semaphore, #tpu.memory_space<semaphore_mem>>
      %dma_start3A_57 = tpu.memref_slice %arg4[%add3A_4] : memref<8192xi32, #tpu.memory_space<hbm>> -> memref<64xi32, #tpu.memory_space<hbm>>
      %dma_start3A_58 = tpu.memref_slice %arg4[%add3A_4] : memref<8192xi32, #tpu.memory_space<hbm>> -> memref<64xi32, #tpu.memory_space<hbm>>
      tpu.enqueue_dma source(%dma_start3A_58 : memref<64xi32, #tpu.memory_space<hbm>>) target(%arg8 : memref<64xi32, #tpu.memory_space<vmem>>) target_semaphore(%run_scoped3A : memref<!tpu.dma_semaphore, #tpu.memory_space<semaphore_mem>>)
      %dma_wait3A_59 = tpu.memref_slice %arg4[%add3A_4] : memref<8192xi32, #tpu.memory_space<hbm>> -> memref<64xi32, #tpu.memory_space<hbm>>
      %dma_wait3A_60 = tpu.memref_slice %arg4[%add3A_4] : memref<8192xi32, #tpu.memory_space<hbm>> -> memref<64xi32, #tpu.memory_space<hbm>>
      tpu.wait_dma2 semaphore(%run_scoped3A : memref<!tpu.dma_semaphore, #tpu.memory_space<semaphore_mem>>) src(%dma_wait3A_60 : memref<64xi32, #tpu.memory_space<hbm>>) dst(%arg8 : memref<64xi32, #tpu.memory_space<vmem>>)
      tpu.yield
    }) : () -> ()
    %dma_start3A_9 = arith.constant 0 : i32
    %dma_start3A_10 = arith.constant 0 : i32
    %dma_start3A_11 = tpu.memref_slice %arg2[%dma_start3A_9, %dma_start3A_10] : memref<16384x1024xf32, #tpu.memory_space<hbm>> -> memref<16384x1024xf32, #tpu.memory_space<hbm>>
    tpu.enqueue_indirect_dma source(%dma_start3A_11 : memref<16384x1024xf32, #tpu.memory_space<hbm>>) target(%arg7 : memref<64x1024xf32, #tpu.memory_space<vmem>>) offsets(%arg8 : memref<64xi32, #tpu.memory_space<vmem>>) semaphore(%arg9 : memref<!tpu.dma_semaphore, #tpu.memory_space<semaphore_mem>>)
    %dma_wait3A_12 = arith.constant 0 : i32
    %dma_wait3A_13 = arith.constant 0 : i32
    %dma_wait3A_14 = tpu.memref_slice %arg2[%dma_wait3A_12, %dma_wait3A_13] : memref<16384x1024xf32, #tpu.memory_space<hbm>> -> memref<16384x1024xf32, #tpu.memory_space<hbm>>
    tpu.wait_indirect_dma semaphore(%arg9 : memref<!tpu.dma_semaphore, #tpu.memory_space<semaphore_mem>>) src(%dma_wait3A_14 : memref<16384x1024xf32, #tpu.memory_space<hbm>>) dst(%arg7 : memref<64x1024xf32, #tpu.memory_space<vmem>>)
    "tpu.region"() ({
      %run_scoped3A = tpu.sem_alloc : memref<!tpu.dma_semaphore, #tpu.memory_space<semaphore_mem>>
      %dma_start3A_57 = arith.constant 0 : i32
      %dma_start3A_58 = tpu.memref_slice %arg6[%add3A_4, %dma_start3A_57] : memref<8192x1024xf32, #tpu.memory_space<hbm>> -> memref<64x1024xf32, #tpu.memory_space<hbm>>
      %dma_start3A_59 = arith.constant 0 : i32
      %dma_start3A_60 = tpu.memref_slice %arg6[%add3A_4, %dma_start3A_59] : memref<8192x1024xf32, #tpu.memory_space<hbm>> -> memref<64x1024xf32, #tpu.memory_space<hbm>>
      tpu.enqueue_dma source(%arg7 : memref<64x1024xf32, #tpu.memory_space<vmem>>) target(%dma_start3A_60 : memref<64x1024xf32, #tpu.memory_space<hbm>>) target_semaphore(%run_scoped3A : memref<!tpu.dma_semaphore, #tpu.memory_space<semaphore_mem>>)
      %dma_wait3A_61 = arith.constant 0 : i32
      %dma_wait3A_62 = tpu.memref_slice %arg6[%add3A_4, %dma_wait3A_61] : memref<8192x1024xf32, #tpu.memory_space<hbm>> -> memref<64x1024xf32, #tpu.memory_space<hbm>>
      %dma_wait3A_63 = arith.constant 0 : i32
      %dma_wait3A_64 = tpu.memref_slice %arg6[%add3A_4, %dma_wait3A_63] : memref<8192x1024xf32, #tpu.memory_space<hbm>> -> memref<64x1024xf32, #tpu.memory_space<hbm>>
      tpu.wait_dma2 semaphore(%run_scoped3A : memref<!tpu.dma_semaphore, #tpu.memory_space<semaphore_mem>>) src(%arg7 : memref<64x1024xf32, #tpu.memory_space<vmem>>) dst(%dma_wait3A_64 : memref<64x1024xf32, #tpu.memory_space<hbm>>)
      tpu.yield
    }) : () -> ()
    %add3A_15 = arith.constant 64 : i32
    %add3A_16 = arith.addi %mul3A_2, %add3A_15 : i32
    "tpu.region"() ({
      %run_scoped3A = tpu.sem_alloc : memref<!tpu.dma_semaphore, #tpu.memory_space<semaphore_mem>>
      %dma_start3A_57 = tpu.memref_slice %arg3[%add3A_16] : memref<8192xi32, #tpu.memory_space<hbm>> -> memref<64xi32, #tpu.memory_space<hbm>>
      %dma_start3A_58 = tpu.memref_slice %arg3[%add3A_16] : memref<8192xi32, #tpu.memory_space<hbm>> -> memref<64xi32, #tpu.memory_space<hbm>>
      tpu.enqueue_dma source(%dma_start3A_58 : memref<64xi32, #tpu.memory_space<hbm>>) target(%arg8 : memref<64xi32, #tpu.memory_space<vmem>>) target_semaphore(%run_scoped3A : memref<!tpu.dma_semaphore, #tpu.memory_space<semaphore_mem>>)
      %dma_wait3A_59 = tpu.memref_slice %arg3[%add3A_16] : memref<8192xi32, #tpu.memory_space<hbm>> -> memref<64xi32, #tpu.memory_space<hbm>>
      %dma_wait3A_60 = tpu.memref_slice %arg3[%add3A_16] : memref<8192xi32, #tpu.memory_space<hbm>> -> memref<64xi32, #tpu.memory_space<hbm>>
      tpu.wait_dma2 semaphore(%run_scoped3A : memref<!tpu.dma_semaphore, #tpu.memory_space<semaphore_mem>>) src(%dma_wait3A_60 : memref<64xi32, #tpu.memory_space<hbm>>) dst(%arg8 : memref<64xi32, #tpu.memory_space<vmem>>)
      tpu.yield
    }) : () -> ()
    %dma_start3A_17 = arith.constant 0 : i32
    %dma_start3A_18 = arith.constant 0 : i32
    %dma_start3A_19 = tpu.memref_slice %arg2[%dma_start3A_17, %dma_start3A_18] : memref<16384x1024xf32, #tpu.memory_space<hbm>> -> memref<16384x1024xf32, #tpu.memory_space<hbm>>
    tpu.enqueue_indirect_dma source(%dma_start3A_19 : memref<16384x1024xf32, #tpu.memory_space<hbm>>) target(%arg7 : memref<64x1024xf32, #tpu.memory_space<vmem>>) offsets(%arg8 : memref<64xi32, #tpu.memory_space<vmem>>) semaphore(%arg9 : memref<!tpu.dma_semaphore, #tpu.memory_space<semaphore_mem>>)
    %dma_wait3A_20 = arith.constant 0 : i32
    %dma_wait3A_21 = arith.constant 0 : i32
    %dma_wait3A_22 = tpu.memref_slice %arg2[%dma_wait3A_20, %dma_wait3A_21] : memref<16384x1024xf32, #tpu.memory_space<hbm>> -> memref<16384x1024xf32, #tpu.memory_space<hbm>>
    tpu.wait_indirect_dma semaphore(%arg9 : memref<!tpu.dma_semaphore, #tpu.memory_space<semaphore_mem>>) src(%dma_wait3A_22 : memref<16384x1024xf32, #tpu.memory_space<hbm>>) dst(%arg7 : memref<64x1024xf32, #tpu.memory_space<vmem>>)
    "tpu.region"() ({
      %run_scoped3A = tpu.sem_alloc : memref<!tpu.dma_semaphore, #tpu.memory_space<semaphore_mem>>
      %dma_start3A_57 = arith.constant 0 : i32
      %dma_start3A_58 = tpu.memref_slice %arg5[%add3A_16, %dma_start3A_57] : memref<8192x1024xf32, #tpu.memory_space<hbm>> -> memref<64x1024xf32, #tpu.memory_space<hbm>>
      %dma_start3A_59 = arith.constant 0 : i32
      %dma_start3A_60 = tpu.memref_slice %arg5[%add3A_16, %dma_start3A_59] : memref<8192x1024xf32, #tpu.memory_space<hbm>> -> memref<64x1024xf32, #tpu.memory_space<hbm>>
      tpu.enqueue_dma source(%arg7 : memref<64x1024xf32, #tpu.memory_space<vmem>>) target(%dma_start3A_60 : memref<64x1024xf32, #tpu.memory_space<hbm>>) target_semaphore(%run_scoped3A : memref<!tpu.dma_semaphore, #tpu.memory_space<semaphore_mem>>)
      %dma_wait3A_61 = arith.constant 0 : i32
      %dma_wait3A_62 = tpu.memref_slice %arg5[%add3A_16, %dma_wait3A_61] : memref<8192x1024xf32, #tpu.memory_space<hbm>> -> memref<64x1024xf32, #tpu.memory_space<hbm>>
      %dma_wait3A_63 = arith.constant 0 : i32
      %dma_wait3A_64 = tpu.memref_slice %arg5[%add3A_16, %dma_wait3A_63] : memref<8192x1024xf32, #tpu.memory_space<hbm>> -> memref<64x1024xf32, #tpu.memory_space<hbm>>
      tpu.wait_dma2 semaphore(%run_scoped3A : memref<!tpu.dma_semaphore, #tpu.memory_space<semaphore_mem>>) src(%arg7 : memref<64x1024xf32, #tpu.memory_space<vmem>>) dst(%dma_wait3A_64 : memref<64x1024xf32, #tpu.memory_space<hbm>>)
      tpu.yield
    }) : () -> ()
    "tpu.region"() ({
      %run_scoped3A = tpu.sem_alloc : memref<!tpu.dma_semaphore, #tpu.memory_space<semaphore_mem>>
      %dma_start3A_57 = tpu.memref_slice %arg4[%add3A_16] : memref<8192xi32, #tpu.memory_space<hbm>> -> memref<64xi32, #tpu.memory_space<hbm>>
      %dma_start3A_58 = tpu.memref_slice %arg4[%add3A_16] : memref<8192xi32, #tpu.memory_space<hbm>> -> memref<64xi32, #tpu.memory_space<hbm>>
      tpu.enqueue_dma source(%dma_start3A_58 : memref<64xi32, #tpu.memory_space<hbm>>) target(%arg8 : memref<64xi32, #tpu.memory_space<vmem>>) target_semaphore(%run_scoped3A : memref<!tpu.dma_semaphore, #tpu.memory_space<semaphore_mem>>)
      %dma_wait3A_59 = tpu.memref_slice %arg4[%add3A_16] : memref<8192xi32, #tpu.memory_space<hbm>> -> memref<64xi32, #tpu.memory_space<hbm>>
      %dma_wait3A_60 = tpu.memref_slice %arg4[%add3A_16] : memref<8192xi32, #tpu.memory_space<hbm>> -> memref<64xi32, #tpu.memory_space<hbm>>
      tpu.wait_dma2 semaphore(%run_scoped3A : memref<!tpu.dma_semaphore, #tpu.memory_space<semaphore_mem>>) src(%dma_wait3A_60 : memref<64xi32, #tpu.memory_space<hbm>>) dst(%arg8 : memref<64xi32, #tpu.memory_space<vmem>>)
      tpu.yield
    }) : () -> ()
    %dma_start3A_23 = arith.constant 0 : i32
    %dma_start3A_24 = arith.constant 0 : i32
    %dma_start3A_25 = tpu.memref_slice %arg2[%dma_start3A_23, %dma_start3A_24] : memref<16384x1024xf32, #tpu.memory_space<hbm>> -> memref<16384x1024xf32, #tpu.memory_space<hbm>>
    tpu.enqueue_indirect_dma source(%dma_start3A_25 : memref<16384x1024xf32, #tpu.memory_space<hbm>>) target(%arg7 : memref<64x1024xf32, #tpu.memory_space<vmem>>) offsets(%arg8 : memref<64xi32, #tpu.memory_space<vmem>>) semaphore(%arg9 : memref<!tpu.dma_semaphore, #tpu.memory_space<semaphore_mem>>)
    %dma_wait3A_26 = arith.constant 0 : i32
    %dma_wait3A_27 = arith.constant 0 : i32
    %dma_wait3A_28 = tpu.memref_slice %arg2[%dma_wait3A_26, %dma_wait3A_27] : memref<16384x1024xf32, #tpu.memory_space<hbm>> -> memref<16384x1024xf32, #tpu.memory_space<hbm>>
    tpu.wait_indirect_dma semaphore(%arg9 : memref<!tpu.dma_semaphore, #tpu.memory_space<semaphore_mem>>) src(%dma_wait3A_28 : memref<16384x1024xf32, #tpu.memory_space<hbm>>) dst(%arg7 : memref<64x1024xf32, #tpu.memory_space<vmem>>)
    "tpu.region"() ({
      %run_scoped3A = tpu.sem_alloc : memref<!tpu.dma_semaphore, #tpu.memory_space<semaphore_mem>>
      %dma_start3A_57 = arith.constant 0 : i32
      %dma_start3A_58 = tpu.memref_slice %arg6[%add3A_16, %dma_start3A_57] : memref<8192x1024xf32, #tpu.memory_space<hbm>> -> memref<64x1024xf32, #tpu.memory_space<hbm>>
      %dma_start3A_59 = arith.constant 0 : i32
      %dma_start3A_60 = tpu.memref_slice %arg6[%add3A_16, %dma_start3A_59] : memref<8192x1024xf32, #tpu.memory_space<hbm>> -> memref<64x1024xf32, #tpu.memory_space<hbm>>
      tpu.enqueue_dma source(%arg7 : memref<64x1024xf32, #tpu.memory_space<vmem>>) target(%dma_start3A_60 : memref<64x1024xf32, #tpu.memory_space<hbm>>) target_semaphore(%run_scoped3A : memref<!tpu.dma_semaphore, #tpu.memory_space<semaphore_mem>>)
      %dma_wait3A_61 = arith.constant 0 : i32
      %dma_wait3A_62 = tpu.memref_slice %arg6[%add3A_16, %dma_wait3A_61] : memref<8192x1024xf32, #tpu.memory_space<hbm>> -> memref<64x1024xf32, #tpu.memory_space<hbm>>
      %dma_wait3A_63 = arith.constant 0 : i32
      %dma_wait3A_64 = tpu.memref_slice %arg6[%add3A_16, %dma_wait3A_63] : memref<8192x1024xf32, #tpu.memory_space<hbm>> -> memref<64x1024xf32, #tpu.memory_space<hbm>>
      tpu.wait_dma2 semaphore(%run_scoped3A : memref<!tpu.dma_semaphore, #tpu.memory_space<semaphore_mem>>) src(%arg7 : memref<64x1024xf32, #tpu.memory_space<vmem>>) dst(%dma_wait3A_64 : memref<64x1024xf32, #tpu.memory_space<hbm>>)
      tpu.yield
    }) : () -> ()
    %add3A_29 = arith.constant 128 : i32
    %add3A_30 = arith.addi %mul3A_2, %add3A_29 : i32
    "tpu.region"() ({
      %run_scoped3A = tpu.sem_alloc : memref<!tpu.dma_semaphore, #tpu.memory_space<semaphore_mem>>
      %dma_start3A_57 = tpu.memref_slice %arg3[%add3A_30] : memref<8192xi32, #tpu.memory_space<hbm>> -> memref<64xi32, #tpu.memory_space<hbm>>
      %dma_start3A_58 = tpu.memref_slice %arg3[%add3A_30] : memref<8192xi32, #tpu.memory_space<hbm>> -> memref<64xi32, #tpu.memory_space<hbm>>
      tpu.enqueue_dma source(%dma_start3A_58 : memref<64xi32, #tpu.memory_space<hbm>>) target(%arg8 : memref<64xi32, #tpu.memory_space<vmem>>) target_semaphore(%run_scoped3A : memref<!tpu.dma_semaphore, #tpu.memory_space<semaphore_mem>>)
      %dma_wait3A_59 = tpu.memref_slice %arg3[%add3A_30] : memref<8192xi32, #tpu.memory_space<hbm>> -> memref<64xi32, #tpu.memory_space<hbm>>
      %dma_wait3A_60 = tpu.memref_slice %arg3[%add3A_30] : memref<8192xi32, #tpu.memory_space<hbm>> -> memref<64xi32, #tpu.memory_space<hbm>>
      tpu.wait_dma2 semaphore(%run_scoped3A : memref<!tpu.dma_semaphore, #tpu.memory_space<semaphore_mem>>) src(%dma_wait3A_60 : memref<64xi32, #tpu.memory_space<hbm>>) dst(%arg8 : memref<64xi32, #tpu.memory_space<vmem>>)
      tpu.yield
    }) : () -> ()
    %dma_start3A_31 = arith.constant 0 : i32
    %dma_start3A_32 = arith.constant 0 : i32
    %dma_start3A_33 = tpu.memref_slice %arg2[%dma_start3A_31, %dma_start3A_32] : memref<16384x1024xf32, #tpu.memory_space<hbm>> -> memref<16384x1024xf32, #tpu.memory_space<hbm>>
    tpu.enqueue_indirect_dma source(%dma_start3A_33 : memref<16384x1024xf32, #tpu.memory_space<hbm>>) target(%arg7 : memref<64x1024xf32, #tpu.memory_space<vmem>>) offsets(%arg8 : memref<64xi32, #tpu.memory_space<vmem>>) semaphore(%arg9 : memref<!tpu.dma_semaphore, #tpu.memory_space<semaphore_mem>>)
    %dma_wait3A_34 = arith.constant 0 : i32
    %dma_wait3A_35 = arith.constant 0 : i32
    %dma_wait3A_36 = tpu.memref_slice %arg2[%dma_wait3A_34, %dma_wait3A_35] : memref<16384x1024xf32, #tpu.memory_space<hbm>> -> memref<16384x1024xf32, #tpu.memory_space<hbm>>
    tpu.wait_indirect_dma semaphore(%arg9 : memref<!tpu.dma_semaphore, #tpu.memory_space<semaphore_mem>>) src(%dma_wait3A_36 : memref<16384x1024xf32, #tpu.memory_space<hbm>>) dst(%arg7 : memref<64x1024xf32, #tpu.memory_space<vmem>>)
    "tpu.region"() ({
      %run_scoped3A = tpu.sem_alloc : memref<!tpu.dma_semaphore, #tpu.memory_space<semaphore_mem>>
      %dma_start3A_57 = arith.constant 0 : i32
      %dma_start3A_58 = tpu.memref_slice %arg5[%add3A_30, %dma_start3A_57] : memref<8192x1024xf32, #tpu.memory_space<hbm>> -> memref<64x1024xf32, #tpu.memory_space<hbm>>
      %dma_start3A_59 = arith.constant 0 : i32
      %dma_start3A_60 = tpu.memref_slice %arg5[%add3A_30, %dma_start3A_59] : memref<8192x1024xf32, #tpu.memory_space<hbm>> -> memref<64x1024xf32, #tpu.memory_space<hbm>>
      tpu.enqueue_dma source(%arg7 : memref<64x1024xf32, #tpu.memory_space<vmem>>) target(%dma_start3A_60 : memref<64x1024xf32, #tpu.memory_space<hbm>>) target_semaphore(%run_scoped3A : memref<!tpu.dma_semaphore, #tpu.memory_space<semaphore_mem>>)
      %dma_wait3A_61 = arith.constant 0 : i32
      %dma_wait3A_62 = tpu.memref_slice %arg5[%add3A_30, %dma_wait3A_61] : memref<8192x1024xf32, #tpu.memory_space<hbm>> -> memref<64x1024xf32, #tpu.memory_space<hbm>>
      %dma_wait3A_63 = arith.constant 0 : i32
      %dma_wait3A_64 = tpu.memref_slice %arg5[%add3A_30, %dma_wait3A_63] : memref<8192x1024xf32, #tpu.memory_space<hbm>> -> memref<64x1024xf32, #tpu.memory_space<hbm>>
      tpu.wait_dma2 semaphore(%run_scoped3A : memref<!tpu.dma_semaphore, #tpu.memory_space<semaphore_mem>>) src(%arg7 : memref<64x1024xf32, #tpu.memory_space<vmem>>) dst(%dma_wait3A_64 : memref<64x1024xf32, #tpu.memory_space<hbm>>)
      tpu.yield
    }) : () -> ()
    "tpu.region"() ({
      %run_scoped3A = tpu.sem_alloc : memref<!tpu.dma_semaphore, #tpu.memory_space<semaphore_mem>>
      %dma_start3A_57 = tpu.memref_slice %arg4[%add3A_30] : memref<8192xi32, #tpu.memory_space<hbm>> -> memref<64xi32, #tpu.memory_space<hbm>>
      %dma_start3A_58 = tpu.memref_slice %arg4[%add3A_30] : memref<8192xi32, #tpu.memory_space<hbm>> -> memref<64xi32, #tpu.memory_space<hbm>>
      tpu.enqueue_dma source(%dma_start3A_58 : memref<64xi32, #tpu.memory_space<hbm>>) target(%arg8 : memref<64xi32, #tpu.memory_space<vmem>>) target_semaphore(%run_scoped3A : memref<!tpu.dma_semaphore, #tpu.memory_space<semaphore_mem>>)
      %dma_wait3A_59 = tpu.memref_slice %arg4[%add3A_30] : memref<8192xi32, #tpu.memory_space<hbm>> -> memref<64xi32, #tpu.memory_space<hbm>>
      %dma_wait3A_60 = tpu.memref_slice %arg4[%add3A_30] : memref<8192xi32, #tpu.memory_space<hbm>> -> memref<64xi32, #tpu.memory_space<hbm>>
      tpu.wait_dma2 semaphore(%run_scoped3A : memref<!tpu.dma_semaphore, #tpu.memory_space<semaphore_mem>>) src(%dma_wait3A_60 : memref<64xi32, #tpu.memory_space<hbm>>) dst(%arg8 : memref<64xi32, #tpu.memory_space<vmem>>)
      tpu.yield
    }) : () -> ()
    %dma_start3A_37 = arith.constant 0 : i32
    %dma_start3A_38 = arith.constant 0 : i32
    %dma_start3A_39 = tpu.memref_slice %arg2[%dma_start3A_37, %dma_start3A_38] : memref<16384x1024xf32, #tpu.memory_space<hbm>> -> memref<16384x1024xf32, #tpu.memory_space<hbm>>
    tpu.enqueue_indirect_dma source(%dma_start3A_39 : memref<16384x1024xf32, #tpu.memory_space<hbm>>) target(%arg7 : memref<64x1024xf32, #tpu.memory_space<vmem>>) offsets(%arg8 : memref<64xi32, #tpu.memory_space<vmem>>) semaphore(%arg9 : memref<!tpu.dma_semaphore, #tpu.memory_space<semaphore_mem>>)
    %dma_wait3A_40 = arith.constant 0 : i32
    %dma_wait3A_41 = arith.constant 0 : i32
    %dma_wait3A_42 = tpu.memref_slice %arg2[%dma_wait3A_40, %dma_wait3A_41] : memref<16384x1024xf32, #tpu.memory_space<hbm>> -> memref<16384x1024xf32, #tpu.memory_space<hbm>>
    tpu.wait_indirect_dma semaphore(%arg9 : memref<!tpu.dma_semaphore, #tpu.memory_space<semaphore_mem>>) src(%dma_wait3A_42 : memref<16384x1024xf32, #tpu.memory_space<hbm>>) dst(%arg7 : memref<64x1024xf32, #tpu.memory_space<vmem>>)
    "tpu.region"() ({
      %run_scoped3A = tpu.sem_alloc : memref<!tpu.dma_semaphore, #tpu.memory_space<semaphore_mem>>
      %dma_start3A_57 = arith.constant 0 : i32
      %dma_start3A_58 = tpu.memref_slice %arg6[%add3A_30, %dma_start3A_57] : memref<8192x1024xf32, #tpu.memory_space<hbm>> -> memref<64x1024xf32, #tpu.memory_space<hbm>>
      %dma_start3A_59 = arith.constant 0 : i32
      %dma_start3A_60 = tpu.memref_slice %arg6[%add3A_30, %dma_start3A_59] : memref<8192x1024xf32, #tpu.memory_space<hbm>> -> memref<64x1024xf32, #tpu.memory_space<hbm>>
      tpu.enqueue_dma source(%arg7 : memref<64x1024xf32, #tpu.memory_space<vmem>>) target(%dma_start3A_60 : memref<64x1024xf32, #tpu.memory_space<hbm>>) target_semaphore(%run_scoped3A : memref<!tpu.dma_semaphore, #tpu.memory_space<semaphore_mem>>)
      %dma_wait3A_61 = arith.constant 0 : i32
      %dma_wait3A_62 = tpu.memref_slice %arg6[%add3A_30, %dma_wait3A_61] : memref<8192x1024xf32, #tpu.memory_space<hbm>> -> memref<64x1024xf32, #tpu.memory_space<hbm>>
      %dma_wait3A_63 = arith.constant 0 : i32
      %dma_wait3A_64 = tpu.memref_slice %arg6[%add3A_30, %dma_wait3A_63] : memref<8192x1024xf32, #tpu.memory_space<hbm>> -> memref<64x1024xf32, #tpu.memory_space<hbm>>
      tpu.wait_dma2 semaphore(%run_scoped3A : memref<!tpu.dma_semaphore, #tpu.memory_space<semaphore_mem>>) src(%arg7 : memref<64x1024xf32, #tpu.memory_space<vmem>>) dst(%dma_wait3A_64 : memref<64x1024xf32, #tpu.memory_space<hbm>>)
      tpu.yield
    }) : () -> ()
    %add3A_43 = arith.constant 192 : i32
    %add3A_44 = arith.addi %mul3A_2, %add3A_43 : i32
    "tpu.region"() ({
      %run_scoped3A = tpu.sem_alloc : memref<!tpu.dma_semaphore, #tpu.memory_space<semaphore_mem>>
      %dma_start3A_57 = tpu.memref_slice %arg3[%add3A_44] : memref<8192xi32, #tpu.memory_space<hbm>> -> memref<64xi32, #tpu.memory_space<hbm>>
      %dma_start3A_58 = tpu.memref_slice %arg3[%add3A_44] : memref<8192xi32, #tpu.memory_space<hbm>> -> memref<64xi32, #tpu.memory_space<hbm>>
      tpu.enqueue_dma source(%dma_start3A_58 : memref<64xi32, #tpu.memory_space<hbm>>) target(%arg8 : memref<64xi32, #tpu.memory_space<vmem>>) target_semaphore(%run_scoped3A : memref<!tpu.dma_semaphore, #tpu.memory_space<semaphore_mem>>)
      %dma_wait3A_59 = tpu.memref_slice %arg3[%add3A_44] : memref<8192xi32, #tpu.memory_space<hbm>> -> memref<64xi32, #tpu.memory_space<hbm>>
      %dma_wait3A_60 = tpu.memref_slice %arg3[%add3A_44] : memref<8192xi32, #tpu.memory_space<hbm>> -> memref<64xi32, #tpu.memory_space<hbm>>
      tpu.wait_dma2 semaphore(%run_scoped3A : memref<!tpu.dma_semaphore, #tpu.memory_space<semaphore_mem>>) src(%dma_wait3A_60 : memref<64xi32, #tpu.memory_space<hbm>>) dst(%arg8 : memref<64xi32, #tpu.memory_space<vmem>>)
      tpu.yield
    }) : () -> ()
    %dma_start3A_45 = arith.constant 0 : i32
    %dma_start3A_46 = arith.constant 0 : i32
    %dma_start3A_47 = tpu.memref_slice %arg2[%dma_start3A_45, %dma_start3A_46] : memref<16384x1024xf32, #tpu.memory_space<hbm>> -> memref<16384x1024xf32, #tpu.memory_space<hbm>>
    tpu.enqueue_indirect_dma source(%dma_start3A_47 : memref<16384x1024xf32, #tpu.memory_space<hbm>>) target(%arg7 : memref<64x1024xf32, #tpu.memory_space<vmem>>) offsets(%arg8 : memref<64xi32, #tpu.memory_space<vmem>>) semaphore(%arg9 : memref<!tpu.dma_semaphore, #tpu.memory_space<semaphore_mem>>)
    %dma_wait3A_48 = arith.constant 0 : i32
    %dma_wait3A_49 = arith.constant 0 : i32
    %dma_wait3A_50 = tpu.memref_slice %arg2[%dma_wait3A_48, %dma_wait3A_49] : memref<16384x1024xf32, #tpu.memory_space<hbm>> -> memref<16384x1024xf32, #tpu.memory_space<hbm>>
    tpu.wait_indirect_dma semaphore(%arg9 : memref<!tpu.dma_semaphore, #tpu.memory_space<semaphore_mem>>) src(%dma_wait3A_50 : memref<16384x1024xf32, #tpu.memory_space<hbm>>) dst(%arg7 : memref<64x1024xf32, #tpu.memory_space<vmem>>)
    "tpu.region"() ({
      %run_scoped3A = tpu.sem_alloc : memref<!tpu.dma_semaphore, #tpu.memory_space<semaphore_mem>>
      %dma_start3A_57 = arith.constant 0 : i32
      %dma_start3A_58 = tpu.memref_slice %arg5[%add3A_44, %dma_start3A_57] : memref<8192x1024xf32, #tpu.memory_space<hbm>> -> memref<64x1024xf32, #tpu.memory_space<hbm>>
      %dma_start3A_59 = arith.constant 0 : i32
      %dma_start3A_60 = tpu.memref_slice %arg5[%add3A_44, %dma_start3A_59] : memref<8192x1024xf32, #tpu.memory_space<hbm>> -> memref<64x1024xf32, #tpu.memory_space<hbm>>
      tpu.enqueue_dma source(%arg7 : memref<64x1024xf32, #tpu.memory_space<vmem>>) target(%dma_start3A_60 : memref<64x1024xf32, #tpu.memory_space<hbm>>) target_semaphore(%run_scoped3A : memref<!tpu.dma_semaphore, #tpu.memory_space<semaphore_mem>>)
      %dma_wait3A_61 = arith.constant 0 : i32
      %dma_wait3A_62 = tpu.memref_slice %arg5[%add3A_44, %dma_wait3A_61] : memref<8192x1024xf32, #tpu.memory_space<hbm>> -> memref<64x1024xf32, #tpu.memory_space<hbm>>
      %dma_wait3A_63 = arith.constant 0 : i32
      %dma_wait3A_64 = tpu.memref_slice %arg5[%add3A_44, %dma_wait3A_63] : memref<8192x1024xf32, #tpu.memory_space<hbm>> -> memref<64x1024xf32, #tpu.memory_space<hbm>>
      tpu.wait_dma2 semaphore(%run_scoped3A : memref<!tpu.dma_semaphore, #tpu.memory_space<semaphore_mem>>) src(%arg7 : memref<64x1024xf32, #tpu.memory_space<vmem>>) dst(%dma_wait3A_64 : memref<64x1024xf32, #tpu.memory_space<hbm>>)
      tpu.yield
    }) : () -> ()
    "tpu.region"() ({
      %run_scoped3A = tpu.sem_alloc : memref<!tpu.dma_semaphore, #tpu.memory_space<semaphore_mem>>
      %dma_start3A_57 = tpu.memref_slice %arg4[%add3A_44] : memref<8192xi32, #tpu.memory_space<hbm>> -> memref<64xi32, #tpu.memory_space<hbm>>
      %dma_start3A_58 = tpu.memref_slice %arg4[%add3A_44] : memref<8192xi32, #tpu.memory_space<hbm>> -> memref<64xi32, #tpu.memory_space<hbm>>
      tpu.enqueue_dma source(%dma_start3A_58 : memref<64xi32, #tpu.memory_space<hbm>>) target(%arg8 : memref<64xi32, #tpu.memory_space<vmem>>) target_semaphore(%run_scoped3A : memref<!tpu.dma_semaphore, #tpu.memory_space<semaphore_mem>>)
      %dma_wait3A_59 = tpu.memref_slice %arg4[%add3A_44] : memref<8192xi32, #tpu.memory_space<hbm>> -> memref<64xi32, #tpu.memory_space<hbm>>
      %dma_wait3A_60 = tpu.memref_slice %arg4[%add3A_44] : memref<8192xi32, #tpu.memory_space<hbm>> -> memref<64xi32, #tpu.memory_space<hbm>>
      tpu.wait_dma2 semaphore(%run_scoped3A : memref<!tpu.dma_semaphore, #tpu.memory_space<semaphore_mem>>) src(%dma_wait3A_60 : memref<64xi32, #tpu.memory_space<hbm>>) dst(%arg8 : memref<64xi32, #tpu.memory_space<vmem>>)
      tpu.yield
    }) : () -> ()
    %dma_start3A_51 = arith.constant 0 : i32
    %dma_start3A_52 = arith.constant 0 : i32
    %dma_start3A_53 = tpu.memref_slice %arg2[%dma_start3A_51, %dma_start3A_52] : memref<16384x1024xf32, #tpu.memory_space<hbm>> -> memref<16384x1024xf32, #tpu.memory_space<hbm>>
    tpu.enqueue_indirect_dma source(%dma_start3A_53 : memref<16384x1024xf32, #tpu.memory_space<hbm>>) target(%arg7 : memref<64x1024xf32, #tpu.memory_space<vmem>>) offsets(%arg8 : memref<64xi32, #tpu.memory_space<vmem>>) semaphore(%arg9 : memref<!tpu.dma_semaphore, #tpu.memory_space<semaphore_mem>>)
    %dma_wait3A_54 = arith.constant 0 : i32
    %dma_wait3A_55 = arith.constant 0 : i32
    %dma_wait3A_56 = tpu.memref_slice %arg2[%dma_wait3A_54, %dma_wait3A_55] : memref<16384x1024xf32, #tpu.memory_space<hbm>> -> memref<16384x1024xf32, #tpu.memory_space<hbm>>
    tpu.wait_indirect_dma semaphore(%arg9 : memref<!tpu.dma_semaphore, #tpu.memory_space<semaphore_mem>>) src(%dma_wait3A_56 : memref<16384x1024xf32, #tpu.memory_space<hbm>>) dst(%arg7 : memref<64x1024xf32, #tpu.memory_space<vmem>>)
    "tpu.region"() ({
      %run_scoped3A = tpu.sem_alloc : memref<!tpu.dma_semaphore, #tpu.memory_space<semaphore_mem>>
      %dma_start3A_57 = arith.constant 0 : i32
      %dma_start3A_58 = tpu.memref_slice %arg6[%add3A_44, %dma_start3A_57] : memref<8192x1024xf32, #tpu.memory_space<hbm>> -> memref<64x1024xf32, #tpu.memory_space<hbm>>
      %dma_start3A_59 = arith.constant 0 : i32
      %dma_start3A_60 = tpu.memref_slice %arg6[%add3A_44, %dma_start3A_59] : memref<8192x1024xf32, #tpu.memory_space<hbm>> -> memref<64x1024xf32, #tpu.memory_space<hbm>>
      tpu.enqueue_dma source(%arg7 : memref<64x1024xf32, #tpu.memory_space<vmem>>) target(%dma_start3A_60 : memref<64x1024xf32, #tpu.memory_space<hbm>>) target_semaphore(%run_scoped3A : memref<!tpu.dma_semaphore, #tpu.memory_space<semaphore_mem>>)
      %dma_wait3A_61 = arith.constant 0 : i32
      %dma_wait3A_62 = tpu.memref_slice %arg6[%add3A_44, %dma_wait3A_61] : memref<8192x1024xf32, #tpu.memory_space<hbm>> -> memref<64x1024xf32, #tpu.memory_space<hbm>>
      %dma_wait3A_63 = arith.constant 0 : i32
      %dma_wait3A_64 = tpu.memref_slice %arg6[%add3A_44, %dma_wait3A_63] : memref<8192x1024xf32, #tpu.memory_space<hbm>> -> memref<64x1024xf32, #tpu.memory_space<hbm>>
      tpu.wait_dma2 semaphore(%run_scoped3A : memref<!tpu.dma_semaphore, #tpu.memory_space<semaphore_mem>>) src(%arg7 : memref<64x1024xf32, #tpu.memory_space<vmem>>) dst(%dma_wait3A_64 : memref<64x1024xf32, #tpu.memory_space<hbm>>)
      tpu.yield
    }) : () -> ()
    return
  }
}

#map = affine_map<(d0, d1) -> (0, 0)>
#map1 = affine_map<(d0, d1) -> (0)>
module attributes {stable_mosaic.version = 14 : i64} {
  func.func @dispatch(%arg0: i32, %arg1: i32, %arg2: memref<8192x1024xf32, #tpu.memory_space<hbm>>, %arg3: memref<8192xi32, #tpu.memory_space<hbm>>, %arg4: memref<8192xi32, #tpu.memory_space<hbm>>, %arg5: memref<16392x1024xf32, #tpu.memory_space<hbm>>, %arg6: memref<64x1024xf32, #tpu.memory_space<vmem>>, %arg7: memref<64xi32, #tpu.memory_space<vmem>>, %arg8: memref<64xi32, #tpu.memory_space<vmem>>, %arg9: memref<!tpu.dma_semaphore, #tpu.memory_space<semaphore_mem>>) attributes {dimension_semantics = [#tpu.dimension_semantics<core_parallel>, #tpu.dimension_semantics<subcore_parallel>], iteration_bounds = array<i64: 2, 16>, scalar_prefetch = 0 : i64, scratch_operands = 4 : i64, tpu.core_type = #tpu.core_type<sc_vector_subcore>, window_params = [{transform_indices = #map}, {transform_indices = #map1}, {transform_indices = #map1}, {transform_indices = #map}]} {
    %mul3A = arith.constant 2 : i32
    %mul3A_0 = arith.muli %arg1, %mul3A : i32
    %add3A = arith.addi %mul3A_0, %arg0 : i32
    %mul3A_1 = arith.constant 256 : i32
    %mul3A_2 = arith.muli %add3A, %mul3A_1 : i32
    %add3A_3 = arith.constant 0 : i32
    %add3A_4 = arith.addi %mul3A_2, %add3A_3 : i32
    "tpu.region"() ({
      %run_scoped3A = tpu.sem_alloc : memref<!tpu.dma_semaphore, #tpu.memory_space<semaphore_mem>>
      %dma_start3A_57 = arith.constant 0 : i32
      %dma_start3A_58 = tpu.memref_slice %arg2[%add3A_4, %dma_start3A_57] : memref<8192x1024xf32, #tpu.memory_space<hbm>> -> memref<64x1024xf32, #tpu.memory_space<hbm>>
      %dma_start3A_59 = arith.constant 0 : i32
      %dma_start3A_60 = tpu.memref_slice %arg2[%add3A_4, %dma_start3A_59] : memref<8192x1024xf32, #tpu.memory_space<hbm>> -> memref<64x1024xf32, #tpu.memory_space<hbm>>
      tpu.enqueue_dma source(%dma_start3A_60 : memref<64x1024xf32, #tpu.memory_space<hbm>>) target(%arg6 : memref<64x1024xf32, #tpu.memory_space<vmem>>) target_semaphore(%run_scoped3A : memref<!tpu.dma_semaphore, #tpu.memory_space<semaphore_mem>>)
      %dma_wait3A_61 = arith.constant 0 : i32
      %dma_wait3A_62 = tpu.memref_slice %arg2[%add3A_4, %dma_wait3A_61] : memref<8192x1024xf32, #tpu.memory_space<hbm>> -> memref<64x1024xf32, #tpu.memory_space<hbm>>
      %dma_wait3A_63 = arith.constant 0 : i32
      %dma_wait3A_64 = tpu.memref_slice %arg2[%add3A_4, %dma_wait3A_63] : memref<8192x1024xf32, #tpu.memory_space<hbm>> -> memref<64x1024xf32, #tpu.memory_space<hbm>>
      tpu.wait_dma2 semaphore(%run_scoped3A : memref<!tpu.dma_semaphore, #tpu.memory_space<semaphore_mem>>) src(%dma_wait3A_64 : memref<64x1024xf32, #tpu.memory_space<hbm>>) dst(%arg6 : memref<64x1024xf32, #tpu.memory_space<vmem>>)
      tpu.yield
    }) : () -> ()
    "tpu.region"() ({
      %run_scoped3A = tpu.sem_alloc : memref<!tpu.dma_semaphore, #tpu.memory_space<semaphore_mem>>
      %dma_start3A_57 = tpu.memref_slice %arg3[%add3A_4] : memref<8192xi32, #tpu.memory_space<hbm>> -> memref<64xi32, #tpu.memory_space<hbm>>
      %dma_start3A_58 = tpu.memref_slice %arg3[%add3A_4] : memref<8192xi32, #tpu.memory_space<hbm>> -> memref<64xi32, #tpu.memory_space<hbm>>
      tpu.enqueue_dma source(%dma_start3A_58 : memref<64xi32, #tpu.memory_space<hbm>>) target(%arg7 : memref<64xi32, #tpu.memory_space<vmem>>) target_semaphore(%run_scoped3A : memref<!tpu.dma_semaphore, #tpu.memory_space<semaphore_mem>>)
      %dma_wait3A_59 = tpu.memref_slice %arg3[%add3A_4] : memref<8192xi32, #tpu.memory_space<hbm>> -> memref<64xi32, #tpu.memory_space<hbm>>
      %dma_wait3A_60 = tpu.memref_slice %arg3[%add3A_4] : memref<8192xi32, #tpu.memory_space<hbm>> -> memref<64xi32, #tpu.memory_space<hbm>>
      tpu.wait_dma2 semaphore(%run_scoped3A : memref<!tpu.dma_semaphore, #tpu.memory_space<semaphore_mem>>) src(%dma_wait3A_60 : memref<64xi32, #tpu.memory_space<hbm>>) dst(%arg7 : memref<64xi32, #tpu.memory_space<vmem>>)
      tpu.yield
    }) : () -> ()
    "tpu.region"() ({
      %run_scoped3A = tpu.sem_alloc : memref<!tpu.dma_semaphore, #tpu.memory_space<semaphore_mem>>
      %dma_start3A_57 = tpu.memref_slice %arg4[%add3A_4] : memref<8192xi32, #tpu.memory_space<hbm>> -> memref<64xi32, #tpu.memory_space<hbm>>
      %dma_start3A_58 = tpu.memref_slice %arg4[%add3A_4] : memref<8192xi32, #tpu.memory_space<hbm>> -> memref<64xi32, #tpu.memory_space<hbm>>
      tpu.enqueue_dma source(%dma_start3A_58 : memref<64xi32, #tpu.memory_space<hbm>>) target(%arg8 : memref<64xi32, #tpu.memory_space<vmem>>) target_semaphore(%run_scoped3A : memref<!tpu.dma_semaphore, #tpu.memory_space<semaphore_mem>>)
      %dma_wait3A_59 = tpu.memref_slice %arg4[%add3A_4] : memref<8192xi32, #tpu.memory_space<hbm>> -> memref<64xi32, #tpu.memory_space<hbm>>
      %dma_wait3A_60 = tpu.memref_slice %arg4[%add3A_4] : memref<8192xi32, #tpu.memory_space<hbm>> -> memref<64xi32, #tpu.memory_space<hbm>>
      tpu.wait_dma2 semaphore(%run_scoped3A : memref<!tpu.dma_semaphore, #tpu.memory_space<semaphore_mem>>) src(%dma_wait3A_60 : memref<64xi32, #tpu.memory_space<hbm>>) dst(%arg8 : memref<64xi32, #tpu.memory_space<vmem>>)
      tpu.yield
    }) : () -> ()
    %dma_start3A = arith.constant 0 : i32
    %dma_start3A_5 = arith.constant 0 : i32
    %dma_start3A_6 = tpu.memref_slice %arg5[%dma_start3A, %dma_start3A_5] : memref<16392x1024xf32, #tpu.memory_space<hbm>> -> memref<16392x1024xf32, #tpu.memory_space<hbm>>
    tpu.enqueue_indirect_dma source(%arg6 : memref<64x1024xf32, #tpu.memory_space<vmem>>) target(%dma_start3A_6 : memref<16392x1024xf32, #tpu.memory_space<hbm>>) offsets(%arg7 : memref<64xi32, #tpu.memory_space<vmem>>) semaphore(%arg9 : memref<!tpu.dma_semaphore, #tpu.memory_space<semaphore_mem>>)
    %dma_wait3A = arith.constant 0 : i32
    %dma_wait3A_7 = arith.constant 0 : i32
    %dma_wait3A_8 = tpu.memref_slice %arg5[%dma_wait3A, %dma_wait3A_7] : memref<16392x1024xf32, #tpu.memory_space<hbm>> -> memref<16392x1024xf32, #tpu.memory_space<hbm>>
    tpu.wait_indirect_dma semaphore(%arg9 : memref<!tpu.dma_semaphore, #tpu.memory_space<semaphore_mem>>) src(%arg6 : memref<64x1024xf32, #tpu.memory_space<vmem>>) dst(%dma_wait3A_8 : memref<16392x1024xf32, #tpu.memory_space<hbm>>)
    %dma_start3A_9 = arith.constant 0 : i32
    %dma_start3A_10 = arith.constant 0 : i32
    %dma_start3A_11 = tpu.memref_slice %arg5[%dma_start3A_9, %dma_start3A_10] : memref<16392x1024xf32, #tpu.memory_space<hbm>> -> memref<16392x1024xf32, #tpu.memory_space<hbm>>
    tpu.enqueue_indirect_dma source(%arg6 : memref<64x1024xf32, #tpu.memory_space<vmem>>) target(%dma_start3A_11 : memref<16392x1024xf32, #tpu.memory_space<hbm>>) offsets(%arg8 : memref<64xi32, #tpu.memory_space<vmem>>) semaphore(%arg9 : memref<!tpu.dma_semaphore, #tpu.memory_space<semaphore_mem>>)
    %dma_wait3A_12 = arith.constant 0 : i32
    %dma_wait3A_13 = arith.constant 0 : i32
    %dma_wait3A_14 = tpu.memref_slice %arg5[%dma_wait3A_12, %dma_wait3A_13] : memref<16392x1024xf32, #tpu.memory_space<hbm>> -> memref<16392x1024xf32, #tpu.memory_space<hbm>>
    tpu.wait_indirect_dma semaphore(%arg9 : memref<!tpu.dma_semaphore, #tpu.memory_space<semaphore_mem>>) src(%arg6 : memref<64x1024xf32, #tpu.memory_space<vmem>>) dst(%dma_wait3A_14 : memref<16392x1024xf32, #tpu.memory_space<hbm>>)
    %add3A_15 = arith.constant 64 : i32
    %add3A_16 = arith.addi %mul3A_2, %add3A_15 : i32
    "tpu.region"() ({
      %run_scoped3A = tpu.sem_alloc : memref<!tpu.dma_semaphore, #tpu.memory_space<semaphore_mem>>
      %dma_start3A_57 = arith.constant 0 : i32
      %dma_start3A_58 = tpu.memref_slice %arg2[%add3A_16, %dma_start3A_57] : memref<8192x1024xf32, #tpu.memory_space<hbm>> -> memref<64x1024xf32, #tpu.memory_space<hbm>>
      %dma_start3A_59 = arith.constant 0 : i32
      %dma_start3A_60 = tpu.memref_slice %arg2[%add3A_16, %dma_start3A_59] : memref<8192x1024xf32, #tpu.memory_space<hbm>> -> memref<64x1024xf32, #tpu.memory_space<hbm>>
      tpu.enqueue_dma source(%dma_start3A_60 : memref<64x1024xf32, #tpu.memory_space<hbm>>) target(%arg6 : memref<64x1024xf32, #tpu.memory_space<vmem>>) target_semaphore(%run_scoped3A : memref<!tpu.dma_semaphore, #tpu.memory_space<semaphore_mem>>)
      %dma_wait3A_61 = arith.constant 0 : i32
      %dma_wait3A_62 = tpu.memref_slice %arg2[%add3A_16, %dma_wait3A_61] : memref<8192x1024xf32, #tpu.memory_space<hbm>> -> memref<64x1024xf32, #tpu.memory_space<hbm>>
      %dma_wait3A_63 = arith.constant 0 : i32
      %dma_wait3A_64 = tpu.memref_slice %arg2[%add3A_16, %dma_wait3A_63] : memref<8192x1024xf32, #tpu.memory_space<hbm>> -> memref<64x1024xf32, #tpu.memory_space<hbm>>
      tpu.wait_dma2 semaphore(%run_scoped3A : memref<!tpu.dma_semaphore, #tpu.memory_space<semaphore_mem>>) src(%dma_wait3A_64 : memref<64x1024xf32, #tpu.memory_space<hbm>>) dst(%arg6 : memref<64x1024xf32, #tpu.memory_space<vmem>>)
      tpu.yield
    }) : () -> ()
    "tpu.region"() ({
      %run_scoped3A = tpu.sem_alloc : memref<!tpu.dma_semaphore, #tpu.memory_space<semaphore_mem>>
      %dma_start3A_57 = tpu.memref_slice %arg3[%add3A_16] : memref<8192xi32, #tpu.memory_space<hbm>> -> memref<64xi32, #tpu.memory_space<hbm>>
      %dma_start3A_58 = tpu.memref_slice %arg3[%add3A_16] : memref<8192xi32, #tpu.memory_space<hbm>> -> memref<64xi32, #tpu.memory_space<hbm>>
      tpu.enqueue_dma source(%dma_start3A_58 : memref<64xi32, #tpu.memory_space<hbm>>) target(%arg7 : memref<64xi32, #tpu.memory_space<vmem>>) target_semaphore(%run_scoped3A : memref<!tpu.dma_semaphore, #tpu.memory_space<semaphore_mem>>)
      %dma_wait3A_59 = tpu.memref_slice %arg3[%add3A_16] : memref<8192xi32, #tpu.memory_space<hbm>> -> memref<64xi32, #tpu.memory_space<hbm>>
      %dma_wait3A_60 = tpu.memref_slice %arg3[%add3A_16] : memref<8192xi32, #tpu.memory_space<hbm>> -> memref<64xi32, #tpu.memory_space<hbm>>
      tpu.wait_dma2 semaphore(%run_scoped3A : memref<!tpu.dma_semaphore, #tpu.memory_space<semaphore_mem>>) src(%dma_wait3A_60 : memref<64xi32, #tpu.memory_space<hbm>>) dst(%arg7 : memref<64xi32, #tpu.memory_space<vmem>>)
      tpu.yield
    }) : () -> ()
    "tpu.region"() ({
      %run_scoped3A = tpu.sem_alloc : memref<!tpu.dma_semaphore, #tpu.memory_space<semaphore_mem>>
      %dma_start3A_57 = tpu.memref_slice %arg4[%add3A_16] : memref<8192xi32, #tpu.memory_space<hbm>> -> memref<64xi32, #tpu.memory_space<hbm>>
      %dma_start3A_58 = tpu.memref_slice %arg4[%add3A_16] : memref<8192xi32, #tpu.memory_space<hbm>> -> memref<64xi32, #tpu.memory_space<hbm>>
      tpu.enqueue_dma source(%dma_start3A_58 : memref<64xi32, #tpu.memory_space<hbm>>) target(%arg8 : memref<64xi32, #tpu.memory_space<vmem>>) target_semaphore(%run_scoped3A : memref<!tpu.dma_semaphore, #tpu.memory_space<semaphore_mem>>)
      %dma_wait3A_59 = tpu.memref_slice %arg4[%add3A_16] : memref<8192xi32, #tpu.memory_space<hbm>> -> memref<64xi32, #tpu.memory_space<hbm>>
      %dma_wait3A_60 = tpu.memref_slice %arg4[%add3A_16] : memref<8192xi32, #tpu.memory_space<hbm>> -> memref<64xi32, #tpu.memory_space<hbm>>
      tpu.wait_dma2 semaphore(%run_scoped3A : memref<!tpu.dma_semaphore, #tpu.memory_space<semaphore_mem>>) src(%dma_wait3A_60 : memref<64xi32, #tpu.memory_space<hbm>>) dst(%arg8 : memref<64xi32, #tpu.memory_space<vmem>>)
      tpu.yield
    }) : () -> ()
    %dma_start3A_17 = arith.constant 0 : i32
    %dma_start3A_18 = arith.constant 0 : i32
    %dma_start3A_19 = tpu.memref_slice %arg5[%dma_start3A_17, %dma_start3A_18] : memref<16392x1024xf32, #tpu.memory_space<hbm>> -> memref<16392x1024xf32, #tpu.memory_space<hbm>>
    tpu.enqueue_indirect_dma source(%arg6 : memref<64x1024xf32, #tpu.memory_space<vmem>>) target(%dma_start3A_19 : memref<16392x1024xf32, #tpu.memory_space<hbm>>) offsets(%arg7 : memref<64xi32, #tpu.memory_space<vmem>>) semaphore(%arg9 : memref<!tpu.dma_semaphore, #tpu.memory_space<semaphore_mem>>)
    %dma_wait3A_20 = arith.constant 0 : i32
    %dma_wait3A_21 = arith.constant 0 : i32
    %dma_wait3A_22 = tpu.memref_slice %arg5[%dma_wait3A_20, %dma_wait3A_21] : memref<16392x1024xf32, #tpu.memory_space<hbm>> -> memref<16392x1024xf32, #tpu.memory_space<hbm>>
    tpu.wait_indirect_dma semaphore(%arg9 : memref<!tpu.dma_semaphore, #tpu.memory_space<semaphore_mem>>) src(%arg6 : memref<64x1024xf32, #tpu.memory_space<vmem>>) dst(%dma_wait3A_22 : memref<16392x1024xf32, #tpu.memory_space<hbm>>)
    %dma_start3A_23 = arith.constant 0 : i32
    %dma_start3A_24 = arith.constant 0 : i32
    %dma_start3A_25 = tpu.memref_slice %arg5[%dma_start3A_23, %dma_start3A_24] : memref<16392x1024xf32, #tpu.memory_space<hbm>> -> memref<16392x1024xf32, #tpu.memory_space<hbm>>
    tpu.enqueue_indirect_dma source(%arg6 : memref<64x1024xf32, #tpu.memory_space<vmem>>) target(%dma_start3A_25 : memref<16392x1024xf32, #tpu.memory_space<hbm>>) offsets(%arg8 : memref<64xi32, #tpu.memory_space<vmem>>) semaphore(%arg9 : memref<!tpu.dma_semaphore, #tpu.memory_space<semaphore_mem>>)
    %dma_wait3A_26 = arith.constant 0 : i32
    %dma_wait3A_27 = arith.constant 0 : i32
    %dma_wait3A_28 = tpu.memref_slice %arg5[%dma_wait3A_26, %dma_wait3A_27] : memref<16392x1024xf32, #tpu.memory_space<hbm>> -> memref<16392x1024xf32, #tpu.memory_space<hbm>>
    tpu.wait_indirect_dma semaphore(%arg9 : memref<!tpu.dma_semaphore, #tpu.memory_space<semaphore_mem>>) src(%arg6 : memref<64x1024xf32, #tpu.memory_space<vmem>>) dst(%dma_wait3A_28 : memref<16392x1024xf32, #tpu.memory_space<hbm>>)
    %add3A_29 = arith.constant 128 : i32
    %add3A_30 = arith.addi %mul3A_2, %add3A_29 : i32
    "tpu.region"() ({
      %run_scoped3A = tpu.sem_alloc : memref<!tpu.dma_semaphore, #tpu.memory_space<semaphore_mem>>
      %dma_start3A_57 = arith.constant 0 : i32
      %dma_start3A_58 = tpu.memref_slice %arg2[%add3A_30, %dma_start3A_57] : memref<8192x1024xf32, #tpu.memory_space<hbm>> -> memref<64x1024xf32, #tpu.memory_space<hbm>>
      %dma_start3A_59 = arith.constant 0 : i32
      %dma_start3A_60 = tpu.memref_slice %arg2[%add3A_30, %dma_start3A_59] : memref<8192x1024xf32, #tpu.memory_space<hbm>> -> memref<64x1024xf32, #tpu.memory_space<hbm>>
      tpu.enqueue_dma source(%dma_start3A_60 : memref<64x1024xf32, #tpu.memory_space<hbm>>) target(%arg6 : memref<64x1024xf32, #tpu.memory_space<vmem>>) target_semaphore(%run_scoped3A : memref<!tpu.dma_semaphore, #tpu.memory_space<semaphore_mem>>)
      %dma_wait3A_61 = arith.constant 0 : i32
      %dma_wait3A_62 = tpu.memref_slice %arg2[%add3A_30, %dma_wait3A_61] : memref<8192x1024xf32, #tpu.memory_space<hbm>> -> memref<64x1024xf32, #tpu.memory_space<hbm>>
      %dma_wait3A_63 = arith.constant 0 : i32
      %dma_wait3A_64 = tpu.memref_slice %arg2[%add3A_30, %dma_wait3A_63] : memref<8192x1024xf32, #tpu.memory_space<hbm>> -> memref<64x1024xf32, #tpu.memory_space<hbm>>
      tpu.wait_dma2 semaphore(%run_scoped3A : memref<!tpu.dma_semaphore, #tpu.memory_space<semaphore_mem>>) src(%dma_wait3A_64 : memref<64x1024xf32, #tpu.memory_space<hbm>>) dst(%arg6 : memref<64x1024xf32, #tpu.memory_space<vmem>>)
      tpu.yield
    }) : () -> ()
    "tpu.region"() ({
      %run_scoped3A = tpu.sem_alloc : memref<!tpu.dma_semaphore, #tpu.memory_space<semaphore_mem>>
      %dma_start3A_57 = tpu.memref_slice %arg3[%add3A_30] : memref<8192xi32, #tpu.memory_space<hbm>> -> memref<64xi32, #tpu.memory_space<hbm>>
      %dma_start3A_58 = tpu.memref_slice %arg3[%add3A_30] : memref<8192xi32, #tpu.memory_space<hbm>> -> memref<64xi32, #tpu.memory_space<hbm>>
      tpu.enqueue_dma source(%dma_start3A_58 : memref<64xi32, #tpu.memory_space<hbm>>) target(%arg7 : memref<64xi32, #tpu.memory_space<vmem>>) target_semaphore(%run_scoped3A : memref<!tpu.dma_semaphore, #tpu.memory_space<semaphore_mem>>)
      %dma_wait3A_59 = tpu.memref_slice %arg3[%add3A_30] : memref<8192xi32, #tpu.memory_space<hbm>> -> memref<64xi32, #tpu.memory_space<hbm>>
      %dma_wait3A_60 = tpu.memref_slice %arg3[%add3A_30] : memref<8192xi32, #tpu.memory_space<hbm>> -> memref<64xi32, #tpu.memory_space<hbm>>
      tpu.wait_dma2 semaphore(%run_scoped3A : memref<!tpu.dma_semaphore, #tpu.memory_space<semaphore_mem>>) src(%dma_wait3A_60 : memref<64xi32, #tpu.memory_space<hbm>>) dst(%arg7 : memref<64xi32, #tpu.memory_space<vmem>>)
      tpu.yield
    }) : () -> ()
    "tpu.region"() ({
      %run_scoped3A = tpu.sem_alloc : memref<!tpu.dma_semaphore, #tpu.memory_space<semaphore_mem>>
      %dma_start3A_57 = tpu.memref_slice %arg4[%add3A_30] : memref<8192xi32, #tpu.memory_space<hbm>> -> memref<64xi32, #tpu.memory_space<hbm>>
      %dma_start3A_58 = tpu.memref_slice %arg4[%add3A_30] : memref<8192xi32, #tpu.memory_space<hbm>> -> memref<64xi32, #tpu.memory_space<hbm>>
      tpu.enqueue_dma source(%dma_start3A_58 : memref<64xi32, #tpu.memory_space<hbm>>) target(%arg8 : memref<64xi32, #tpu.memory_space<vmem>>) target_semaphore(%run_scoped3A : memref<!tpu.dma_semaphore, #tpu.memory_space<semaphore_mem>>)
      %dma_wait3A_59 = tpu.memref_slice %arg4[%add3A_30] : memref<8192xi32, #tpu.memory_space<hbm>> -> memref<64xi32, #tpu.memory_space<hbm>>
      %dma_wait3A_60 = tpu.memref_slice %arg4[%add3A_30] : memref<8192xi32, #tpu.memory_space<hbm>> -> memref<64xi32, #tpu.memory_space<hbm>>
      tpu.wait_dma2 semaphore(%run_scoped3A : memref<!tpu.dma_semaphore, #tpu.memory_space<semaphore_mem>>) src(%dma_wait3A_60 : memref<64xi32, #tpu.memory_space<hbm>>) dst(%arg8 : memref<64xi32, #tpu.memory_space<vmem>>)
      tpu.yield
    }) : () -> ()
    %dma_start3A_31 = arith.constant 0 : i32
    %dma_start3A_32 = arith.constant 0 : i32
    %dma_start3A_33 = tpu.memref_slice %arg5[%dma_start3A_31, %dma_start3A_32] : memref<16392x1024xf32, #tpu.memory_space<hbm>> -> memref<16392x1024xf32, #tpu.memory_space<hbm>>
    tpu.enqueue_indirect_dma source(%arg6 : memref<64x1024xf32, #tpu.memory_space<vmem>>) target(%dma_start3A_33 : memref<16392x1024xf32, #tpu.memory_space<hbm>>) offsets(%arg7 : memref<64xi32, #tpu.memory_space<vmem>>) semaphore(%arg9 : memref<!tpu.dma_semaphore, #tpu.memory_space<semaphore_mem>>)
    %dma_wait3A_34 = arith.constant 0 : i32
    %dma_wait3A_35 = arith.constant 0 : i32
    %dma_wait3A_36 = tpu.memref_slice %arg5[%dma_wait3A_34, %dma_wait3A_35] : memref<16392x1024xf32, #tpu.memory_space<hbm>> -> memref<16392x1024xf32, #tpu.memory_space<hbm>>
    tpu.wait_indirect_dma semaphore(%arg9 : memref<!tpu.dma_semaphore, #tpu.memory_space<semaphore_mem>>) src(%arg6 : memref<64x1024xf32, #tpu.memory_space<vmem>>) dst(%dma_wait3A_36 : memref<16392x1024xf32, #tpu.memory_space<hbm>>)
    %dma_start3A_37 = arith.constant 0 : i32
    %dma_start3A_38 = arith.constant 0 : i32
    %dma_start3A_39 = tpu.memref_slice %arg5[%dma_start3A_37, %dma_start3A_38] : memref<16392x1024xf32, #tpu.memory_space<hbm>> -> memref<16392x1024xf32, #tpu.memory_space<hbm>>
    tpu.enqueue_indirect_dma source(%arg6 : memref<64x1024xf32, #tpu.memory_space<vmem>>) target(%dma_start3A_39 : memref<16392x1024xf32, #tpu.memory_space<hbm>>) offsets(%arg8 : memref<64xi32, #tpu.memory_space<vmem>>) semaphore(%arg9 : memref<!tpu.dma_semaphore, #tpu.memory_space<semaphore_mem>>)
    %dma_wait3A_40 = arith.constant 0 : i32
    %dma_wait3A_41 = arith.constant 0 : i32
    %dma_wait3A_42 = tpu.memref_slice %arg5[%dma_wait3A_40, %dma_wait3A_41] : memref<16392x1024xf32, #tpu.memory_space<hbm>> -> memref<16392x1024xf32, #tpu.memory_space<hbm>>
    tpu.wait_indirect_dma semaphore(%arg9 : memref<!tpu.dma_semaphore, #tpu.memory_space<semaphore_mem>>) src(%arg6 : memref<64x1024xf32, #tpu.memory_space<vmem>>) dst(%dma_wait3A_42 : memref<16392x1024xf32, #tpu.memory_space<hbm>>)
    %add3A_43 = arith.constant 192 : i32
    %add3A_44 = arith.addi %mul3A_2, %add3A_43 : i32
    "tpu.region"() ({
      %run_scoped3A = tpu.sem_alloc : memref<!tpu.dma_semaphore, #tpu.memory_space<semaphore_mem>>
      %dma_start3A_57 = arith.constant 0 : i32
      %dma_start3A_58 = tpu.memref_slice %arg2[%add3A_44, %dma_start3A_57] : memref<8192x1024xf32, #tpu.memory_space<hbm>> -> memref<64x1024xf32, #tpu.memory_space<hbm>>
      %dma_start3A_59 = arith.constant 0 : i32
      %dma_start3A_60 = tpu.memref_slice %arg2[%add3A_44, %dma_start3A_59] : memref<8192x1024xf32, #tpu.memory_space<hbm>> -> memref<64x1024xf32, #tpu.memory_space<hbm>>
      tpu.enqueue_dma source(%dma_start3A_60 : memref<64x1024xf32, #tpu.memory_space<hbm>>) target(%arg6 : memref<64x1024xf32, #tpu.memory_space<vmem>>) target_semaphore(%run_scoped3A : memref<!tpu.dma_semaphore, #tpu.memory_space<semaphore_mem>>)
      %dma_wait3A_61 = arith.constant 0 : i32
      %dma_wait3A_62 = tpu.memref_slice %arg2[%add3A_44, %dma_wait3A_61] : memref<8192x1024xf32, #tpu.memory_space<hbm>> -> memref<64x1024xf32, #tpu.memory_space<hbm>>
      %dma_wait3A_63 = arith.constant 0 : i32
      %dma_wait3A_64 = tpu.memref_slice %arg2[%add3A_44, %dma_wait3A_63] : memref<8192x1024xf32, #tpu.memory_space<hbm>> -> memref<64x1024xf32, #tpu.memory_space<hbm>>
      tpu.wait_dma2 semaphore(%run_scoped3A : memref<!tpu.dma_semaphore, #tpu.memory_space<semaphore_mem>>) src(%dma_wait3A_64 : memref<64x1024xf32, #tpu.memory_space<hbm>>) dst(%arg6 : memref<64x1024xf32, #tpu.memory_space<vmem>>)
      tpu.yield
    }) : () -> ()
    "tpu.region"() ({
      %run_scoped3A = tpu.sem_alloc : memref<!tpu.dma_semaphore, #tpu.memory_space<semaphore_mem>>
      %dma_start3A_57 = tpu.memref_slice %arg3[%add3A_44] : memref<8192xi32, #tpu.memory_space<hbm>> -> memref<64xi32, #tpu.memory_space<hbm>>
      %dma_start3A_58 = tpu.memref_slice %arg3[%add3A_44] : memref<8192xi32, #tpu.memory_space<hbm>> -> memref<64xi32, #tpu.memory_space<hbm>>
      tpu.enqueue_dma source(%dma_start3A_58 : memref<64xi32, #tpu.memory_space<hbm>>) target(%arg7 : memref<64xi32, #tpu.memory_space<vmem>>) target_semaphore(%run_scoped3A : memref<!tpu.dma_semaphore, #tpu.memory_space<semaphore_mem>>)
      %dma_wait3A_59 = tpu.memref_slice %arg3[%add3A_44] : memref<8192xi32, #tpu.memory_space<hbm>> -> memref<64xi32, #tpu.memory_space<hbm>>
      %dma_wait3A_60 = tpu.memref_slice %arg3[%add3A_44] : memref<8192xi32, #tpu.memory_space<hbm>> -> memref<64xi32, #tpu.memory_space<hbm>>
      tpu.wait_dma2 semaphore(%run_scoped3A : memref<!tpu.dma_semaphore, #tpu.memory_space<semaphore_mem>>) src(%dma_wait3A_60 : memref<64xi32, #tpu.memory_space<hbm>>) dst(%arg7 : memref<64xi32, #tpu.memory_space<vmem>>)
      tpu.yield
    }) : () -> ()
    "tpu.region"() ({
      %run_scoped3A = tpu.sem_alloc : memref<!tpu.dma_semaphore, #tpu.memory_space<semaphore_mem>>
      %dma_start3A_57 = tpu.memref_slice %arg4[%add3A_44] : memref<8192xi32, #tpu.memory_space<hbm>> -> memref<64xi32, #tpu.memory_space<hbm>>
      %dma_start3A_58 = tpu.memref_slice %arg4[%add3A_44] : memref<8192xi32, #tpu.memory_space<hbm>> -> memref<64xi32, #tpu.memory_space<hbm>>
      tpu.enqueue_dma source(%dma_start3A_58 : memref<64xi32, #tpu.memory_space<hbm>>) target(%arg8 : memref<64xi32, #tpu.memory_space<vmem>>) target_semaphore(%run_scoped3A : memref<!tpu.dma_semaphore, #tpu.memory_space<semaphore_mem>>)
      %dma_wait3A_59 = tpu.memref_slice %arg4[%add3A_44] : memref<8192xi32, #tpu.memory_space<hbm>> -> memref<64xi32, #tpu.memory_space<hbm>>
      %dma_wait3A_60 = tpu.memref_slice %arg4[%add3A_44] : memref<8192xi32, #tpu.memory_space<hbm>> -> memref<64xi32, #tpu.memory_space<hbm>>
      tpu.wait_dma2 semaphore(%run_scoped3A : memref<!tpu.dma_semaphore, #tpu.memory_space<semaphore_mem>>) src(%dma_wait3A_60 : memref<64xi32, #tpu.memory_space<hbm>>) dst(%arg8 : memref<64xi32, #tpu.memory_space<vmem>>)
      tpu.yield
    }) : () -> ()
    %dma_start3A_45 = arith.constant 0 : i32
    %dma_start3A_46 = arith.constant 0 : i32
    %dma_start3A_47 = tpu.memref_slice %arg5[%dma_start3A_45, %dma_start3A_46] : memref<16392x1024xf32, #tpu.memory_space<hbm>> -> memref<16392x1024xf32, #tpu.memory_space<hbm>>
    tpu.enqueue_indirect_dma source(%arg6 : memref<64x1024xf32, #tpu.memory_space<vmem>>) target(%dma_start3A_47 : memref<16392x1024xf32, #tpu.memory_space<hbm>>) offsets(%arg7 : memref<64xi32, #tpu.memory_space<vmem>>) semaphore(%arg9 : memref<!tpu.dma_semaphore, #tpu.memory_space<semaphore_mem>>)
    %dma_wait3A_48 = arith.constant 0 : i32
    %dma_wait3A_49 = arith.constant 0 : i32
    %dma_wait3A_50 = tpu.memref_slice %arg5[%dma_wait3A_48, %dma_wait3A_49] : memref<16392x1024xf32, #tpu.memory_space<hbm>> -> memref<16392x1024xf32, #tpu.memory_space<hbm>>
    tpu.wait_indirect_dma semaphore(%arg9 : memref<!tpu.dma_semaphore, #tpu.memory_space<semaphore_mem>>) src(%arg6 : memref<64x1024xf32, #tpu.memory_space<vmem>>) dst(%dma_wait3A_50 : memref<16392x1024xf32, #tpu.memory_space<hbm>>)
    %dma_start3A_51 = arith.constant 0 : i32
    %dma_start3A_52 = arith.constant 0 : i32
    %dma_start3A_53 = tpu.memref_slice %arg5[%dma_start3A_51, %dma_start3A_52] : memref<16392x1024xf32, #tpu.memory_space<hbm>> -> memref<16392x1024xf32, #tpu.memory_space<hbm>>
    tpu.enqueue_indirect_dma source(%arg6 : memref<64x1024xf32, #tpu.memory_space<vmem>>) target(%dma_start3A_53 : memref<16392x1024xf32, #tpu.memory_space<hbm>>) offsets(%arg8 : memref<64xi32, #tpu.memory_space<vmem>>) semaphore(%arg9 : memref<!tpu.dma_semaphore, #tpu.memory_space<semaphore_mem>>)
    %dma_wait3A_54 = arith.constant 0 : i32
    %dma_wait3A_55 = arith.constant 0 : i32
    %dma_wait3A_56 = tpu.memref_slice %arg5[%dma_wait3A_54, %dma_wait3A_55] : memref<16392x1024xf32, #tpu.memory_space<hbm>> -> memref<16392x1024xf32, #tpu.memory_space<hbm>>
    tpu.wait_indirect_dma semaphore(%arg9 : memref<!tpu.dma_semaphore, #tpu.memory_space<semaphore_mem>>) src(%arg6 : memref<64x1024xf32, #tpu.memory_space<vmem>>) dst(%dma_wait3A_56 : memref<16392x1024xf32, #tpu.memory_space<hbm>>)
    return
  }
}

module attributes {stable_mosaic.version = 14 : i64} {
  func.func @_router_body(%arg0: i32, %arg1: memref<256x1024xf32, #tpu.memory_space<vmem>>, %arg2: memref<256x8xf32, #tpu.memory_space<vmem>>, %arg3: memref<8x1024xf32, #tpu.memory_space<vmem>>, %arg4: memref<1x8xf32, #tpu.memory_space<vmem>>, %arg5: memref<8x1024xf32, #tpu.memory_space<vmem>>, %arg6: memref<1x8xf32, #tpu.memory_space<vmem>>, %arg7: memref<256x1xi32, #tpu.memory_space<vmem>>, %arg8: memref<256x1xi32, #tpu.memory_space<vmem>>, %arg9: memref<256x1xi32, #tpu.memory_space<vmem>>, %arg10: memref<256x1xi32, #tpu.memory_space<vmem>>, %arg11: memref<256x1xf32, #tpu.memory_space<vmem>>, %arg12: memref<256x1xf32, #tpu.memory_space<vmem>>, %arg13: memref<1x8xf32, #tpu.memory_space<vmem>>) attributes {dimension_semantics = [#tpu.dimension_semantics<arbitrary>], iteration_bounds = array<i64: 32>, scalar_prefetch = 0 : i64, scratch_operands = 1 : i64, tpu.core_type = #tpu.core_type<tc>, window_params = [{transform_indices = @transform_0, window_bounds = array<i64: 256, 1024>}, {transform_indices = @transform_1, window_bounds = array<i64: 256, 8>}, {pipeline_mode = #tpu.pipeline_mode<synchronous>, transform_indices = @transform_2, window_bounds = array<i64: 8, 1024>}, {pipeline_mode = #tpu.pipeline_mode<synchronous>, transform_indices = @transform_3, window_bounds = array<i64: 1, 8>}, {pipeline_mode = #tpu.pipeline_mode<synchronous>, transform_indices = @transform_4, window_bounds = array<i64: 8, 1024>}, {pipeline_mode = #tpu.pipeline_mode<synchronous>, transform_indices = @transform_5, window_bounds = array<i64: 1, 8>}, {transform_indices = @transform_6, window_bounds = array<i64: 256, 1>}, {transform_indices = @transform_7, window_bounds = array<i64: 256, 1>}, {transform_indices = @transform_8, window_bounds = array<i64: 256, 1>}, {transform_indices = @transform_9, window_bounds = array<i64: 256, 1>}, {transform_indices = @transform_10, window_bounds = array<i64: 256, 1>}, {transform_indices = @transform_11, window_bounds = array<i64: 256, 1>}]} {
    %eq3A = arith.constant 0 : i32
    %eq3A_0 = arith.cmpi eq, %arg0, %eq3A : i32
    %convert_element_type3A = arith.extui %eq3A_0 : i1 to i32
    %cond3A = arith.constant 0 : i32
    %cond3A_1 = arith.cmpi ne, %convert_element_type3A, %cond3A : i32
    scf.if %cond3A_1 {
      %broadcast_in_dim3A_144 = arith.constant 0.000000e+00 : f32
      %broadcast_in_dim3A_145 = vector.broadcast %broadcast_in_dim3A_144 : f32 to vector<1x8xf32>
      %swap3A_146 = arith.constant 0 : index
      %swap3A_147 = arith.constant 0 : index
      %swap3A_148 = vector.load %arg13[%swap3A_146, %swap3A_147] : memref<1x8xf32, #tpu.memory_space<vmem>>, vector<1x8xf32>
      tpu.vector_store %arg13[%swap3A_146, %swap3A_147], %broadcast_in_dim3A_145 {strides = array<i32>} : memref<1x8xf32, #tpu.memory_space<vmem>>, vector<1x8xf32>,
    } else {
    }
    %get3A = arith.constant 0 : index
    %get3A_2 = arith.constant 0 : index
    %get3A_3 = vector.load %arg1[%get3A, %get3A_2] : memref<256x1024xf32, #tpu.memory_space<vmem>>, vector<256x1024xf32>
    %get3A_4 = arith.constant 0 : index
    %get3A_5 = arith.constant 0 : index
    %get3A_6 = vector.load %arg3[%get3A_4, %get3A_5] : memref<8x1024xf32, #tpu.memory_space<vmem>>, vector<8x1024xf32>
    %dot_general3A = arith.constant dense<0.000000e+00> : vector<256x8xf32>
    %dot_general3A_7 = tpu.matmul %get3A_3, %get3A_6, %dot_general3A {dimension_numbers = #tpu.dot_dimension_numbers<[1], [1], [0], [0], [0, 0, 1, 0], [], []>, transpose_lhs_hint = false} : vector<256x1024xf32>, vector<8x1024xf32>, vector<256x8xf32> -> vector<256x8xf32>
    %get3A_8 = arith.constant 0 : index
    %get3A_9 = arith.constant 0 : index
    %get3A_10 = vector.load %arg4[%get3A_8, %get3A_9] : memref<1x8xf32, #tpu.memory_space<vmem>>, vector<1x8xf32>
    %add3A = vector.broadcast %get3A_10 : vector<1x8xf32> to vector<256x8xf32>
    %add3A_11 = arith.addf %dot_general3A_7, %add3A : vector<256x8xf32>
    %get3A_12 = arith.constant 0 : index
    %get3A_13 = arith.constant 0 : index
    %get3A_14 = vector.load %arg5[%get3A_12, %get3A_13] : memref<8x1024xf32, #tpu.memory_space<vmem>>, vector<8x1024xf32>
    %dot_general3A_15 = arith.constant dense<0.000000e+00> : vector<256x8xf32>
    %dot_general3A_16 = tpu.matmul %get3A_3, %get3A_14, %dot_general3A_15 {dimension_numbers = #tpu.dot_dimension_numbers<[1], [1], [0], [0], [0, 0, 1, 0], [], []>, transpose_lhs_hint = false} : vector<256x1024xf32>, vector<8x1024xf32>, vector<256x8xf32> -> vector<256x8xf32>
    %get3A_17 = arith.constant 0 : index
    %get3A_18 = arith.constant 0 : index
    %get3A_19 = vector.load %arg6[%get3A_17, %get3A_18] : memref<1x8xf32, #tpu.memory_space<vmem>>, vector<1x8xf32>
    %add3A_20 = vector.broadcast %get3A_19 : vector<1x8xf32> to vector<256x8xf32>
    %add3A_21 = arith.addf %dot_general3A_16, %add3A_20 : vector<256x8xf32>
    %max3A = arith.constant 0.000000e+00 : f32
    %max3A_22 = vector.broadcast %max3A : f32 to vector<256x8xf32>
    %max3A_23 = arith.maximumf %add3A_21, %max3A_22 : vector<256x8xf32>
    %abs3A = math.absf %add3A_21 : vector<256x8xf32>
    %neg3A = arith.constant 0.000000e+00 : f32
    %neg3A_24 = vector.broadcast %neg3A : f32 to vector<256x8xf32>
    %neg3A_25 = arith.subf %neg3A_24, %abs3A : vector<256x8xf32>
    %exp3A = math.exp %neg3A_25 : vector<256x8xf32>
    %log1p3A = math.log1p %exp3A : vector<256x8xf32>
    %add3A_26 = arith.addf %max3A_23, %log1p3A : vector<256x8xf32>
    %get3A_27 = arith.constant 0 : index
    %get3A_28 = arith.constant 0 : index
    %get3A_29 = vector.load %arg2[%get3A_27, %get3A_28] : memref<256x8xf32, #tpu.memory_space<vmem>>, vector<256x8xf32>
    %mul3A = arith.mulf %get3A_29, %add3A_26 : vector<256x8xf32>
    %add3A_30 = arith.addf %add3A_11, %mul3A : vector<256x8xf32>
    %iota3A = tpu.iota {dimensions = array<i32: 1>} : vector<256x8xi32>
    %reduce_max3A = arith.constant dense<0xFF800000> : vector<256xf32>
    %reduce_max3A_31 = vector.multi_reduction <maximumf>, %add3A_30, %reduce_max3A [1] : vector<256x8xf32> to vector<256xf32>
    %broadcast_in_dim3A = vector.shape_cast %reduce_max3A_31 : vector<256xf32> to vector<256x1xf32>
    %eq3A_32 = vector.broadcast %broadcast_in_dim3A : vector<256x1xf32> to vector<256x8xf32>
    %eq3A_33 = arith.cmpf oeq, %add3A_30, %eq3A_32 : vector<256x8xf32>
    %jit3A = arith.constant 8 : i32
    %broadcast_in_dim3A_34 = vector.broadcast %jit3A : i32 to vector<256x8xi32>
    %select_n3A = arith.select %eq3A_33, %iota3A, %broadcast_in_dim3A_34 : vector<256x8xi1>, vector<256x8xi32>
    %reduce_min3A = arith.constant dense<2147483647> : vector<256xi32>
    %reduce_min3A_35 = vector.multi_reduction <minsi>, %select_n3A, %reduce_min3A [1] : vector<256x8xi32> to vector<256xi32>
    %broadcast_in_dim3A_36 = vector.shape_cast %reduce_min3A_35 : vector<256xi32> to vector<256x1xi32>
    %eq3A_37 = vector.broadcast %broadcast_in_dim3A_36 : vector<256x1xi32> to vector<256x8xi32>
    %eq3A_38 = arith.cmpi eq, %iota3A, %eq3A_37 : vector<256x8xi32>
    %jit3A_39 = arith.constant 0xFF800000 : f32
    %broadcast_in_dim3A_40 = vector.broadcast %jit3A_39 : f32 to vector<256x8xf32>
    %select_n3A_41 = arith.select %eq3A_38, %broadcast_in_dim3A_40, %add3A_30 : vector<256x8xi1>, vector<256x8xf32>
    %reduce_max3A_42 = arith.constant dense<0xFF800000> : vector<256xf32>
    %reduce_max3A_43 = vector.multi_reduction <maximumf>, %select_n3A_41, %reduce_max3A_42 [1] : vector<256x8xf32> to vector<256xf32>
    %broadcast_in_dim3A_44 = vector.shape_cast %reduce_max3A_43 : vector<256xf32> to vector<256x1xf32>
    %eq3A_45 = vector.broadcast %broadcast_in_dim3A_44 : vector<256x1xf32> to vector<256x8xf32>
    %eq3A_46 = arith.cmpf oeq, %select_n3A_41, %eq3A_45 : vector<256x8xf32>
    %jit3A_47 = arith.constant 8 : i32
    %broadcast_in_dim3A_48 = vector.broadcast %jit3A_47 : i32 to vector<256x8xi32>
    %select_n3A_49 = arith.select %eq3A_46, %iota3A, %broadcast_in_dim3A_48 : vector<256x8xi1>, vector<256x8xi32>
    %reduce_min3A_50 = arith.constant dense<2147483647> : vector<256xi32>
    %reduce_min3A_51 = vector.multi_reduction <minsi>, %select_n3A_49, %reduce_min3A_50 [1] : vector<256x8xi32> to vector<256xi32>
    %broadcast_in_dim3A_52 = vector.shape_cast %reduce_min3A_51 : vector<256xi32> to vector<256x1xi32>
    %eq3A_53 = vector.broadcast %broadcast_in_dim3A_52 : vector<256x1xi32> to vector<256x8xi32>
    %eq3A_54 = arith.cmpi eq, %iota3A, %eq3A_53 : vector<256x8xi32>
    %sub3A = arith.subf %broadcast_in_dim3A_44, %broadcast_in_dim3A : vector<256x1xf32>
    %exp3A_55 = math.exp %sub3A : vector<256x1xf32>
    %add3A_56 = arith.constant 1.000000e+00 : f32
    %add3A_57 = vector.broadcast %add3A_56 : f32 to vector<256x1xf32>
    %add3A_58 = arith.addf %add3A_57, %exp3A_55 : vector<256x1xf32>
    %div3A = arith.constant 1.000000e+00 : f32
    %div3A_59 = vector.broadcast %div3A : f32 to vector<256x1xf32>
    %div3A_60 = arith.divf %div3A_59, %add3A_58 : vector<256x1xf32>
    %div3A_61 = arith.divf %exp3A_55, %add3A_58 : vector<256x1xf32>
    %or3A = arith.ori %eq3A_38, %eq3A_54 : vector<256x8xi1>
    %convert_element_type3A_62 = arith.extui %or3A : vector<256x8xi1> to vector<256x8xi32>
    %convert_element_type3A_63 = arith.sitofp %convert_element_type3A_62 : vector<256x8xi32> to vector<256x8xf32>
    %iota3A_64 = tpu.iota {dimensions = array<i32: 0>} : vector<256x256xi32>
    %iota3A_65 = tpu.iota {dimensions = array<i32: 1>} : vector<256x256xi32>
    %lt3A = arith.cmpi slt, %iota3A_65, %iota3A_64 : vector<256x256xi32>
    %convert_element_type3A_66 = arith.extui %lt3A : vector<256x256xi1> to vector<256x256xi32>
    %convert_element_type3A_67 = arith.sitofp %convert_element_type3A_66 : vector<256x256xi32> to vector<256x256xf32>
    %dot_general3A_68 = arith.constant dense<0.000000e+00> : vector<256x8xf32>
    %dot_general3A_69 = tpu.matmul %convert_element_type3A_67, %convert_element_type3A_63, %dot_general3A_68 {dimension_numbers = #tpu.dot_dimension_numbers<[1], [0], [0], [1], [0, 0, 1, 1], [], []>, transpose_lhs_hint = false} : vector<256x256xf32>, vector<256x8xf32>, vector<256x8xf32> -> vector<256x8xf32>
    %get3A_70 = arith.constant 0 : index
    %get3A_71 = arith.constant 0 : index
    %get3A_72 = vector.load %arg13[%get3A_70, %get3A_71] : memref<1x8xf32, #tpu.memory_space<vmem>>, vector<1x8xf32>
    %add3A_73 = vector.broadcast %get3A_72 : vector<1x8xf32> to vector<256x8xf32>
    %add3A_74 = arith.addf %dot_general3A_69, %add3A_73 : vector<256x8xf32>
    %reduce_sum3A = arith.constant dense<0.000000e+00> : vector<8xf32>
    %reduce_sum3A_75 = vector.multi_reduction <add>, %convert_element_type3A_63, %reduce_sum3A [0] : vector<256x8xf32> to vector<8xf32>
    %broadcast_in_dim3A_76 = vector.shape_cast %reduce_sum3A_75 : vector<8xf32> to vector<1x8xf32>
    %add3A_77 = arith.addf %get3A_72, %broadcast_in_dim3A_76 : vector<1x8xf32>
    %swap3A = arith.constant 0 : index
    %swap3A_78 = arith.constant 0 : index
    %swap3A_79 = vector.load %arg13[%swap3A, %swap3A_78] : memref<1x8xf32, #tpu.memory_space<vmem>>, vector<1x8xf32>
    tpu.vector_store %arg13[%swap3A, %swap3A_78], %add3A_77 {strides = array<i32>} : memref<1x8xf32, #tpu.memory_space<vmem>>, vector<1x8xf32>,
    %jit3A_80 = arith.constant 0.000000e+00 : f32
    %broadcast_in_dim3A_81 = vector.broadcast %jit3A_80 : f32 to vector<256x8xf32>
    %select_n3A_82 = arith.select %eq3A_38, %add3A_74, %broadcast_in_dim3A_81 : vector<256x8xi1>, vector<256x8xf32>
    %reduce_sum3A_83 = arith.constant dense<0.000000e+00> : vector<256xf32>
    %reduce_sum3A_84 = vector.multi_reduction <add>, %select_n3A_82, %reduce_sum3A_83 [1] : vector<256x8xf32> to vector<256xf32>
    %broadcast_in_dim3A_85 = vector.shape_cast %reduce_sum3A_84 : vector<256xf32> to vector<256x1xf32>
    %convert_element_type3A_86 = arith.fptosi %broadcast_in_dim3A_85 : vector<256x1xf32> to vector<256x1xi32>
    %jit3A_87 = arith.constant 0.000000e+00 : f32
    %broadcast_in_dim3A_88 = vector.broadcast %jit3A_87 : f32 to vector<256x8xf32>
    %select_n3A_89 = arith.select %eq3A_54, %add3A_74, %broadcast_in_dim3A_88 : vector<256x8xi1>, vector<256x8xf32>
    %reduce_sum3A_90 = arith.constant dense<0.000000e+00> : vector<256xf32>
    %reduce_sum3A_91 = vector.multi_reduction <add>, %select_n3A_89, %reduce_sum3A_90 [1] : vector<256x8xf32> to vector<256xf32>
    %broadcast_in_dim3A_92 = vector.shape_cast %reduce_sum3A_91 : vector<256xf32> to vector<256x1xf32>
    %convert_element_type3A_93 = arith.fptosi %broadcast_in_dim3A_92 : vector<256x1xf32> to vector<256x1xi32>
    %mul3A_94 = arith.constant 2048 : i32
    %mul3A_95 = vector.broadcast %mul3A_94 : i32 to vector<256x1xi32>
    %mul3A_96 = arith.muli %broadcast_in_dim3A_36, %mul3A_95 : vector<256x1xi32>
    %add3A_97 = arith.addi %mul3A_96, %convert_element_type3A_86 : vector<256x1xi32>
    %mul3A_98 = arith.constant 2048 : i32
    %mul3A_99 = vector.broadcast %mul3A_98 : i32 to vector<256x1xi32>
    %mul3A_100 = arith.muli %broadcast_in_dim3A_52, %mul3A_99 : vector<256x1xi32>
    %add3A_101 = arith.addi %mul3A_100, %convert_element_type3A_93 : vector<256x1xi32>
    %lt3A_102 = arith.constant 2048 : i32
    %lt3A_103 = vector.broadcast %lt3A_102 : i32 to vector<256x1xi32>
    %lt3A_104 = arith.cmpi slt, %convert_element_type3A_86, %lt3A_103 : vector<256x1xi32>
    %lt3A_105 = arith.constant 2048 : i32
    %lt3A_106 = vector.broadcast %lt3A_105 : i32 to vector<256x1xi32>
    %lt3A_107 = arith.cmpi slt, %convert_element_type3A_93, %lt3A_106 : vector<256x1xi32>
    %jit3A_108 = arith.constant 16384 : i32
    %broadcast_in_dim3A_109 = vector.broadcast %jit3A_108 : i32 to vector<256x1xi32>
    %select_n3A_110 = arith.select %lt3A_104, %add3A_97, %broadcast_in_dim3A_109 : vector<256x1xi1>, vector<256x1xi32>
    %swap3A_111 = arith.constant 0 : index
    %swap3A_112 = arith.constant 0 : index
    %swap3A_113 = vector.load %arg7[%swap3A_111, %swap3A_112] : memref<256x1xi32, #tpu.memory_space<vmem>>, vector<256x1xi32>
    tpu.vector_store %arg7[%swap3A_111, %swap3A_112], %select_n3A_110 {strides = array<i32>} : memref<256x1xi32, #tpu.memory_space<vmem>>, vector<256x1xi32>,
    %jit3A_114 = arith.constant 16384 : i32
    %broadcast_in_dim3A_115 = vector.broadcast %jit3A_114 : i32 to vector<256x1xi32>
    %select_n3A_116 = arith.select %lt3A_107, %add3A_101, %broadcast_in_dim3A_115 : vector<256x1xi1>, vector<256x1xi32>
    %swap3A_117 = arith.constant 0 : index
    %swap3A_118 = arith.constant 0 : index
    %swap3A_119 = vector.load %arg8[%swap3A_117, %swap3A_118] : memref<256x1xi32, #tpu.memory_space<vmem>>, vector<256x1xi32>
    tpu.vector_store %arg8[%swap3A_117, %swap3A_118], %select_n3A_116 {strides = array<i32>} : memref<256x1xi32, #tpu.memory_space<vmem>>, vector<256x1xi32>,
    %jit3A_120 = arith.constant 0 : i32
    %broadcast_in_dim3A_121 = vector.broadcast %jit3A_120 : i32 to vector<256x1xi32>
    %select_n3A_122 = arith.select %lt3A_104, %add3A_97, %broadcast_in_dim3A_121 : vector<256x1xi1>, vector<256x1xi32>
    %swap3A_123 = arith.constant 0 : index
    %swap3A_124 = arith.constant 0 : index
    %swap3A_125 = vector.load %arg9[%swap3A_123, %swap3A_124] : memref<256x1xi32, #tpu.memory_space<vmem>>, vector<256x1xi32>
    tpu.vector_store %arg9[%swap3A_123, %swap3A_124], %select_n3A_122 {strides = array<i32>} : memref<256x1xi32, #tpu.memory_space<vmem>>, vector<256x1xi32>,
    %jit3A_126 = arith.constant 0 : i32
    %broadcast_in_dim3A_127 = vector.broadcast %jit3A_126 : i32 to vector<256x1xi32>
    %select_n3A_128 = arith.select %lt3A_107, %add3A_101, %broadcast_in_dim3A_127 : vector<256x1xi1>, vector<256x1xi32>
    %swap3A_129 = arith.constant 0 : index
    %swap3A_130 = arith.constant 0 : index
    %swap3A_131 = vector.load %arg10[%swap3A_129, %swap3A_130] : memref<256x1xi32, #tpu.memory_space<vmem>>, vector<256x1xi32>
    tpu.vector_store %arg10[%swap3A_129, %swap3A_130], %select_n3A_128 {strides = array<i32>} : memref<256x1xi32, #tpu.memory_space<vmem>>, vector<256x1xi32>,
    %jit3A_132 = arith.constant 0.000000e+00 : f32
    %broadcast_in_dim3A_133 = vector.broadcast %jit3A_132 : f32 to vector<256x1xf32>
    %select_n3A_134 = arith.select %lt3A_104, %div3A_60, %broadcast_in_dim3A_133 : vector<256x1xi1>, vector<256x1xf32>
    %swap3A_135 = arith.constant 0 : index
    %swap3A_136 = arith.constant 0 : index
    %swap3A_137 = vector.load %arg11[%swap3A_135, %swap3A_136] : memref<256x1xf32, #tpu.memory_space<vmem>>, vector<256x1xf32>
    tpu.vector_store %arg11[%swap3A_135, %swap3A_136], %select_n3A_134 {strides = array<i32>} : memref<256x1xf32, #tpu.memory_space<vmem>>, vector<256x1xf32>,
    %jit3A_138 = arith.constant 0.000000e+00 : f32
    %broadcast_in_dim3A_139 = vector.broadcast %jit3A_138 : f32 to vector<256x1xf32>
    %select_n3A_140 = arith.select %lt3A_107, %div3A_61, %broadcast_in_dim3A_139 : vector<256x1xi1>, vector<256x1xf32>
    %swap3A_141 = arith.constant 0 : index
    %swap3A_142 = arith.constant 0 : index
    %swap3A_143 = vector.load %arg12[%swap3A_141, %swap3A_142] : memref<256x1xf32, #tpu.memory_space<vmem>>, vector<256x1xf32>
    tpu.vector_store %arg12[%swap3A_141, %swap3A_142], %select_n3A_140 {strides = array<i32>} : memref<256x1xf32, #tpu.memory_space<vmem>>, vector<256x1xf32>,
    return
  }
  func.func @transform_0(%arg0: i32) -> (i32, i32) {
    %c0_i32 = arith.constant 0 : i32
    %c0_i32_0 = arith.constant 0 : i32
    return %arg0, %c0_i32 : i32, i32
  }
  func.func @transform_1(%arg0: i32) -> (i32, i32) {
    %c0_i32 = arith.constant 0 : i32
    %c0_i32_0 = arith.constant 0 : i32
    return %arg0, %c0_i32 : i32, i32
  }
  func.func @transform_2(%arg0: i32) -> (i32, i32) {
    %c0_i32 = arith.constant 0 : i32
    %c0_i32_0 = arith.constant 0 : i32
    %c0_i32_1 = arith.constant 0 : i32
    return %c0_i32, %c0_i32_0 : i32, i32
  }
  func.func @transform_3(%arg0: i32) -> (i32, i32) {
    %c0_i32 = arith.constant 0 : i32
    %c0_i32_0 = arith.constant 0 : i32
    %c0_i32_1 = arith.constant 0 : i32
    return %c0_i32, %c0_i32_0 : i32, i32
  }
  func.func @transform_4(%arg0: i32) -> (i32, i32) {
    %c0_i32 = arith.constant 0 : i32
    %c0_i32_0 = arith.constant 0 : i32
    %c0_i32_1 = arith.constant 0 : i32
    return %c0_i32, %c0_i32_0 : i32, i32
  }
  func.func @transform_5(%arg0: i32) -> (i32, i32) {
    %c0_i32 = arith.constant 0 : i32
    %c0_i32_0 = arith.constant 0 : i32
    %c0_i32_1 = arith.constant 0 : i32
    return %c0_i32, %c0_i32_0 : i32, i32
  }
  func.func @transform_6(%arg0: i32) -> (i32, i32) {
    %c0_i32 = arith.constant 0 : i32
    %c0_i32_0 = arith.constant 0 : i32
    return %arg0, %c0_i32 : i32, i32
  }
  func.func @transform_7(%arg0: i32) -> (i32, i32) {
    %c0_i32 = arith.constant 0 : i32
    %c0_i32_0 = arith.constant 0 : i32
    return %arg0, %c0_i32 : i32, i32
  }
  func.func @transform_8(%arg0: i32) -> (i32, i32) {
    %c0_i32 = arith.constant 0 : i32
    %c0_i32_0 = arith.constant 0 : i32
    return %arg0, %c0_i32 : i32, i32
  }
  func.func @transform_9(%arg0: i32) -> (i32, i32) {
    %c0_i32 = arith.constant 0 : i32
    %c0_i32_0 = arith.constant 0 : i32
    return %arg0, %c0_i32 : i32, i32
  }
  func.func @transform_10(%arg0: i32) -> (i32, i32) {
    %c0_i32 = arith.constant 0 : i32
    %c0_i32_0 = arith.constant 0 : i32
    return %arg0, %c0_i32 : i32, i32
  }
  func.func @transform_11(%arg0: i32) -> (i32, i32) {
    %c0_i32 = arith.constant 0 : i32
    %c0_i32_0 = arith.constant 0 : i32
    return %arg0, %c0_i32 : i32, i32
  }
}

module attributes {stable_mosaic.version = 14 : i64} {
  func.func @_combine_body(%arg0: i32, %arg1: memref<256x1024xf32, #tpu.memory_space<vmem>>, %arg2: memref<256x1024xf32, #tpu.memory_space<vmem>>, %arg3: memref<256x1xf32, #tpu.memory_space<vmem>>, %arg4: memref<256x1xf32, #tpu.memory_space<vmem>>, %arg5: memref<256x1024xf32, #tpu.memory_space<vmem>>) attributes {dimension_semantics = [#tpu.dimension_semantics<arbitrary>], iteration_bounds = array<i64: 32>, scalar_prefetch = 0 : i64, scratch_operands = 0 : i64, tpu.core_type = #tpu.core_type<tc>, window_params = [{transform_indices = @transform_0, window_bounds = array<i64: 256, 1024>}, {transform_indices = @transform_1, window_bounds = array<i64: 256, 1024>}, {transform_indices = @transform_2, window_bounds = array<i64: 256, 1>}, {transform_indices = @transform_3, window_bounds = array<i64: 256, 1>}, {transform_indices = @transform_4, window_bounds = array<i64: 256, 1024>}]} {
    %get3A = arith.constant 0 : index
    %get3A_0 = arith.constant 0 : index
    %get3A_1 = vector.load %arg3[%get3A, %get3A_0] : memref<256x1xf32, #tpu.memory_space<vmem>>, vector<256x1xf32>
    %get3A_2 = arith.constant 0 : index
    %get3A_3 = arith.constant 0 : index
    %get3A_4 = vector.load %arg4[%get3A_2, %get3A_3] : memref<256x1xf32, #tpu.memory_space<vmem>>, vector<256x1xf32>
    %gt3A = arith.constant 0.000000e+00 : f32
    %gt3A_5 = vector.broadcast %gt3A : f32 to vector<256x1xf32>
    %gt3A_6 = arith.cmpf ogt, %get3A_1, %gt3A_5 : vector<256x1xf32>
    %get3A_7 = arith.constant 0 : index
    %get3A_8 = arith.constant 0 : index
    %get3A_9 = vector.load %arg1[%get3A_7, %get3A_8] : memref<256x1024xf32, #tpu.memory_space<vmem>>, vector<256x1024xf32>
    %mul3A = vector.broadcast %get3A_1 : vector<256x1xf32> to vector<256x1024xf32>
    %mul3A_10 = arith.mulf %mul3A, %get3A_9 : vector<256x1024xf32>
    %jit3A = arith.constant 0.000000e+00 : f32
    %broadcast_in_dim3A = vector.shape_cast %gt3A_6 : vector<256x1xi1> to vector<256x1xi1>
    %broadcast_in_dim3A_11 = vector.broadcast %broadcast_in_dim3A : vector<256x1xi1> to vector<256x1024xi1>
    %broadcast_in_dim3A_12 = vector.broadcast %jit3A : f32 to vector<256x1024xf32>
    %select_n3A = arith.select %broadcast_in_dim3A_11, %mul3A_10, %broadcast_in_dim3A_12 : vector<256x1024xi1>, vector<256x1024xf32>
    %gt3A_13 = arith.constant 0.000000e+00 : f32
    %gt3A_14 = vector.broadcast %gt3A_13 : f32 to vector<256x1xf32>
    %gt3A_15 = arith.cmpf ogt, %get3A_4, %gt3A_14 : vector<256x1xf32>
    %get3A_16 = arith.constant 0 : index
    %get3A_17 = arith.constant 0 : index
    %get3A_18 = vector.load %arg2[%get3A_16, %get3A_17] : memref<256x1024xf32, #tpu.memory_space<vmem>>, vector<256x1024xf32>
    %mul3A_19 = vector.broadcast %get3A_4 : vector<256x1xf32> to vector<256x1024xf32>
    %mul3A_20 = arith.mulf %mul3A_19, %get3A_18 : vector<256x1024xf32>
    %jit3A_21 = arith.constant 0.000000e+00 : f32
    %broadcast_in_dim3A_22 = vector.shape_cast %gt3A_15 : vector<256x1xi1> to vector<256x1xi1>
    %broadcast_in_dim3A_23 = vector.broadcast %broadcast_in_dim3A_22 : vector<256x1xi1> to vector<256x1024xi1>
    %broadcast_in_dim3A_24 = vector.broadcast %jit3A_21 : f32 to vector<256x1024xf32>
    %select_n3A_25 = arith.select %broadcast_in_dim3A_23, %mul3A_20, %broadcast_in_dim3A_24 : vector<256x1024xi1>, vector<256x1024xf32>
    %add3A = arith.addf %select_n3A, %select_n3A_25 : vector<256x1024xf32>
    %swap3A = arith.constant 0 : index
    %swap3A_26 = arith.constant 0 : index
    %swap3A_27 = vector.load %arg5[%swap3A, %swap3A_26] : memref<256x1024xf32, #tpu.memory_space<vmem>>, vector<256x1024xf32>
    tpu.vector_store %arg5[%swap3A, %swap3A_26], %add3A {strides = array<i32>} : memref<256x1024xf32, #tpu.memory_space<vmem>>, vector<256x1024xf32>,
    return
  }
  func.func @transform_0(%arg0: i32) -> (i32, i32) {
    %c0_i32 = arith.constant 0 : i32
    %c0_i32_0 = arith.constant 0 : i32
    return %arg0, %c0_i32 : i32, i32
  }
  func.func @transform_1(%arg0: i32) -> (i32, i32) {
    %c0_i32 = arith.constant 0 : i32
    %c0_i32_0 = arith.constant 0 : i32
    return %arg0, %c0_i32 : i32, i32
  }
  func.func @transform_2(%arg0: i32) -> (i32, i32) {
    %c0_i32 = arith.constant 0 : i32
    %c0_i32_0 = arith.constant 0 : i32
    return %arg0, %c0_i32 : i32, i32
  }
  func.func @transform_3(%arg0: i32) -> (i32, i32) {
    %c0_i32 = arith.constant 0 : i32
    %c0_i32_0 = arith.constant 0 : i32
    return %arg0, %c0_i32 : i32, i32
  }
  func.func @transform_4(%arg0: i32) -> (i32, i32) {
    %c0_i32 = arith.constant 0 : i32
    %c0_i32_0 = arith.constant 0 : i32
    return %arg0, %c0_i32 : i32, i32
  }
}

</mosaic_0001>

<sc_bundles>
// kernel: kernel.6.cloned.1.call-start
scs
__scs_entry_jumppad:
0x0: {  	(pc) =	sbr.rel $0x88, $3  }
0x1: {  	(tag) =	ssettag $0x0;
	lr =	simm.s32 $0x1  }
0x2: {  	[smem:$0x3F9B] =	sst lr;
	_ =	strace $0xD0000000  }
0x3: {  	_ = 	snop  }
0x4: {  	_ = 	snop  }
0x5: {  	_ = 	snop  }
0x6: {  	_ = 	snop  }
0x7: {  	_ = 	snop  }
__scs_overlays_trampoline_lowered:
0x8: {  	[smem:$0x3FAA] =	sst s0  }
0x9: {  	[smem:$0x3FAB] =	sst s1  }
0xa: {  	[smem:$0x3FAC] =	sst s2  }
0xb: {  	[smem:$0x3FAD] =	sst s3  }
0xc: {  	[smem:$0x3FAE] =	sst s4  }
0xd: {  	[smem:$0x3FAF] =	sst s5  }
0xe: {  	[smem:$0x3FB0] =	sst s6  }
0xf: {  	[smem:$0x3FB1] =	sst s7  }
0x10: {  	[smem:$0x3FB2] =	sst s8  }
0x11: {  	[smem:$0x3FB3] =	sst s9;
	s0 =	simm.s32 @!p0 $0x0  }
0x12: {  	s1 =	sld [smem:$0x3F99];
	s0 =	simm.s32 @p0 $0x1  }
0x13: {  	[smem:$0x3FB4] =	sst s0;
	s0 =	simm.s32 @!p1 $0x0  }
0x14: {  	s2 =	sld [smem:$0x3F98];
	s0 =	simm.s32 @p1 $0x1  }
0x15: {  	[smem:$0x3FB5] =	sst s0;
	s0 =	simm.s32 @!p2 $0x0  }
0x16: {  	s3 =	sld [smem:$0x3FDB];
	s0 =	simm.s32 @p2 $0x1  }
0x17: {  	s4 =	simm.s32 $0x1BF5;
	[smem:$0x3FB7] =	sst s0  }
0x18: {  	s0 =	sld [smem:$0x3F9A];
	_ =	swait.ge [sflag:s4], $0x0  }
0x19: {  	s7 =	sld [smem:$0x3F9B]  }
0x1a: {  	s8 =	sadd.s32 $0xFFFFE003, lr  }
0x1b: {  	s9 =	sadd.s32 $0xFFFFFEF7, lr;
	s5 =	simm.s32 $0xFFFFFFFF;
	p2 =	slt.u32 s8, $0xFFFFF086  }
0x1c: {  	p1 =	slt.u32 s9, $0xF7A;
	s5 =	simm.s32 @!p2 $0x0  }
0x1d: {  	s5 =	simm.s32 @p1 $0x1;
	p0 =	seq.s32 s7, s2  }
0x1e: {  	s7 =	smul.u32 @!p0 $0xF7A, s2;
	p2 =	seq.s32 @!p0 s5, $0x0  }
0x1f: {  	s9 =	smul.u32 $0xF7A, s1;
	s8 =	simm.s32 @!p0 $0x1BF5;
	p2 =	por !p2, p0  }
0x20: {  	[sflag:s8] =	ssyncset.s32 @!p0 $0xFFFFF086;
	s6 =	sadd.s32 @!p0 s3, s7;
	s7 =	simm.s32 @!p0 $0x108  }
0x21: {  	s3 =	sadd.s32 s3, s9;
	s6 =	sadd.s32 @!p0 $0x88, s6;
	s7 =	simm.s32 @p2 $0x1082  }
0x22: {  	[simem:s7], [sflag:s8] =	dma.local @!p0 [hbm:s6], $0xF7A  }
0x23: {  	s9 =	sor.u32 $0xD0000000, s2;
	s6 =	simm.s32 $0x108;
	_ =	swait.ge @!p0 [sflag:s8], $0x0  }
0x24: {  	s3 =	sadd.s32 $0x88, s3;
	s6 =	simm.s32 @!p1 $0x1082;
	[sflag:s4] =	ssyncset.s32 $0xFFFFF086  }
0x25: {  	[simem:s6], [sflag:s4] =	dma.local [hbm:s3], $0xF7A  }
0x26: {  	[smem:$0x3F9B] =	sst s1;
	(tag) =	ssettag s2;
	_ =	strace s9  }
0x27: {  	s1 =	sld [smem:$0x3FAB]  }
0x28: {  	s2 =	sld [smem:$0x3FAC]  }
0x29: {  	s4 =	sld [smem:$0x3FAE]  }
0x2a: {  	p0 =	seq.s32 s5, $0x0;
	s5 =	sld [smem:$0x3FAF]  }
0x2b: {  	s6 =	sld [smem:$0x3FB0]  }
0x2c: {  	s7 =	sld [smem:$0x3FB1]  }
0x2d: {  	s3 =	simm.s32 $0x108;
	s8 =	sld [smem:$0x3FB2]  }
0x2e: {  	s3 =	simm.s32 @!p0 $0x1082;
	s9 =	sld [smem:$0x3FB3]  }
0x2f: {  	lr =	sadd.s32 s0, s3;
	s0 =	sld [smem:$0x3FAA]  }
0x30: {  	s3 =	sld [smem:$0x3FAD]  }
0x31: {  	[smem:$0x3FB6] =	sst s10  }
0x32: {  	s10 =	sld [smem:$0x3FB4];
	_ =	sdelay $0x3  }
0x33: {  	p0 =	seq.s32 s10, $0x1;
	s10 =	sld [smem:$0x3FB6];
	_ =	sdelay $0x3  }
0x34: {  	[smem:$0x3FB6] =	sst s10  }
0x35: {  	s10 =	sld [smem:$0x3FB5];
	_ =	sdelay $0x3  }
0x36: {  	p1 =	seq.s32 s10, $0x1;
	s10 =	sld [smem:$0x3FB6];
	_ =	sdelay $0x3  }
0x37: {  	[smem:$0x3FB6] =	sst s10  }
0x38: {  	s10 =	sld [smem:$0x3FB7]  }
0x39: {  	_ = 	snop;
	(pc) =	sbr.ind lr, $3  }
0x3a: {  	_ = 	snop  }
0x3b: {  	_ = 	snop  }
0x3c: {  	p2 =	seq.s32 s10, $0x1;
	s10 =	sld [smem:$0x3FB6]  }
0x3d: {  	_ =	shalt  }
0x3e: {  	_ =	shalt  }
0x3f: {  	_ =	shalt  }
0x40: {  	_ =	shalt  }
0x41: {  	_ =	shalt  }
0x42: {  	_ =	shalt  }
0x43: {  	_ =	shalt  }
0x44: {  	_ =	shalt  }
0x45: {  	_ =	shalt  }
0x46: {  	_ =	shalt  }
0x47: {  	_ =	shalt  }
0x48: {  	_ =	shalt  }
0x49: {  	_ =	shalt  }
0x4a: {  	_ =	shalt  }
0x4b: {  	_ =	shalt  }
0x4c: {  	_ =	shalt  }
0x4d: {  	_ =	shalt  }
0x4e: {  	_ =	shalt  }
0x4f: {  	_ =	shalt  }
0x50: {  	_ =	shalt  }
0x51: {  	_ =	shalt  }
0x52: {  	_ =	shalt  }
0x53: {  	_ =	shalt  }
0x54: {  	_ =	shalt  }
0x55: {  	_ =	shalt  }
0x56: {  	_ =	shalt  }
0x57: {  	_ =	shalt  }
0x58: {  	_ =	shalt  }
0x59: {  	_ =	shalt  }
0x5a: {  	_ =	shalt  }
0x5b: {  	_ =	shalt  }
0x5c: {  	_ =	shalt  }
0x5d: {  	_ =	shalt  }
0x5e: {  	_ =	shalt  }
0x5f: {  	_ =	shalt  }
0x60: {  	_ =	shalt  }
0x61: {  	_ =	shalt  }
0x62: {  	_ =	shalt  }
0x63: {  	_ =	shalt  }
0x64: {  	_ =	shalt  }
0x65: {  	_ =	shalt  }
0x66: {  	_ =	shalt  }
0x67: {  	_ =	shalt  }
0x68: {  	_ =	shalt  }
0x69: {  	_ =	shalt  }
0x6a: {  	_ =	shalt  }
0x6b: {  	_ =	shalt  }
0x6c: {  	_ =	shalt  }
0x6d: {  	_ =	shalt  }
0x6e: {  	_ =	shalt  }
0x6f: {  	_ =	shalt  }
0x70: {  	_ =	shalt  }
0x71: {  	_ =	shalt  }
0x72: {  	_ =	shalt  }
0x73: {  	_ =	shalt  }
0x74: {  	_ =	shalt  }
0x75: {  	_ =	shalt  }
0x76: {  	_ =	shalt  }
0x77: {  	_ =	shalt  }
0x78: {  	_ =	shalt  }
0x79: {  	_ =	shalt  }
0x7a: {  	_ =	shalt  }
0x7b: {  	_ =	shalt  }
0x7c: {  	_ =	shalt  }
0x7d: {  	_ =	shalt  }
0x7e: {  	_ =	shalt  }
0x7f: {  	_ =	shalt  }
0x80: {  	_ =	shalt  }
0x81: {  	_ =	shalt  }
0x82: {  	_ =	shalt  }
0x83: {  	_ =	shalt  }
0x84: {  	_ =	shalt  }
0x85: {  	_ =	shalt  }
0x86: {  	_ =	shalt  }
0x87: {  	_ =	shalt  }
.Lfunc_end0:
.L_simem_size_0:
called_computation_lowered:
.L_overlay_start_0:
0x88: {  	s2 =	sld [smem:$0x3FD9]  }
0x89: {  	s3 =	sld [smem:$0x3FFE];
	_ =	sdelay $0x1  }
0x8a: {  	s1 =	srdreg.scid  }
0x8b: {  	s0 =	sand.u32 $0x1, s1  }
0x8c: {  	s17 =	sshll.u32 s0, $0xA;
	s2 =	sadd.s32 s3, s2  }
0x8d: {  	s2 =	sadd.s32 s2, s17  }
0x8e: {  	[smem:$0x3FC2] =	sst s2  }
0x8f: {  	_ = 	snop  }
0x90: {  	s2 =	sld [smem:$0x3FC9];
	(tm) =	ssettm $0x1  }
0x91: {  	s18 =	sld [smem:$0x3FFB];
	_ =	sdelay $0x3  }
0x92: {  	_ =	strace s18  }
0x93: {  	s3 =	sld [smem:$0x3FFC];
	_ =	sdelay $0x3  }
0x94: {  	_ =	strace s3  }
0x95: {  	s3 =	sld [smem:$0x3FFD];
	_ =	sdelay $0x3  }
0x96: {  	_ =	strace s3  }
0x97: {  	_ =	strace $0x8FFFFFFF  }
0x98: {  	s19 =	sld [smem:$0x3FDB];
	_ =	sdelay $0x1  }
0x99: {  	s4 =	simm.s32 $_scs_section_size  }
0x9a: {  	s5 =	simm.s32 $_size__tile_overlayer_lowered;
	s6 =	simm.s32 $_tile_overlayer_lowered  }
0x9b: {  	s22 =	simm.s32 $0x1BFF;
	s21 =	sshll.u32 s6, $0x1;
	s3 =	sadd.s32 s4, s19  }
0x9c: {  	s7 =	simm.s32 $0x0;
	s20 =	sshll.u32 s5, $0x1;
	s5 =	sadd.s32 s21, s3  }
0x9d: {  	[timem:s7], [sflag:s22] =	dma.local [hbm:s5], s20  }
0x9e: {  	_ =	swait.ge [sflag:s22], s20  }
0x9f: {  	s4 =	ssub.s32 $0x0, s20;
	[sflag:s22] =	ssyncset.done $0x0  }
0xa0: {  	[sflag:s22] =	ssyncadd.s32 s4;
	_ =	sdelay $0x1  }
0xa1: {  	s23 =	simm.s32 $0x1B8B  }
0xa2: {  	_ =	swait.ge [sflag:s23], $0x1  }
0xa3: {  	[sflag:s23] =	ssyncset.done $0x0  }
0xa4: {  	s25 =	simm.s32 $0x1B8E;
	s24 =	sld [smem:$0x3FFE];
	[sflag:s23] =	ssyncadd.s32 $0xFFFFFFFF  }
0xa5: {  	s26 =	simm.s32 $execute0_lowered;
	[smem:$0x3FD2] =	sst s25  }
0xa6: {  	s5 =	sshll.u32 s26, $0x1;
	_ =	strace $0x80000046;
	[dreg:$0x1] =	wrdreg $0xFFFFFFFF  }
0xa7: {  	s28 =	simm.s32 $_size_execute0_lowered;
	s3 =	sadd.s32 s3, s5;
	[dreg:$0x0] =	wrdreg $0x0  }
0xa8: {  	s5 =	sshll.u32 s28, $0x1;
	[dreg:$0x2] =	wrdreg s3  }
0xa9: {  	[dreg:$0x3] =	wrdreg s5  }
0xaa: {  	[dreg:$0x4] =	wrdreg $0xC0  }
0xab: {  	_ =	task [dreg:s7], $0x5FFFF  }
0xac: {  	[dreg:$0x1] =	wrdreg $0xFFFFFFFF  }
0xad: {  	[dreg:$0x0] =	wrdreg $0x60  }
0xae: {  	[dreg:$0x2] =	wrdreg s2  }
0xaf: {  	[dreg:$0x3] =	wrdreg s24  }
0xb0: {  	[dreg:$0x4] =	wrdreg $0x9  }
0xb1: {  	_ =	task.clear_ibuf [dreg:s7], $0x5FFFF;
	_ =	strace $0x90000046  }
0xb2: {  	s29 =	simm.s32 $0x9;
	_ =	strace $0x80000048  }
0xb3: {  	_ =	swait.ge [sflag:s29], $0x1  }
0xb4: {  	[sflag:s29] =	ssyncadd.s32 $0xFFFFFFFF  }
0xb5: {  	_ =	strace $0x90000048  }
0xb6: {  	_ =	sfence  }
0xb7: {  	s30 =	sld [smem:$0x0];
	_ =	sdelay $0x2  }
0xb8: {  	s31 =	sshll.u32 s1, $0xD;
	s1 =	sshrl.u32 s1, $0x2  }
0xb9: {  	s3 =	sand.u32 $0x4000, s31;
	s1 =	sadd.s32 s1, s30  }
0xba: {  	s0 =	sor.u32 s3, s0;
	s1 =	sshll.u32 s1, $0x11  }
0xbb: {  	s0 =	sor.u32 s1, s0  }
0xbc: {  	s0 =	sadd.s32 $0x8F2B, s0  }
0xbd: {  	[sflag:s0] =	ssyncadd.remote.s32 $0x1  }
0xbe: {  	_ =	sfence.sel $0xFFFF  }
0xbf: {  	[dreg:$0x0] =	wrdreg $0xFFFFFFFF;
	(pc) =	sbr.abs _section_cstart, $3  }
0xc0: {  	[dreg:$0x1] =	wrdreg $0xFFFFFFFF  }
0xc1: {  	_ =	task.clear_ibuf [dreg:s7], $0x2FFFF;
	_ =	strace $0x9FFFFFFF  }
0xc2: {  	(tm) =	ssettm $0x7FFFFFFF  }
0xc3: {  	_ =	shalt  }
tec
execute0_lowered:
.L_overlay_start_1:
0x0: {  	(tag) =	ssettag $0x1  }
0x1: {  	s0 =	rddreg [dreg:$0x0]  }
0x2: {  	s1 =	rddreg [dreg:$0x1];
	s2 =	simm.s32 $0x0;
	s3 =	srdreg.scid  }
0x3: {  	s5 =	stileid.u32;
	[smem:$0x7FF] =	sst s2;
	s4 =	sand.u32 $0x1, s3  }
0x4: {  	s12 =	sshll.u32 s5, $0x9;
	s6 =	sadd.s32 $0x20600, s1;
	s7 =	sadd.s32 $0x20A00, s1  }
0x5: {  	s3 =	sadd.s32 $0x20E00, s1;
	s13 =	sshll.u32 s4, $0x8;
	s4 =	ssub.s32 $0x2, s4  }
0x6: {  	_ =	strace $0x80000047;
	s5 =	sor.u32 s13, s12;
	s9 =	sshrl.u32 s4, $0x1  }
0x7: {  	s8 =	sshll.u32 s5, $0x7;
	s10 =	sshrl.u32 s5, $0x3;
	s11 =	sor.u32 $0x40, s5  }
0x8: {  	s20 =	sor.u32 $0x80, s5;
	s5 =	sor.u32 $0xC0, s5;
	s8 =	sadd.s32 s0, s8  }
0x9: {  	s29 =	ssub.s32 s4, s9;
	s14 =	sadd.s32 s6, s10;
	[dreg:$0x3] =	wrdreg s8  }
0xa: {  	s15 =	sadd.s32 s7, s10;
	s16 =	sshll.u32 s11, $0x7;
	[dreg:$0x4] =	wrdreg s14  }
0xb: {  	s18 =	sshrl.u32 s11, $0x3;
	[dreg:$0x5] =	wrdreg s15;
	s17 =	sadd.s32 s0, s16  }
0xc: {  	s4 =	sadd.s32 $0x20F00, s1;
	s19 =	sadd.s32 s6, s18;
	[dreg:$0x6] =	wrdreg s17  }
0xd: {  	s22 =	sshll.u32 s20, $0x7;
	s21 =	sadd.s32 s7, s18;
	[dreg:$0x7] =	wrdreg s19  }
0xe: {  	s24 =	sshrl.u32 s20, $0x3;
	s23 =	sadd.s32 s0, s22;
	[dreg:$0x8] =	wrdreg s21  }
0xf: {  	s28 =	sshll.u32 s5, $0x7;
	s25 =	sadd.s32 s6, s24;
	[dreg:$0x9] =	wrdreg s23  }
0x10: {  	s5 =	sshrl.u32 s5, $0x3;
	s26 =	sadd.s32 s7, s24;
	[dreg:$0xa] =	wrdreg s25  }
0x11: {  	s0 =	sadd.s32 s0, s28;
	s30 =	sadd.s32 s6, s5;
	[dreg:$0xb] =	wrdreg s26  }
0x12: {  	v2 =	vlaneseq.u32;
	s31 =	sadd.s32 s7, s5;
	s5 =	sadd.s32 $0x21000, s1;
	[dreg:$0xc] =	wrdreg s0  }
0x13: {  	vm0 =	vmmov $0xffff;
	v1 =	vshrl.u32 v2, $0x3;
	s6 =	sadd.s32 $0x21100, s1;
	s8 =	simm.s32 $0x2;
	[dreg:$0xd] =	wrdreg s30  }
0x14: {  	v0 =	vand.u32 $0x7, v2;
	v2 =	vor.u32 $0x8, v2;
	v1 =	vmul.u32 $0x8, v1;
	s18 =	simm.s32 $0x1;
	[dreg:$0xe] =	wrdreg s31;
	s0 =	smax.u32 s29, $0x1  }
.LBB2_1:
0x15: {  	[dreg:$0xf] =	wrdreg s0  }
0x16: {  	s19 =	rddreg [dreg:$0x3]  }
0x17: {  	[tilespmem:s2], [sflag:$0x2] =	stream.linear.gather [hbm4b:s19+s2], $0x10000, $0x38;
	[tilespmem:$0x10100] =	vst v63  }
0x18: {  	_ =	swait.ge [sflag:s8], $0x10000  }
0x19: {  	[sflag:s8] =	ssyncset.done $0x0  }
0x1a: {  	s31 =	simm.s32 $0x10000;
	s30 =	rddreg [dreg:$0x4];
	[sflag:s8] =	ssyncadd.s32 $0xFFFF0000  }
0x1b: {  	[tilespmem:s31], [sflag:$0x2] =	stream.linear.gather [hbm4b:s30+s2], $0x40, $0x38;
	[tilespmem:$0x10100] =	vst v63  }
0x1c: {  	_ =	swait.ge [sflag:s8], $0x40  }
0x1d: {  	[sflag:s8] =	ssyncset.done $0x0  }
0x1e: {  	s7 =	simm.s32 $0x10080;
	s1 =	rddreg [dreg:$0x5];
	[sflag:s8] =	ssyncadd.s32 $0xFFFFFFC0  }
0x1f: {  	[tilespmem:s7], [sflag:$0x2] =	stream.linear.gather [hbm4b:s1+s2], $0x40, $0x38;
	[tilespmem:$0x10100] =	vst v63  }
0x20: {  	_ =	swait.ge [sflag:s8], $0x40  }
0x21: {  	[sflag:s8] =	ssyncset.done $0x0  }
0x22: {  	[sflag:s8] =	ssyncadd.s32 $0xFFFFFFC0  }
0x23: {  	v3 =	vld [tilespmem:$0x10000];
	_ =	sdelay $0x4  }
0x24: {  	v4 =	vshll.u32 v3, $0x3  }
0x25: {  	v3 =	vand.u32 $0x7, v3;
	v4 =	vand.u32 $0xFFFFFFC0, v4  }
0x26: {  	v3 =	vor.u32 v3, v4  }
0x27: {  	v4 =	vperm.xlane v3, v0;
	_ =	sdelay $0x1  }
0x28: {  	v4 =	vadd.s32 v1, v4;
	_ =	sdelay $0x4  }
0x29: {  	[hbm4b:s3+s2] =	stream.indirect_vreg.scatter [tilespmem:s2], [sflag:$0x1], $0x80, v4, vm0, $0xb8;
	[tilespmem:$0x10100] =	vst v63  }
0x2a: {  	s9 =	simm.s32 $0x800;
	v3 =	vperm.xlane v3, v2  }
0x2b: {  	[hbm4b:s4+s2] =	stream.indirect_vreg.scatter [tilespmem:s9], [sflag:$0x1], $0x80, v4, vm0, $0xb8;
	[tilespmem:$0x10100] =	vst v63  }
0x2c: {  	s10 =	simm.s32 $0x1000;
	v3 =	vadd.s32 v1, v3  }
0x2d: {  	[hbm4b:s5+s2] =	stream.indirect_vreg.scatter [tilespmem:s10], [sflag:$0x1], $0x80, v4, vm0, $0xb8;
	[tilespmem:$0x10100] =	vst v63  }
0x2e: {  	s11 =	simm.s32 $0x1800  }
0x2f: {  	[hbm4b:s6+s2] =	stream.indirect_vreg.scatter [tilespmem:s11], [sflag:$0x1], $0x80, v4, vm0, $0xb8;
	[tilespmem:$0x10100] =	vst v63  }
0x30: {  	s12 =	simm.s32 $0x2000  }
0x31: {  	[hbm4b:s3+s2] =	stream.indirect_vreg.scatter [tilespmem:s12], [sflag:$0x1], $0x80, v3, vm0, $0xb8;
	[tilespmem:$0x10100] =	vst v63  }
0x32: {  	s13 =	simm.s32 $0x2800  }
0x33: {  	[hbm4b:s4+s2] =	stream.indirect_vreg.scatter [tilespmem:s13], [sflag:$0x1], $0x80, v3, vm0, $0xb8;
	[tilespmem:$0x10100] =	vst v63  }
0x34: {  	s14 =	simm.s32 $0x3000  }
0x35: {  	[hbm4b:s5+s2] =	stream.indirect_vreg.scatter [tilespmem:s14], [sflag:$0x1], $0x80, v3, vm0, $0xb8;
	[tilespmem:$0x10100] =	vst v63  }
0x36: {  	s15 =	simm.s32 $0x3800  }
0x37: {  	[hbm4b:s6+s2] =	stream.indirect_vreg.scatter [tilespmem:s15], [sflag:$0x1], $0x80, v3, vm0, $0xb8;
	[tilespmem:$0x10100] =	vst v63  }
0x38: {  	v3 =	vld [tilespmem:$0x10010];
	_ =	sdelay $0x4  }
0x39: {  	v33 =	vshll.u32 v3, $0x3  }
0x3a: {  	v3 =	vand.u32 $0x7, v3;
	v4 =	vand.u32 $0xFFFFFFC0, v33  }
0x3b: {  	v3 =	vor.u32 v3, v4  }
0x3c: {  	v4 =	vperm.xlane v3, v0;
	_ =	sdelay $0x1  }
0x3d: {  	v4 =	vadd.s32 v1, v4;
	_ =	sdelay $0x3  }
0x3e: {  	s16 =	simm.s32 $0x4000  }
0x3f: {  	[hbm4b:s3+s2] =	stream.indirect_vreg.scatter [tilespmem:s16], [sflag:$0x1], $0x80, v4, vm0, $0xb8;
	[tilespmem:$0x10100] =	vst v63  }
0x40: {  	s17 =	simm.s32 $0x4800;
	v3 =	vperm.xlane v3, v2  }
0x41: {  	[hbm4b:s4+s2] =	stream.indirect_vreg.scatter [tilespmem:s17], [sflag:$0x1], $0x80, v4, vm0, $0xb8;
	[tilespmem:$0x10100] =	vst v63  }
0x42: {  	s19 =	simm.s32 $0x5000;
	v3 =	vadd.s32 v1, v3  }
0x43: {  	[hbm4b:s5+s2] =	stream.indirect_vreg.scatter [tilespmem:s19], [sflag:$0x1], $0x80, v4, vm0, $0xb8;
	[tilespmem:$0x10100] =	vst v63  }
0x44: {  	s20 =	simm.s32 $0x5800  }
0x45: {  	[hbm4b:s6+s2] =	stream.indirect_vreg.scatter [tilespmem:s20], [sflag:$0x1], $0x80, v4, vm0, $0xb8;
	[tilespmem:$0x10100] =	vst v63  }
0x46: {  	s26 =	simm.s32 $0x6000  }
0x47: {  	[hbm4b:s3+s2] =	stream.indirect_vreg.scatter [tilespmem:s26], [sflag:$0x1], $0x80, v3, vm0, $0xb8;
	[tilespmem:$0x10100] =	vst v63  }
0x48: {  	s1 =	simm.s32 $0x6800  }
0x49: {  	[hbm4b:s4+s2] =	stream.indirect_vreg.scatter [tilespmem:s1], [sflag:$0x1], $0x80, v3, vm0, $0xb8;
	[tilespmem:$0x10100] =	vst v63  }
0x4a: {  	s7 =	simm.s32 $0x7000  }
0x4b: {  	[hbm4b:s5+s2] =	stream.indirect_vreg.scatter [tilespmem:s7], [sflag:$0x1], $0x80, v3, vm0, $0xb8;
	[tilespmem:$0x10100] =	vst v63  }
0x4c: {  	s9 =	simm.s32 $0x7800  }
0x4d: {  	[hbm4b:s6+s2] =	stream.indirect_vreg.scatter [tilespmem:s9], [sflag:$0x1], $0x80, v3, vm0, $0xb8;
	[tilespmem:$0x10100] =	vst v63  }
0x4e: {  	v3 =	vld [tilespmem:$0x10020];
	_ =	sdelay $0x4  }
0x4f: {  	v34 =	vshll.u32 v3, $0x3  }
0x50: {  	v3 =	vand.u32 $0x7, v3;
	v4 =	vand.u32 $0xFFFFFFC0, v34  }
0x51: {  	v3 =	vor.u32 v3, v4  }
0x52: {  	v4 =	vperm.xlane v3, v0;
	_ =	sdelay $0x1  }
0x53: {  	v4 =	vadd.s32 v1, v4;
	_ =	sdelay $0x3  }
0x54: {  	s11 =	simm.s32 $0x8000  }
0x55: {  	[hbm4b:s3+s2] =	stream.indirect_vreg.scatter [tilespmem:s11], [sflag:$0x1], $0x80, v4, vm0, $0xb8;
	[tilespmem:$0x10100] =	vst v63  }
0x56: {  	s12 =	simm.s32 $0x8800;
	v3 =	vperm.xlane v3, v2  }
0x57: {  	[hbm4b:s4+s2] =	stream.indirect_vreg.scatter [tilespmem:s12], [sflag:$0x1], $0x80, v4, vm0, $0xb8;
	[tilespmem:$0x10100] =	vst v63  }
0x58: {  	s13 =	simm.s32 $0x9000;
	v3 =	vadd.s32 v1, v3  }
0x59: {  	[hbm4b:s5+s2] =	stream.indirect_vreg.scatter [tilespmem:s13], [sflag:$0x1], $0x80, v4, vm0, $0xb8;
	[tilespmem:$0x10100] =	vst v63  }
0x5a: {  	s14 =	simm.s32 $0x9800  }
0x5b: {  	[hbm4b:s6+s2] =	stream.indirect_vreg.scatter [tilespmem:s14], [sflag:$0x1], $0x80, v4, vm0, $0xb8;
	[tilespmem:$0x10100] =	vst v63  }
0x5c: {  	s15 =	simm.s32 $0xA000  }
0x5d: {  	[hbm4b:s3+s2] =	stream.indirect_vreg.scatter [tilespmem:s15], [sflag:$0x1], $0x80, v3, vm0, $0xb8;
	[tilespmem:$0x10100] =	vst v63  }
0x5e: {  	s19 =	simm.s32 $0xA800  }
0x5f: {  	[hbm4b:s4+s2] =	stream.indirect_vreg.scatter [tilespmem:s19], [sflag:$0x1], $0x80, v3, vm0, $0xb8;
	[tilespmem:$0x10100] =	vst v63  }
0x60: {  	s20 =	simm.s32 $0xB000  }
0x61: {  	[hbm4b:s5+s2] =	stream.indirect_vreg.scatter [tilespmem:s20], [sflag:$0x1], $0x80, v3, vm0, $0xb8;
	[tilespmem:$0x10100] =	vst v63  }
0x62: {  	s26 =	simm.s32 $0xB800  }
0x63: {  	[hbm4b:s6+s2] =	stream.indirect_vreg.scatter [tilespmem:s26], [sflag:$0x1], $0x80, v3, vm0, $0xb8;
	[tilespmem:$0x10100] =	vst v63  }
0x64: {  	v3 =	vld [tilespmem:$0x10030];
	_ =	sdelay $0x4  }
0x65: {  	v35 =	vshll.u32 v3, $0x3  }
0x66: {  	v3 =	vand.u32 $0x7, v3;
	v4 =	vand.u32 $0xFFFFFFC0, v35  }
0x67: {  	v3 =	vor.u32 v3, v4  }
0x68: {  	v4 =	vperm.xlane v3, v0;
	_ =	sdelay $0x1  }
0x69: {  	v4 =	vadd.s32 v1, v4;
	_ =	sdelay $0x3  }
0x6a: {  	s0 =	simm.s32 $0xC000  }
0x6b: {  	[hbm4b:s3+s2] =	stream.indirect_vreg.scatter [tilespmem:s0], [sflag:$0x1], $0x80, v4, vm0, $0xb8;
	[tilespmem:$0x10100] =	vst v63  }
0x6c: {  	s1 =	simm.s32 $0xC800;
	v3 =	vperm.xlane v3, v2  }
0x6d: {  	[hbm4b:s4+s2] =	stream.indirect_vreg.scatter [tilespmem:s1], [sflag:$0x1], $0x80, v4, vm0, $0xb8;
	[tilespmem:$0x10100] =	vst v63  }
0x6e: {  	s7 =	simm.s32 $0xD000;
	v3 =	vadd.s32 v1, v3  }
0x6f: {  	[hbm4b:s5+s2] =	stream.indirect_vreg.scatter [tilespmem:s7], [sflag:$0x1], $0x80, v4, vm0, $0xb8;
	[tilespmem:$0x10100] =	vst v63  }
0x70: {  	s12 =	simm.s32 $0xD800  }
0x71: {  	[hbm4b:s6+s2] =	stream.indirect_vreg.scatter [tilespmem:s12], [sflag:$0x1], $0x80, v4, vm0, $0xb8;
	[tilespmem:$0x10100] =	vst v63  }
0x72: {  	s14 =	simm.s32 $0xE000  }
0x73: {  	[hbm4b:s3+s2] =	stream.indirect_vreg.scatter [tilespmem:s14], [sflag:$0x1], $0x80, v3, vm0, $0xb8;
	[tilespmem:$0x10100] =	vst v63  }
0x74: {  	s15 =	simm.s32 $0xE800  }
0x75: {  	[hbm4b:s4+s2] =	stream.indirect_vreg.scatter [tilespmem:s15], [sflag:$0x1], $0x80, v3, vm0, $0xb8;
	[tilespmem:$0x10100] =	vst v63  }
0x76: {  	s1 =	simm.s32 $0xF000  }
0x77: {  	[hbm4b:s5+s2] =	stream.indirect_vreg.scatter [tilespmem:s1], [sflag:$0x1], $0x80, v3, vm0, $0xb8;
	[tilespmem:$0x10100] =	vst v63  }
0x78: {  	s7 =	simm.s32 $0xF800  }
0x79: {  	[hbm4b:s6+s2] =	stream.indirect_vreg.scatter [tilespmem:s7], [sflag:$0x1], $0x80, v3, vm0, $0xb8;
	[tilespmem:$0x10100] =	vst v63  }
0x7a: {  	_ =	swait.ge [sflag:s18], $0x10000  }
0x7b: {  	[sflag:s18] =	ssyncset.done $0x0  }
0x7c: {  	[sflag:s18] =	ssyncadd.s32 $0xFFFF0000  }
0x7d: {  	v3 =	vld [tilespmem:$0x10080];
	_ =	sdelay $0x4  }
0x7e: {  	v36 =	vshll.u32 v3, $0x3  }
0x7f: {  	v3 =	vand.u32 $0x7, v3;
	v4 =	vand.u32 $0xFFFFFFC0, v36  }
0x80: {  	v3 =	vor.u32 v3, v4  }
0x81: {  	v4 =	vperm.xlane v3, v0;
	_ =	sdelay $0x1  }
0x82: {  	v4 =	vadd.s32 v1, v4;
	_ =	sdelay $0x4  }
0x83: {  	[hbm4b:s3+s2] =	stream.indirect_vreg.scatter [tilespmem:s2], [sflag:$0x1], $0x80, v4, vm0, $0xb8;
	[tilespmem:$0x10100] =	vst v63  }
0x84: {  	s1 =	simm.s32 $0x800;
	v3 =	vperm.xlane v3, v2  }
0x85: {  	[hbm4b:s4+s2] =	stream.indirect_vreg.scatter [tilespmem:s1], [sflag:$0x1], $0x80, v4, vm0, $0xb8;
	[tilespmem:$0x10100] =	vst v63  }
0x86: {  	s21 =	simm.s32 $0x1000;
	v3 =	vadd.s32 v1, v3  }
0x87: {  	[hbm4b:s5+s2] =	stream.indirect_vreg.scatter [tilespmem:s21], [sflag:$0x1], $0x80, v4, vm0, $0xb8;
	[tilespmem:$0x10100] =	vst v63  }
0x88: {  	s22 =	simm.s32 $0x1800  }
0x89: {  	[hbm4b:s6+s2] =	stream.indirect_vreg.scatter [tilespmem:s22], [sflag:$0x1], $0x80, v4, vm0, $0xb8;
	[tilespmem:$0x10100] =	vst v63  }
0x8a: {  	s23 =	simm.s32 $0x2000  }
0x8b: {  	[hbm4b:s3+s2] =	stream.indirect_vreg.scatter [tilespmem:s23], [sflag:$0x1], $0x80, v3, vm0, $0xb8;
	[tilespmem:$0x10100] =	vst v63  }
0x8c: {  	s24 =	simm.s32 $0x2800  }
0x8d: {  	[hbm4b:s4+s2] =	stream.indirect_vreg.scatter [tilespmem:s24], [sflag:$0x1], $0x80, v3, vm0, $0xb8;
	[tilespmem:$0x10100] =	vst v63  }
0x8e: {  	s25 =	simm.s32 $0x3000  }
0x8f: {  	[hbm4b:s5+s2] =	stream.indirect_vreg.scatter [tilespmem:s25], [sflag:$0x1], $0x80, v3, vm0, $0xb8;
	[tilespmem:$0x10100] =	vst v63  }
0x90: {  	s7 =	simm.s32 $0x3800  }
0x91: {  	[hbm4b:s6+s2] =	stream.indirect_vreg.scatter [tilespmem:s7], [sflag:$0x1], $0x80, v3, vm0, $0xb8;
	[tilespmem:$0x10100] =	vst v63  }
0x92: {  	v3 =	vld [tilespmem:$0x10090];
	_ =	sdelay $0x4  }
0x93: {  	v37 =	vshll.u32 v3, $0x3  }
0x94: {  	v3 =	vand.u32 $0x7, v3;
	v4 =	vand.u32 $0xFFFFFFC0, v37  }
0x95: {  	v3 =	vor.u32 v3, v4  }
0x96: {  	v4 =	vperm.xlane v3, v0;
	_ =	sdelay $0x1  }
0x97: {  	v4 =	vadd.s32 v1, v4;
	_ =	sdelay $0x3  }
0x98: {  	s28 =	simm.s32 $0x4000  }
0x99: {  	[hbm4b:s3+s2] =	stream.indirect_vreg.scatter [tilespmem:s28], [sflag:$0x1], $0x80, v4, vm0, $0xb8;
	[tilespmem:$0x10100] =	vst v63  }
0x9a: {  	s29 =	simm.s32 $0x4800;
	v3 =	vperm.xlane v3, v2  }
0x9b: {  	[hbm4b:s4+s2] =	stream.indirect_vreg.scatter [tilespmem:s29], [sflag:$0x1], $0x80, v4, vm0, $0xb8;
	[tilespmem:$0x10100] =	vst v63  }
0x9c: {  	s30 =	simm.s32 $0x5000;
	v3 =	vadd.s32 v1, v3  }
0x9d: {  	[hbm4b:s5+s2] =	stream.indirect_vreg.scatter [tilespmem:s30], [sflag:$0x1], $0x80, v4, vm0, $0xb8;
	[tilespmem:$0x10100] =	vst v63  }
0x9e: {  	s31 =	simm.s32 $0x5800  }
0x9f: {  	[hbm4b:s6+s2] =	stream.indirect_vreg.scatter [tilespmem:s31], [sflag:$0x1], $0x80, v4, vm0, $0xb8;
	[tilespmem:$0x10100] =	vst v63  }
0xa0: {  	s10 =	simm.s32 $0x6000  }
0xa1: {  	[hbm4b:s3+s2] =	stream.indirect_vreg.scatter [tilespmem:s10], [sflag:$0x1], $0x80, v3, vm0, $0xb8;
	[tilespmem:$0x10100] =	vst v63  }
0xa2: {  	s16 =	simm.s32 $0x6800  }
0xa3: {  	[hbm4b:s4+s2] =	stream.indirect_vreg.scatter [tilespmem:s16], [sflag:$0x1], $0x80, v3, vm0, $0xb8;
	[tilespmem:$0x10100] =	vst v63  }
0xa4: {  	s17 =	simm.s32 $0x7000  }
0xa5: {  	[hbm4b:s5+s2] =	stream.indirect_vreg.scatter [tilespmem:s17], [sflag:$0x1], $0x80, v3, vm0, $0xb8;
	[tilespmem:$0x10100] =	vst v63  }
0xa6: {  	s21 =	simm.s32 $0x7800  }
0xa7: {  	[hbm4b:s6+s2] =	stream.indirect_vreg.scatter [tilespmem:s21], [sflag:$0x1], $0x80, v3, vm0, $0xb8;
	[tilespmem:$0x10100] =	vst v63  }
0xa8: {  	v3 =	vld [tilespmem:$0x100A0];
	_ =	sdelay $0x4  }
0xa9: {  	v38 =	vshll.u32 v3, $0x3  }
0xaa: {  	v3 =	vand.u32 $0x7, v3;
	v4 =	vand.u32 $0xFFFFFFC0, v38  }
0xab: {  	v3 =	vor.u32 v3, v4  }
0xac: {  	v4 =	vperm.xlane v3, v0;
	_ =	sdelay $0x1  }
0xad: {  	v4 =	vadd.s32 v1, v4;
	_ =	sdelay $0x3  }
0xae: {  	s22 =	simm.s32 $0x8000  }
0xaf: {  	[hbm4b:s3+s2] =	stream.indirect_vreg.scatter [tilespmem:s22], [sflag:$0x1], $0x80, v4, vm0, $0xb8;
	[tilespmem:$0x10100] =	vst v63  }
0xb0: {  	s10 =	simm.s32 $0x8800;
	v3 =	vperm.xlane v3, v2  }
0xb1: {  	[hbm4b:s4+s2] =	stream.indirect_vreg.scatter [tilespmem:s10], [sflag:$0x1], $0x80, v4, vm0, $0xb8;
	[tilespmem:$0x10100] =	vst v63  }
0xb2: {  	s17 =	simm.s32 $0x9000;
	v3 =	vadd.s32 v1, v3  }
0xb3: {  	[hbm4b:s5+s2] =	stream.indirect_vreg.scatter [tilespmem:s17], [sflag:$0x1], $0x80, v4, vm0, $0xb8;
	[tilespmem:$0x10100] =	vst v63  }
0xb4: {  	s9 =	simm.s32 $0x9800  }
0xb5: {  	[hbm4b:s6+s2] =	stream.indirect_vreg.scatter [tilespmem:s9], [sflag:$0x1], $0x80, v4, vm0, $0xb8;
	[tilespmem:$0x10100] =	vst v63  }
0xb6: {  	s13 =	simm.s32 $0xA000  }
0xb7: {  	[hbm4b:s3+s2] =	stream.indirect_vreg.scatter [tilespmem:s13], [sflag:$0x1], $0x80, v3, vm0, $0xb8;
	[tilespmem:$0x10100] =	vst v63  }
0xb8: {  	s9 =	simm.s32 $0xA800  }
0xb9: {  	[hbm4b:s4+s2] =	stream.indirect_vreg.scatter [tilespmem:s9], [sflag:$0x1], $0x80, v3, vm0, $0xb8;
	[tilespmem:$0x10100] =	vst v63  }
0xba: {  	s20 =	simm.s32 $0xB000  }
0xbb: {  	[hbm4b:s5+s2] =	stream.indirect_vreg.scatter [tilespmem:s20], [sflag:$0x1], $0x80, v3, vm0, $0xb8;
	[tilespmem:$0x10100] =	vst v63  }
0xbc: {  	s26 =	simm.s32 $0xB800  }
0xbd: {  	[hbm4b:s6+s2] =	stream.indirect_vreg.scatter [tilespmem:s26], [sflag:$0x1], $0x80, v3, vm0, $0xb8;
	[tilespmem:$0x10100] =	vst v63  }
0xbe: {  	v3 =	vld [tilespmem:$0x100B0];
	_ =	sdelay $0x4  }
0xbf: {  	v39 =	vshll.u32 v3, $0x3  }
0xc0: {  	v3 =	vand.u32 $0x7, v3;
	v4 =	vand.u32 $0xFFFFFFC0, v39  }
0xc1: {  	v3 =	vor.u32 v3, v4  }
0xc2: {  	v4 =	vperm.xlane v3, v0;
	_ =	sdelay $0x1  }
0xc3: {  	v4 =	vadd.s32 v1, v4;
	_ =	sdelay $0x3  }
0xc4: {  	s0 =	simm.s32 $0xC000  }
0xc5: {  	[hbm4b:s3+s2] =	stream.indirect_vreg.scatter [tilespmem:s0], [sflag:$0x1], $0x80, v4, vm0, $0xb8;
	[tilespmem:$0x10100] =	vst v63  }
0xc6: {  	s11 =	simm.s32 $0xC800;
	v3 =	vperm.xlane v3, v2  }
0xc7: {  	[hbm4b:s4+s2] =	stream.indirect_vreg.scatter [tilespmem:s11], [sflag:$0x1], $0x80, v4, vm0, $0xb8;
	[tilespmem:$0x10100] =	vst v63  }
0xc8: {  	s20 =	simm.s32 $0xD000;
	v3 =	vadd.s32 v1, v3  }
0xc9: {  	[hbm4b:s5+s2] =	stream.indirect_vreg.scatter [tilespmem:s20], [sflag:$0x1], $0x80, v4, vm0, $0xb8;
	[tilespmem:$0x10100] =	vst v63  }
0xca: {  	s26 =	simm.s32 $0xD800  }
0xcb: {  	[hbm4b:s6+s2] =	stream.indirect_vreg.scatter [tilespmem:s26], [sflag:$0x1], $0x80, v4, vm0, $0xb8;
	[tilespmem:$0x10100] =	vst v63  }
0xcc: {  	s12 =	simm.s32 $0xE000  }
0xcd: {  	[hbm4b:s3+s2] =	stream.indirect_vreg.scatter [tilespmem:s12], [sflag:$0x1], $0x80, v3, vm0, $0xb8;
	[tilespmem:$0x10100] =	vst v63  }
0xce: {  	s14 =	simm.s32 $0xE800  }
0xcf: {  	[hbm4b:s4+s2] =	stream.indirect_vreg.scatter [tilespmem:s14], [sflag:$0x1], $0x80, v3, vm0, $0xb8;
	[tilespmem:$0x10100] =	vst v63  }
0xd0: {  	s15 =	simm.s32 $0xF000  }
0xd1: {  	[hbm4b:s5+s2] =	stream.indirect_vreg.scatter [tilespmem:s15], [sflag:$0x1], $0x80, v3, vm0, $0xb8;
	[tilespmem:$0x10100] =	vst v63  }
0xd2: {  	s19 =	simm.s32 $0xF800  }
0xd3: {  	[hbm4b:s6+s2] =	stream.indirect_vreg.scatter [tilespmem:s19], [sflag:$0x1], $0x80, v3, vm0, $0xb8;
	[tilespmem:$0x10100] =	vst v63  }
0xd4: {  	_ =	swait.ge [sflag:s18], $0x10000  }
0xd5: {  	[sflag:s18] =	ssyncset.done $0x0  }
0xd6: {  	s11 =	rddreg [dreg:$0x6];
	[sflag:s18] =	ssyncadd.s32 $0xFFFF0000  }
0xd7: {  	[tilespmem:s2], [sflag:$0x2] =	stream.linear.gather [hbm4b:s11+s2], $0x10000, $0x38;
	[tilespmem:$0x10100] =	vst v63  }
0xd8: {  	_ =	swait.ge [sflag:s8], $0x10000  }
0xd9: {  	[sflag:s8] =	ssyncset.done $0x0  }
0xda: {  	s13 =	simm.s32 $0x10000;
	s12 =	rddreg [dreg:$0x7];
	[sflag:s8] =	ssyncadd.s32 $0xFFFF0000  }
0xdb: {  	[tilespmem:s13], [sflag:$0x2] =	stream.linear.gather [hbm4b:s12+s2], $0x40, $0x38;
	[tilespmem:$0x10100] =	vst v63  }
0xdc: {  	_ =	swait.ge [sflag:s8], $0x40  }
0xdd: {  	[sflag:s8] =	ssyncset.done $0x0  }
0xde: {  	s15 =	simm.s32 $0x10080;
	s14 =	rddreg [dreg:$0x8];
	[sflag:s8] =	ssyncadd.s32 $0xFFFFFFC0  }
0xdf: {  	[tilespmem:s15], [sflag:$0x2] =	stream.linear.gather [hbm4b:s14+s2], $0x40, $0x38;
	[tilespmem:$0x10100] =	vst v63  }
0xe0: {  	_ =	swait.ge [sflag:s8], $0x40  }
0xe1: {  	[sflag:s8] =	ssyncset.done $0x0  }
0xe2: {  	[sflag:s8] =	ssyncadd.s32 $0xFFFFFFC0  }
0xe3: {  	v3 =	vld [tilespmem:$0x10000];
	_ =	sdelay $0x4  }
0xe4: {  	v40 =	vshll.u32 v3, $0x3  }
0xe5: {  	v3 =	vand.u32 $0x7, v3;
	v4 =	vand.u32 $0xFFFFFFC0, v40  }
0xe6: {  	v3 =	vor.u32 v3, v4  }
0xe7: {  	v4 =	vperm.xlane v3, v0;
	_ =	sdelay $0x1  }
0xe8: {  	v4 =	vadd.s32 v1, v4;
	_ =	sdelay $0x4  }
0xe9: {  	[hbm4b:s3+s2] =	stream.indirect_vreg.scatter [tilespmem:s2], [sflag:$0x1], $0x80, v4, vm0, $0xb8;
	[tilespmem:$0x10100] =	vst v63  }
0xea: {  	v3 =	vperm.xlane v3, v2  }
0xeb: {  	[hbm4b:s4+s2] =	stream.indirect_vreg.scatter [tilespmem:s1], [sflag:$0x1], $0x80, v4, vm0, $0xb8;
	[tilespmem:$0x10100] =	vst v63  }
0xec: {  	s19 =	simm.s32 $0x1000;
	v3 =	vadd.s32 v1, v3  }
0xed: {  	[hbm4b:s5+s2] =	stream.indirect_vreg.scatter [tilespmem:s19], [sflag:$0x1], $0x80, v4, vm0, $0xb8;
	[tilespmem:$0x10100] =	vst v63  }
0xee: {  	s0 =	simm.s32 $0x1800  }
0xef: {  	[hbm4b:s6+s2] =	stream.indirect_vreg.scatter [tilespmem:s0], [sflag:$0x1], $0x80, v4, vm0, $0xb8;
	[tilespmem:$0x10100] =	vst v63  }
0xf0: {  	s23 =	simm.s32 $0x2000  }
0xf1: {  	[hbm4b:s3+s2] =	stream.indirect_vreg.scatter [tilespmem:s23], [sflag:$0x1], $0x80, v3, vm0, $0xb8;
	[tilespmem:$0x10100] =	vst v63  }
0xf2: {  	s24 =	simm.s32 $0x2800  }
0xf3: {  	[hbm4b:s4+s2] =	stream.indirect_vreg.scatter [tilespmem:s24], [sflag:$0x1], $0x80, v3, vm0, $0xb8;
	[tilespmem:$0x10100] =	vst v63  }
0xf4: {  	s25 =	simm.s32 $0x3000  }
0xf5: {  	[hbm4b:s5+s2] =	stream.indirect_vreg.scatter [tilespmem:s25], [sflag:$0x1], $0x80, v3, vm0, $0xb8;
	[tilespmem:$0x10100] =	vst v63  }
0xf6: {  	_ = 	snop  }
0xf7: {  	[hbm4b:s6+s2] =	stream.indirect_vreg.scatter [tilespmem:s7], [sflag:$0x1], $0x80, v3, vm0, $0xb8;
	[tilespmem:$0x10100] =	vst v63  }
0xf8: {  	v3 =	vld [tilespmem:$0x10010];
	_ =	sdelay $0x4  }
0xf9: {  	v41 =	vshll.u32 v3, $0x3  }
0xfa: {  	v3 =	vand.u32 $0x7, v3;
	v4 =	vand.u32 $0xFFFFFFC0, v41  }
0xfb: {  	v3 =	vor.u32 v3, v4  }
0xfc: {  	v4 =	vperm.xlane v3, v0;
	_ =	sdelay $0x1  }
0xfd: {  	v4 =	vadd.s32 v1, v4;
	_ =	sdelay $0x3  }
0xfe: {  	s28 =	simm.s32 $0x4000  }
0xff: {  	[hbm4b:s3+s2] =	stream.indirect_vreg.scatter [tilespmem:s28], [sflag:$0x1], $0x80, v4, vm0, $0xb8;
	[tilespmem:$0x10100] =	vst v63  }
0x100: {  	s29 =	simm.s32 $0x4800;
	v3 =	vperm.xlane v3, v2  }
0x101: {  	[hbm4b:s4+s2] =	stream.indirect_vreg.scatter [tilespmem:s29], [sflag:$0x1], $0x80, v4, vm0, $0xb8;
	[tilespmem:$0x10100] =	vst v63  }
0x102: {  	s30 =	simm.s32 $0x5000;
	v3 =	vadd.s32 v1, v3  }
0x103: {  	[hbm4b:s5+s2] =	stream.indirect_vreg.scatter [tilespmem:s30], [sflag:$0x1], $0x80, v4, vm0, $0xb8;
	[tilespmem:$0x10100] =	vst v63  }
0x104: {  	s31 =	simm.s32 $0x5800  }
0x105: {  	[hbm4b:s6+s2] =	stream.indirect_vreg.scatter [tilespmem:s31], [sflag:$0x1], $0x80, v4, vm0, $0xb8;
	[tilespmem:$0x10100] =	vst v63  }
0x106: {  	s23 =	simm.s32 $0x6000  }
0x107: {  	[hbm4b:s3+s2] =	stream.indirect_vreg.scatter [tilespmem:s23], [sflag:$0x1], $0x80, v3, vm0, $0xb8;
	[tilespmem:$0x10100] =	vst v63  }
0x108: {  	s16 =	simm.s32 $0x6800  }
0x109: {  	[hbm4b:s4+s2] =	stream.indirect_vreg.scatter [tilespmem:s16], [sflag:$0x1], $0x80, v3, vm0, $0xb8;
	[tilespmem:$0x10100] =	vst v63  }
0x10a: {  	s7 =	simm.s32 $0x7000  }
0x10b: {  	[hbm4b:s5+s2] =	stream.indirect_vreg.scatter [tilespmem:s7], [sflag:$0x1], $0x80, v3, vm0, $0xb8;
	[tilespmem:$0x10100] =	vst v63  }
0x10c: {  	_ = 	snop  }
0x10d: {  	[hbm4b:s6+s2] =	stream.indirect_vreg.scatter [tilespmem:s21], [sflag:$0x1], $0x80, v3, vm0, $0xb8;
	[tilespmem:$0x10100] =	vst v63  }
0x10e: {  	v3 =	vld [tilespmem:$0x10020];
	_ =	sdelay $0x4  }
0x10f: {  	v42 =	vshll.u32 v3, $0x3  }
0x110: {  	v3 =	vand.u32 $0x7, v3;
	v4 =	vand.u32 $0xFFFFFFC0, v42  }
0x111: {  	v3 =	vor.u32 v3, v4  }
0x112: {  	v4 =	vperm.xlane v3, v0;
	_ =	sdelay $0x1  }
0x113: {  	v4 =	vadd.s32 v1, v4;
	_ =	sdelay $0x4  }
0x114: {  	[hbm4b:s3+s2] =	stream.indirect_vreg.scatter [tilespmem:s22], [sflag:$0x1], $0x80, v4, vm0, $0xb8;
	[tilespmem:$0x10100] =	vst v63  }
0x115: {  	v3 =	vperm.xlane v3, v2  }
0x116: {  	[hbm4b:s4+s2] =	stream.indirect_vreg.scatter [tilespmem:s10], [sflag:$0x1], $0x80, v4, vm0, $0xb8;
	[tilespmem:$0x10100] =	vst v63  }
0x117: {  	s14 =	simm.s32 $0x9000;
	v3 =	vadd.s32 v1, v3  }
0x118: {  	[hbm4b:s5+s2] =	stream.indirect_vreg.scatter [tilespmem:s14], [sflag:$0x1], $0x80, v4, vm0, $0xb8;
	[tilespmem:$0x10100] =	vst v63  }
0x119: {  	s19 =	simm.s32 $0x9800  }
0x11a: {  	[hbm4b:s6+s2] =	stream.indirect_vreg.scatter [tilespmem:s19], [sflag:$0x1], $0x80, v4, vm0, $0xb8;
	[tilespmem:$0x10100] =	vst v63  }
0x11b: {  	s7 =	simm.s32 $0xA000  }
0x11c: {  	[hbm4b:s3+s2] =	stream.indirect_vreg.scatter [tilespmem:s7], [sflag:$0x1], $0x80, v3, vm0, $0xb8;
	[tilespmem:$0x10100] =	vst v63  }
0x11d: {  	_ = 	snop  }
0x11e: {  	[hbm4b:s4+s2] =	stream.indirect_vreg.scatter [tilespmem:s9], [sflag:$0x1], $0x80, v3, vm0, $0xb8;
	[tilespmem:$0x10100] =	vst v63  }
0x11f: {  	s19 =	simm.s32 $0xB000  }
0x120: {  	[hbm4b:s5+s2] =	stream.indirect_vreg.scatter [tilespmem:s19], [sflag:$0x1], $0x80, v3, vm0, $0xb8;
	[tilespmem:$0x10100] =	vst v63  }
0x121: {  	s9 =	simm.s32 $0xB800  }
0x122: {  	[hbm4b:s6+s2] =	stream.indirect_vreg.scatter [tilespmem:s9], [sflag:$0x1], $0x80, v3, vm0, $0xb8;
	[tilespmem:$0x10100] =	vst v63  }
0x123: {  	v3 =	vld [tilespmem:$0x10030];
	_ =	sdelay $0x4  }
0x124: {  	v43 =	vshll.u32 v3, $0x3  }
0x125: {  	v3 =	vand.u32 $0x7, v3;
	v4 =	vand.u32 $0xFFFFFFC0, v43  }
0x126: {  	v3 =	vor.u32 v3, v4  }
0x127: {  	v4 =	vperm.xlane v3, v0;
	_ =	sdelay $0x1  }
0x128: {  	v4 =	vadd.s32 v1, v4;
	_ =	sdelay $0x3  }
0x129: {  	s10 =	simm.s32 $0xC000  }
0x12a: {  	[hbm4b:s3+s2] =	stream.indirect_vreg.scatter [tilespmem:s10], [sflag:$0x1], $0x80, v4, vm0, $0xb8;
	[tilespmem:$0x10100] =	vst v63  }
0x12b: {  	s14 =	simm.s32 $0xC800;
	v3 =	vperm.xlane v3, v2  }
0x12c: {  	[hbm4b:s4+s2] =	stream.indirect_vreg.scatter [tilespmem:s14], [sflag:$0x1], $0x80, v4, vm0, $0xb8;
	[tilespmem:$0x10100] =	vst v63  }
0x12d: {  	s7 =	simm.s32 $0xD000;
	v3 =	vadd.s32 v1, v3  }
0x12e: {  	[hbm4b:s5+s2] =	stream.indirect_vreg.scatter [tilespmem:s7], [sflag:$0x1], $0x80, v4, vm0, $0xb8;
	[tilespmem:$0x10100] =	vst v63  }
0x12f: {  	s10 =	simm.s32 $0xD800  }
0x130: {  	[hbm4b:s6+s2] =	stream.indirect_vreg.scatter [tilespmem:s10], [sflag:$0x1], $0x80, v4, vm0, $0xb8;
	[tilespmem:$0x10100] =	vst v63  }
0x131: {  	s17 =	simm.s32 $0xE000  }
0x132: {  	[hbm4b:s3+s2] =	stream.indirect_vreg.scatter [tilespmem:s17], [sflag:$0x1], $0x80, v3, vm0, $0xb8;
	[tilespmem:$0x10100] =	vst v63  }
0x133: {  	s1 =	simm.s32 $0xE800  }
0x134: {  	[hbm4b:s4+s2] =	stream.indirect_vreg.scatter [tilespmem:s1], [sflag:$0x1], $0x80, v3, vm0, $0xb8;
	[tilespmem:$0x10100] =	vst v63  }
0x135: {  	s1 =	simm.s32 $0xF000  }
0x136: {  	[hbm4b:s5+s2] =	stream.indirect_vreg.scatter [tilespmem:s1], [sflag:$0x1], $0x80, v3, vm0, $0xb8;
	[tilespmem:$0x10100] =	vst v63  }
0x137: {  	s20 =	simm.s32 $0xF800  }
0x138: {  	[hbm4b:s6+s2] =	stream.indirect_vreg.scatter [tilespmem:s20], [sflag:$0x1], $0x80, v3, vm0, $0xb8;
	[tilespmem:$0x10100] =	vst v63  }
0x139: {  	_ =	swait.ge [sflag:s18], $0x10000  }
0x13a: {  	[sflag:s18] =	ssyncset.done $0x0  }
0x13b: {  	[sflag:s18] =	ssyncadd.s32 $0xFFFF0000  }
0x13c: {  	v3 =	vld [tilespmem:$0x10080];
	_ =	sdelay $0x4  }
0x13d: {  	v44 =	vshll.u32 v3, $0x3  }
0x13e: {  	v3 =	vand.u32 $0x7, v3;
	v4 =	vand.u32 $0xFFFFFFC0, v44  }
0x13f: {  	v3 =	vor.u32 v3, v4  }
0x140: {  	v4 =	vperm.xlane v3, v0;
	_ =	sdelay $0x1  }
0x141: {  	v4 =	vadd.s32 v1, v4;
	_ =	sdelay $0x4  }
0x142: {  	[hbm4b:s3+s2] =	stream.indirect_vreg.scatter [tilespmem:s2], [sflag:$0x1], $0x80, v4, vm0, $0xb8;
	[tilespmem:$0x10100] =	vst v63  }
0x143: {  	s11 =	simm.s32 $0x800;
	v3 =	vperm.xlane v3, v2  }
0x144: {  	[hbm4b:s4+s2] =	stream.indirect_vreg.scatter [tilespmem:s11], [sflag:$0x1], $0x80, v4, vm0, $0xb8;
	[tilespmem:$0x10100] =	vst v63  }
0x145: {  	s12 =	simm.s32 $0x1000;
	v3 =	vadd.s32 v1, v3  }
0x146: {  	[hbm4b:s5+s2] =	stream.indirect_vreg.scatter [tilespmem:s12], [sflag:$0x1], $0x80, v4, vm0, $0xb8;
	[tilespmem:$0x10100] =	vst v63  }
0x147: {  	_ = 	snop  }
0x148: {  	[hbm4b:s6+s2] =	stream.indirect_vreg.scatter [tilespmem:s0], [sflag:$0x1], $0x80, v4, vm0, $0xb8;
	[tilespmem:$0x10100] =	vst v63  }
0x149: {  	s26 =	simm.s32 $0x2000  }
0x14a: {  	[hbm4b:s3+s2] =	stream.indirect_vreg.scatter [tilespmem:s26], [sflag:$0x1], $0x80, v3, vm0, $0xb8;
	[tilespmem:$0x10100] =	vst v63  }
0x14b: {  	s24 =	simm.s32 $0x2800  }
0x14c: {  	[hbm4b:s4+s2] =	stream.indirect_vreg.scatter [tilespmem:s24], [sflag:$0x1], $0x80, v3, vm0, $0xb8;
	[tilespmem:$0x10100] =	vst v63  }
0x14d: {  	s25 =	simm.s32 $0x3000  }
0x14e: {  	[hbm4b:s5+s2] =	stream.indirect_vreg.scatter [tilespmem:s25], [sflag:$0x1], $0x80, v3, vm0, $0xb8;
	[tilespmem:$0x10100] =	vst v63  }
0x14f: {  	s13 =	simm.s32 $0x3800  }
0x150: {  	[hbm4b:s6+s2] =	stream.indirect_vreg.scatter [tilespmem:s13], [sflag:$0x1], $0x80, v3, vm0, $0xb8;
	[tilespmem:$0x10100] =	vst v63  }
0x151: {  	v3 =	vld [tilespmem:$0x10090];
	_ =	sdelay $0x4  }
0x152: {  	v45 =	vshll.u32 v3, $0x3  }
0x153: {  	v3 =	vand.u32 $0x7, v3;
	v4 =	vand.u32 $0xFFFFFFC0, v45  }
0x154: {  	v3 =	vor.u32 v3, v4  }
0x155: {  	v4 =	vperm.xlane v3, v0;
	_ =	sdelay $0x1  }
0x156: {  	v4 =	vadd.s32 v1, v4;
	_ =	sdelay $0x3  }
0x157: {  	s28 =	simm.s32 $0x4000  }
0x158: {  	[hbm4b:s3+s2] =	stream.indirect_vreg.scatter [tilespmem:s28], [sflag:$0x1], $0x80, v4, vm0, $0xb8;
	[tilespmem:$0x10100] =	vst v63  }
0x159: {  	s29 =	simm.s32 $0x4800;
	v3 =	vperm.xlane v3, v2  }
0x15a: {  	[hbm4b:s4+s2] =	stream.indirect_vreg.scatter [tilespmem:s29], [sflag:$0x1], $0x80, v4, vm0, $0xb8;
	[tilespmem:$0x10100] =	vst v63  }
0x15b: {  	s30 =	simm.s32 $0x5000;
	v3 =	vadd.s32 v1, v3  }
0x15c: {  	[hbm4b:s5+s2] =	stream.indirect_vreg.scatter [tilespmem:s30], [sflag:$0x1], $0x80, v4, vm0, $0xb8;
	[tilespmem:$0x10100] =	vst v63  }
0x15d: {  	s31 =	simm.s32 $0x5800  }
0x15e: {  	[hbm4b:s6+s2] =	stream.indirect_vreg.scatter [tilespmem:s31], [sflag:$0x1], $0x80, v4, vm0, $0xb8;
	[tilespmem:$0x10100] =	vst v63  }
0x15f: {  	s15 =	simm.s32 $0x6000  }
0x160: {  	[hbm4b:s3+s2] =	stream.indirect_vreg.scatter [tilespmem:s15], [sflag:$0x1], $0x80, v3, vm0, $0xb8;
	[tilespmem:$0x10100] =	vst v63  }
0x161: {  	s31 =	simm.s32 $0x6800  }
0x162: {  	[hbm4b:s4+s2] =	stream.indirect_vreg.scatter [tilespmem:s31], [sflag:$0x1], $0x80, v3, vm0, $0xb8;
	[tilespmem:$0x10100] =	vst v63  }
0x163: {  	s16 =	simm.s32 $0x7000  }
0x164: {  	[hbm4b:s5+s2] =	stream.indirect_vreg.scatter [tilespmem:s16], [sflag:$0x1], $0x80, v3, vm0, $0xb8;
	[tilespmem:$0x10100] =	vst v63  }
0x165: {  	s21 =	simm.s32 $0x7800  }
0x166: {  	[hbm4b:s6+s2] =	stream.indirect_vreg.scatter [tilespmem:s21], [sflag:$0x1], $0x80, v3, vm0, $0xb8;
	[tilespmem:$0x10100] =	vst v63  }
0x167: {  	v3 =	vld [tilespmem:$0x100A0];
	_ =	sdelay $0x4  }
0x168: {  	v46 =	vshll.u32 v3, $0x3  }
0x169: {  	v3 =	vand.u32 $0x7, v3;
	v4 =	vand.u32 $0xFFFFFFC0, v46  }
0x16a: {  	v3 =	vor.u32 v3, v4  }
0x16b: {  	v4 =	vperm.xlane v3, v0;
	_ =	sdelay $0x1  }
0x16c: {  	v4 =	vadd.s32 v1, v4;
	_ =	sdelay $0x3  }
0x16d: {  	s22 =	simm.s32 $0x8000  }
0x16e: {  	[hbm4b:s3+s2] =	stream.indirect_vreg.scatter [tilespmem:s22], [sflag:$0x1], $0x80, v4, vm0, $0xb8;
	[tilespmem:$0x10100] =	vst v63  }
0x16f: {  	s23 =	simm.s32 $0x8800;
	v3 =	vperm.xlane v3, v2  }
0x170: {  	[hbm4b:s4+s2] =	stream.indirect_vreg.scatter [tilespmem:s23], [sflag:$0x1], $0x80, v4, vm0, $0xb8;
	[tilespmem:$0x10100] =	vst v63  }
0x171: {  	s24 =	simm.s32 $0x9000;
	v3 =	vadd.s32 v1, v3  }
0x172: {  	[hbm4b:s5+s2] =	stream.indirect_vreg.scatter [tilespmem:s24], [sflag:$0x1], $0x80, v4, vm0, $0xb8;
	[tilespmem:$0x10100] =	vst v63  }
0x173: {  	s25 =	simm.s32 $0x9800  }
0x174: {  	[hbm4b:s6+s2] =	stream.indirect_vreg.scatter [tilespmem:s25], [sflag:$0x1], $0x80, v4, vm0, $0xb8;
	[tilespmem:$0x10100] =	vst v63  }
0x175: {  	s26 =	simm.s32 $0xA000  }
0x176: {  	[hbm4b:s3+s2] =	stream.indirect_vreg.scatter [tilespmem:s26], [sflag:$0x1], $0x80, v3, vm0, $0xb8;
	[tilespmem:$0x10100] =	vst v63  }
0x177: {  	s28 =	simm.s32 $0xA800  }
0x178: {  	[hbm4b:s4+s2] =	stream.indirect_vreg.scatter [tilespmem:s28], [sflag:$0x1], $0x80, v3, vm0, $0xb8;
	[tilespmem:$0x10100] =	vst v63  }
0x179: {  	_ = 	snop  }
0x17a: {  	[hbm4b:s5+s2] =	stream.indirect_vreg.scatter [tilespmem:s19], [sflag:$0x1], $0x80, v3, vm0, $0xb8;
	[tilespmem:$0x10100] =	vst v63  }
0x17b: {  	_ = 	snop  }
0x17c: {  	[hbm4b:s6+s2] =	stream.indirect_vreg.scatter [tilespmem:s9], [sflag:$0x1], $0x80, v3, vm0, $0xb8;
	[tilespmem:$0x10100] =	vst v63  }
0x17d: {  	v3 =	vld [tilespmem:$0x100B0];
	_ =	sdelay $0x4  }
0x17e: {  	v47 =	vshll.u32 v3, $0x3  }
0x17f: {  	v3 =	vand.u32 $0x7, v3;
	v4 =	vand.u32 $0xFFFFFFC0, v47  }
0x180: {  	v3 =	vor.u32 v3, v4  }
0x181: {  	v4 =	vperm.xlane v3, v0;
	_ =	sdelay $0x1  }
0x182: {  	v4 =	vadd.s32 v1, v4;
	_ =	sdelay $0x3  }
0x183: {  	s29 =	simm.s32 $0xC000  }
0x184: {  	[hbm4b:s3+s2] =	stream.indirect_vreg.scatter [tilespmem:s29], [sflag:$0x1], $0x80, v4, vm0, $0xb8;
	[tilespmem:$0x10100] =	vst v63  }
0x185: {  	s30 =	simm.s32 $0xC800;
	v3 =	vperm.xlane v3, v2  }
0x186: {  	[hbm4b:s4+s2] =	stream.indirect_vreg.scatter [tilespmem:s30], [sflag:$0x1], $0x80, v4, vm0, $0xb8;
	[tilespmem:$0x10100] =	vst v63  }
0x187: {  	v3 =	vadd.s32 v1, v3  }
0x188: {  	[hbm4b:s5+s2] =	stream.indirect_vreg.scatter [tilespmem:s7], [sflag:$0x1], $0x80, v4, vm0, $0xb8;
	[tilespmem:$0x10100] =	vst v63  }
0x189: {  	_ = 	snop  }
0x18a: {  	[hbm4b:s6+s2] =	stream.indirect_vreg.scatter [tilespmem:s10], [sflag:$0x1], $0x80, v4, vm0, $0xb8;
	[tilespmem:$0x10100] =	vst v63  }
0x18b: {  	s17 =	simm.s32 $0xE000  }
0x18c: {  	[hbm4b:s3+s2] =	stream.indirect_vreg.scatter [tilespmem:s17], [sflag:$0x1], $0x80, v3, vm0, $0xb8;
	[tilespmem:$0x10100] =	vst v63  }
0x18d: {  	s14 =	simm.s32 $0xE800  }
0x18e: {  	[hbm4b:s4+s2] =	stream.indirect_vreg.scatter [tilespmem:s14], [sflag:$0x1], $0x80, v3, vm0, $0xb8;
	[tilespmem:$0x10100] =	vst v63  }
0x18f: {  	_ = 	snop  }
0x190: {  	[hbm4b:s5+s2] =	stream.indirect_vreg.scatter [tilespmem:s1], [sflag:$0x1], $0x80, v3, vm0, $0xb8;
	[tilespmem:$0x10100] =	vst v63  }
0x191: {  	s20 =	simm.s32 $0xF800  }
0x192: {  	[hbm4b:s6+s2] =	stream.indirect_vreg.scatter [tilespmem:s20], [sflag:$0x1], $0x80, v3, vm0, $0xb8;
	[tilespmem:$0x10100] =	vst v63  }
0x193: {  	_ =	swait.ge [sflag:s18], $0x10000  }
0x194: {  	[sflag:s18] =	ssyncset.done $0x0  }
0x195: {  	s31 =	rddreg [dreg:$0x9];
	[sflag:s18] =	ssyncadd.s32 $0xFFFF0000  }
0x196: {  	[tilespmem:s2], [sflag:$0x2] =	stream.linear.gather [hbm4b:s31+s2], $0x10000, $0x38;
	[tilespmem:$0x10100] =	vst v63  }
0x197: {  	_ =	swait.ge [sflag:s8], $0x10000  }
0x198: {  	[sflag:s8] =	ssyncset.done $0x0  }
0x199: {  	s1 =	simm.s32 $0x10000;
	s0 =	rddreg [dreg:$0xa];
	[sflag:s8] =	ssyncadd.s32 $0xFFFF0000  }
0x19a: {  	[tilespmem:s1], [sflag:$0x2] =	stream.linear.gather [hbm4b:s0+s2], $0x40, $0x38;
	[tilespmem:$0x10100] =	vst v63  }
0x19b: {  	_ =	swait.ge [sflag:s8], $0x40  }
0x19c: {  	[sflag:s8] =	ssyncset.done $0x0  }
0x19d: {  	s10 =	simm.s32 $0x10080;
	s7 =	rddreg [dreg:$0xb];
	[sflag:s8] =	ssyncadd.s32 $0xFFFFFFC0  }
0x19e: {  	[tilespmem:s10], [sflag:$0x2] =	stream.linear.gather [hbm4b:s7+s2], $0x40, $0x38;
	[tilespmem:$0x10100] =	vst v63  }
0x19f: {  	_ =	swait.ge [sflag:s8], $0x40  }
0x1a0: {  	[sflag:s8] =	ssyncset.done $0x0  }
0x1a1: {  	[sflag:s8] =	ssyncadd.s32 $0xFFFFFFC0  }
0x1a2: {  	v3 =	vld [tilespmem:$0x10000];
	_ =	sdelay $0x4  }
0x1a3: {  	v48 =	vshll.u32 v3, $0x3  }
0x1a4: {  	v3 =	vand.u32 $0x7, v3;
	v4 =	vand.u32 $0xFFFFFFC0, v48  }
0x1a5: {  	v3 =	vor.u32 v3, v4  }
0x1a6: {  	v4 =	vperm.xlane v3, v0;
	_ =	sdelay $0x1  }
0x1a7: {  	v4 =	vadd.s32 v1, v4;
	_ =	sdelay $0x4  }
0x1a8: {  	[hbm4b:s3+s2] =	stream.indirect_vreg.scatter [tilespmem:s2], [sflag:$0x1], $0x80, v4, vm0, $0xb8;
	[tilespmem:$0x10100] =	vst v63  }
0x1a9: {  	s20 =	simm.s32 $0x800;
	v3 =	vperm.xlane v3, v2  }
0x1aa: {  	[hbm4b:s4+s2] =	stream.indirect_vreg.scatter [tilespmem:s20], [sflag:$0x1], $0x80, v4, vm0, $0xb8;
	[tilespmem:$0x10100] =	vst v63  }
0x1ab: {  	s24 =	simm.s32 $0x1000;
	v3 =	vadd.s32 v1, v3  }
0x1ac: {  	[hbm4b:s5+s2] =	stream.indirect_vreg.scatter [tilespmem:s24], [sflag:$0x1], $0x80, v4, vm0, $0xb8;
	[tilespmem:$0x10100] =	vst v63  }
0x1ad: {  	s25 =	simm.s32 $0x1800  }
0x1ae: {  	[hbm4b:s6+s2] =	stream.indirect_vreg.scatter [tilespmem:s25], [sflag:$0x1], $0x80, v4, vm0, $0xb8;
	[tilespmem:$0x10100] =	vst v63  }
0x1af: {  	s29 =	simm.s32 $0x2000  }
0x1b0: {  	[hbm4b:s3+s2] =	stream.indirect_vreg.scatter [tilespmem:s29], [sflag:$0x1], $0x80, v3, vm0, $0xb8;
	[tilespmem:$0x10100] =	vst v63  }
0x1b1: {  	s30 =	simm.s32 $0x2800  }
0x1b2: {  	[hbm4b:s4+s2] =	stream.indirect_vreg.scatter [tilespmem:s30], [sflag:$0x1], $0x80, v3, vm0, $0xb8;
	[tilespmem:$0x10100] =	vst v63  }
0x1b3: {  	s31 =	simm.s32 $0x3000  }
0x1b4: {  	[hbm4b:s5+s2] =	stream.indirect_vreg.scatter [tilespmem:s31], [sflag:$0x1], $0x80, v3, vm0, $0xb8;
	[tilespmem:$0x10100] =	vst v63  }
0x1b5: {  	s28 =	simm.s32 $0x3800  }
0x1b6: {  	[hbm4b:s6+s2] =	stream.indirect_vreg.scatter [tilespmem:s28], [sflag:$0x1], $0x80, v3, vm0, $0xb8;
	[tilespmem:$0x10100] =	vst v63  }
0x1b7: {  	v3 =	vld [tilespmem:$0x10010];
	_ =	sdelay $0x4  }
0x1b8: {  	v49 =	vshll.u32 v3, $0x3  }
0x1b9: {  	v3 =	vand.u32 $0x7, v3;
	v4 =	vand.u32 $0xFFFFFFC0, v49  }
0x1ba: {  	v3 =	vor.u32 v3, v4  }
0x1bb: {  	v4 =	vperm.xlane v3, v0;
	_ =	sdelay $0x1  }
0x1bc: {  	v4 =	vadd.s32 v1, v4;
	_ =	sdelay $0x3  }
0x1bd: {  	s12 =	simm.s32 $0x4000  }
0x1be: {  	[hbm4b:s3+s2] =	stream.indirect_vreg.scatter [tilespmem:s12], [sflag:$0x1], $0x80, v4, vm0, $0xb8;
	[tilespmem:$0x10100] =	vst v63  }
0x1bf: {  	s7 =	simm.s32 $0x4800;
	v3 =	vperm.xlane v3, v2  }
0x1c0: {  	[hbm4b:s4+s2] =	stream.indirect_vreg.scatter [tilespmem:s7], [sflag:$0x1], $0x80, v4, vm0, $0xb8;
	[tilespmem:$0x10100] =	vst v63  }
0x1c1: {  	s23 =	simm.s32 $0x5000;
	v3 =	vadd.s32 v1, v3  }
0x1c2: {  	[hbm4b:s5+s2] =	stream.indirect_vreg.scatter [tilespmem:s23], [sflag:$0x1], $0x80, v4, vm0, $0xb8;
	[tilespmem:$0x10100] =	vst v63  }
0x1c3: {  	s26 =	simm.s32 $0x5800  }
0x1c4: {  	[hbm4b:s6+s2] =	stream.indirect_vreg.scatter [tilespmem:s26], [sflag:$0x1], $0x80, v4, vm0, $0xb8;
	[tilespmem:$0x10100] =	vst v63  }
0x1c5: {  	s12 =	simm.s32 $0x6000  }
0x1c6: {  	[hbm4b:s3+s2] =	stream.indirect_vreg.scatter [tilespmem:s12], [sflag:$0x1], $0x80, v3, vm0, $0xb8;
	[tilespmem:$0x10100] =	vst v63  }
0x1c7: {  	s13 =	simm.s32 $0x6800  }
0x1c8: {  	[hbm4b:s4+s2] =	stream.indirect_vreg.scatter [tilespmem:s13], [sflag:$0x1], $0x80, v3, vm0, $0xb8;
	[tilespmem:$0x10100] =	vst v63  }
0x1c9: {  	s14 =	simm.s32 $0x7000  }
0x1ca: {  	[hbm4b:s5+s2] =	stream.indirect_vreg.scatter [tilespmem:s14], [sflag:$0x1], $0x80, v3, vm0, $0xb8;
	[tilespmem:$0x10100] =	vst v63  }
0x1cb: {  	s11 =	simm.s32 $0x7800  }
0x1cc: {  	[hbm4b:s6+s2] =	stream.indirect_vreg.scatter [tilespmem:s11], [sflag:$0x1], $0x80, v3, vm0, $0xb8;
	[tilespmem:$0x10100] =	vst v63  }
0x1cd: {  	v3 =	vld [tilespmem:$0x10020];
	_ =	sdelay $0x4  }
0x1ce: {  	v50 =	vshll.u32 v3, $0x3  }
0x1cf: {  	v3 =	vand.u32 $0x7, v3;
	v4 =	vand.u32 $0xFFFFFFC0, v50  }
0x1d0: {  	v3 =	vor.u32 v3, v4  }
0x1d1: {  	v4 =	vperm.xlane v3, v0;
	_ =	sdelay $0x1  }
0x1d2: {  	v4 =	vadd.s32 v1, v4;
	_ =	sdelay $0x3  }
0x1d3: {  	s21 =	simm.s32 $0x8000  }
0x1d4: {  	[hbm4b:s3+s2] =	stream.indirect_vreg.scatter [tilespmem:s21], [sflag:$0x1], $0x80, v4, vm0, $0xb8;
	[tilespmem:$0x10100] =	vst v63  }
0x1d5: {  	s15 =	simm.s32 $0x8800;
	v3 =	vperm.xlane v3, v2  }
0x1d6: {  	[hbm4b:s4+s2] =	stream.indirect_vreg.scatter [tilespmem:s15], [sflag:$0x1], $0x80, v4, vm0, $0xb8;
	[tilespmem:$0x10100] =	vst v63  }
0x1d7: {  	v3 =	vadd.s32 v1, v3;
	s15 =	simm.s32 $0x9000  }
0x1d8: {  	[hbm4b:s5+s2] =	stream.indirect_vreg.scatter [tilespmem:s15], [sflag:$0x1], $0x80, v4, vm0, $0xb8;
	[tilespmem:$0x10100] =	vst v63  }
0x1d9: {  	s16 =	simm.s32 $0x9800  }
0x1da: {  	[hbm4b:s6+s2] =	stream.indirect_vreg.scatter [tilespmem:s16], [sflag:$0x1], $0x80, v4, vm0, $0xb8;
	[tilespmem:$0x10100] =	vst v63  }
0x1db: {  	s17 =	simm.s32 $0xA000  }
0x1dc: {  	[hbm4b:s3+s2] =	stream.indirect_vreg.scatter [tilespmem:s17], [sflag:$0x1], $0x80, v3, vm0, $0xb8;
	[tilespmem:$0x10100] =	vst v63  }
0x1dd: {  	s19 =	simm.s32 $0xA800  }
0x1de: {  	[hbm4b:s4+s2] =	stream.indirect_vreg.scatter [tilespmem:s19], [sflag:$0x1], $0x80, v3, vm0, $0xb8;
	[tilespmem:$0x10100] =	vst v63  }
0x1df: {  	s22 =	simm.s32 $0xB000  }
0x1e0: {  	[hbm4b:s5+s2] =	stream.indirect_vreg.scatter [tilespmem:s22], [sflag:$0x1], $0x80, v3, vm0, $0xb8;
	[tilespmem:$0x10100] =	vst v63  }
0x1e1: {  	s9 =	simm.s32 $0xB800  }
0x1e2: {  	[hbm4b:s6+s2] =	stream.indirect_vreg.scatter [tilespmem:s9], [sflag:$0x1], $0x80, v3, vm0, $0xb8;
	[tilespmem:$0x10100] =	vst v63  }
0x1e3: {  	v3 =	vld [tilespmem:$0x10030];
	_ =	sdelay $0x4  }
0x1e4: {  	v51 =	vshll.u32 v3, $0x3  }
0x1e5: {  	v3 =	vand.u32 $0x7, v3;
	v4 =	vand.u32 $0xFFFFFFC0, v51  }
0x1e6: {  	v3 =	vor.u32 v3, v4  }
0x1e7: {  	v4 =	vperm.xlane v3, v0;
	_ =	sdelay $0x1  }
0x1e8: {  	v4 =	vadd.s32 v1, v4;
	_ =	sdelay $0x3  }
0x1e9: {  	s21 =	simm.s32 $0xC000  }
0x1ea: {  	[hbm4b:s3+s2] =	stream.indirect_vreg.scatter [tilespmem:s21], [sflag:$0x1], $0x80, v4, vm0, $0xb8;
	[tilespmem:$0x10100] =	vst v63  }
0x1eb: {  	s22 =	simm.s32 $0xC800;
	v3 =	vperm.xlane v3, v2  }
0x1ec: {  	[hbm4b:s4+s2] =	stream.indirect_vreg.scatter [tilespmem:s22], [sflag:$0x1], $0x80, v4, vm0, $0xb8;
	[tilespmem:$0x10100] =	vst v63  }
0x1ed: {  	s11 =	simm.s32 $0xD000;
	v3 =	vadd.s32 v1, v3  }
0x1ee: {  	[hbm4b:s5+s2] =	stream.indirect_vreg.scatter [tilespmem:s11], [sflag:$0x1], $0x80, v4, vm0, $0xb8;
	[tilespmem:$0x10100] =	vst v63  }
0x1ef: {  	s1 =	simm.s32 $0xD800  }
0x1f0: {  	[hbm4b:s6+s2] =	stream.indirect_vreg.scatter [tilespmem:s1], [sflag:$0x1], $0x80, v4, vm0, $0xb8;
	[tilespmem:$0x10100] =	vst v63  }
0x1f1: {  	s9 =	simm.s32 $0xE000  }
0x1f2: {  	[hbm4b:s3+s2] =	stream.indirect_vreg.scatter [tilespmem:s9], [sflag:$0x1], $0x80, v3, vm0, $0xb8;
	[tilespmem:$0x10100] =	vst v63  }
0x1f3: {  	s10 =	simm.s32 $0xE800  }
0x1f4: {  	[hbm4b:s4+s2] =	stream.indirect_vreg.scatter [tilespmem:s10], [sflag:$0x1], $0x80, v3, vm0, $0xb8;
	[tilespmem:$0x10100] =	vst v63  }
0x1f5: {  	s11 =	simm.s32 $0xF000  }
0x1f6: {  	[hbm4b:s5+s2] =	stream.indirect_vreg.scatter [tilespmem:s11], [sflag:$0x1], $0x80, v3, vm0, $0xb8;
	[tilespmem:$0x10100] =	vst v63  }
0x1f7: {  	s0 =	simm.s32 $0xF800  }
0x1f8: {  	[hbm4b:s6+s2] =	stream.indirect_vreg.scatter [tilespmem:s0], [sflag:$0x1], $0x80, v3, vm0, $0xb8;
	[tilespmem:$0x10100] =	vst v63  }
0x1f9: {  	_ =	swait.ge [sflag:s18], $0x10000  }
0x1fa: {  	[sflag:s18] =	ssyncset.done $0x0  }
0x1fb: {  	[sflag:s18] =	ssyncadd.s32 $0xFFFF0000  }
0x1fc: {  	v3 =	vld [tilespmem:$0x10080];
	_ =	sdelay $0x4  }
0x1fd: {  	v52 =	vshll.u32 v3, $0x3  }
0x1fe: {  	v3 =	vand.u32 $0x7, v3;
	v4 =	vand.u32 $0xFFFFFFC0, v52  }
0x1ff: {  	v3 =	vor.u32 v3, v4  }
0x200: {  	v4 =	vperm.xlane v3, v0;
	_ =	sdelay $0x1  }
0x201: {  	v4 =	vadd.s32 v1, v4;
	_ =	sdelay $0x4  }
0x202: {  	[hbm4b:s3+s2] =	stream.indirect_vreg.scatter [tilespmem:s2], [sflag:$0x1], $0x80, v4, vm0, $0xb8;
	[tilespmem:$0x10100] =	vst v63  }
0x203: {  	v3 =	vperm.xlane v3, v2  }
0x204: {  	[hbm4b:s4+s2] =	stream.indirect_vreg.scatter [tilespmem:s20], [sflag:$0x1], $0x80, v4, vm0, $0xb8;
	[tilespmem:$0x10100] =	vst v63  }
0x205: {  	v3 =	vadd.s32 v1, v3  }
0x206: {  	[hbm4b:s5+s2] =	stream.indirect_vreg.scatter [tilespmem:s24], [sflag:$0x1], $0x80, v4, vm0, $0xb8;
	[tilespmem:$0x10100] =	vst v63  }
0x207: {  	_ = 	snop  }
0x208: {  	[hbm4b:s6+s2] =	stream.indirect_vreg.scatter [tilespmem:s25], [sflag:$0x1], $0x80, v4, vm0, $0xb8;
	[tilespmem:$0x10100] =	vst v63  }
0x209: {  	_ = 	snop  }
0x20a: {  	[hbm4b:s3+s2] =	stream.indirect_vreg.scatter [tilespmem:s29], [sflag:$0x1], $0x80, v3, vm0, $0xb8;
	[tilespmem:$0x10100] =	vst v63  }
0x20b: {  	_ = 	snop  }
0x20c: {  	[hbm4b:s4+s2] =	stream.indirect_vreg.scatter [tilespmem:s30], [sflag:$0x1], $0x80, v3, vm0, $0xb8;
	[tilespmem:$0x10100] =	vst v63  }
0x20d: {  	_ = 	snop  }
0x20e: {  	[hbm4b:s5+s2] =	stream.indirect_vreg.scatter [tilespmem:s31], [sflag:$0x1], $0x80, v3, vm0, $0xb8;
	[tilespmem:$0x10100] =	vst v63  }
0x20f: {  	_ = 	snop  }
0x210: {  	[hbm4b:s6+s2] =	stream.indirect_vreg.scatter [tilespmem:s28], [sflag:$0x1], $0x80, v3, vm0, $0xb8;
	[tilespmem:$0x10100] =	vst v63  }
0x211: {  	v3 =	vld [tilespmem:$0x10090];
	_ =	sdelay $0x4  }
0x212: {  	v53 =	vshll.u32 v3, $0x3  }
0x213: {  	v3 =	vand.u32 $0x7, v3;
	v4 =	vand.u32 $0xFFFFFFC0, v53  }
0x214: {  	v3 =	vor.u32 v3, v4  }
0x215: {  	v4 =	vperm.xlane v3, v0;
	_ =	sdelay $0x1  }
0x216: {  	v4 =	vadd.s32 v1, v4;
	_ =	sdelay $0x3  }
0x217: {  	s31 =	simm.s32 $0x4000  }
0x218: {  	[hbm4b:s3+s2] =	stream.indirect_vreg.scatter [tilespmem:s31], [sflag:$0x1], $0x80, v4, vm0, $0xb8;
	[tilespmem:$0x10100] =	vst v63  }
0x219: {  	v3 =	vperm.xlane v3, v2  }
0x21a: {  	[hbm4b:s4+s2] =	stream.indirect_vreg.scatter [tilespmem:s7], [sflag:$0x1], $0x80, v4, vm0, $0xb8;
	[tilespmem:$0x10100] =	vst v63  }
0x21b: {  	v3 =	vadd.s32 v1, v3  }
0x21c: {  	[hbm4b:s5+s2] =	stream.indirect_vreg.scatter [tilespmem:s23], [sflag:$0x1], $0x80, v4, vm0, $0xb8;
	[tilespmem:$0x10100] =	vst v63  }
0x21d: {  	_ = 	snop  }
0x21e: {  	[hbm4b:s6+s2] =	stream.indirect_vreg.scatter [tilespmem:s26], [sflag:$0x1], $0x80, v4, vm0, $0xb8;
	[tilespmem:$0x10100] =	vst v63  }
0x21f: {  	_ = 	snop  }
0x220: {  	[hbm4b:s3+s2] =	stream.indirect_vreg.scatter [tilespmem:s12], [sflag:$0x1], $0x80, v3, vm0, $0xb8;
	[tilespmem:$0x10100] =	vst v63  }
0x221: {  	_ = 	snop  }
0x222: {  	[hbm4b:s4+s2] =	stream.indirect_vreg.scatter [tilespmem:s13], [sflag:$0x1], $0x80, v3, vm0, $0xb8;
	[tilespmem:$0x10100] =	vst v63  }
0x223: {  	_ = 	snop  }
0x224: {  	[hbm4b:s5+s2] =	stream.indirect_vreg.scatter [tilespmem:s14], [sflag:$0x1], $0x80, v3, vm0, $0xb8;
	[tilespmem:$0x10100] =	vst v63  }
0x225: {  	s12 =	simm.s32 $0x7800  }
0x226: {  	[hbm4b:s6+s2] =	stream.indirect_vreg.scatter [tilespmem:s12], [sflag:$0x1], $0x80, v3, vm0, $0xb8;
	[tilespmem:$0x10100] =	vst v63  }
0x227: {  	v3 =	vld [tilespmem:$0x100A0];
	_ =	sdelay $0x4  }
0x228: {  	v54 =	vshll.u32 v3, $0x3  }
0x229: {  	v3 =	vand.u32 $0x7, v3;
	v4 =	vand.u32 $0xFFFFFFC0, v54  }
0x22a: {  	v3 =	vor.u32 v3, v4  }
0x22b: {  	v4 =	vperm.xlane v3, v0;
	_ =	sdelay $0x1  }
0x22c: {  	v4 =	vadd.s32 v1, v4;
	_ =	sdelay $0x3  }
0x22d: {  	s13 =	simm.s32 $0x8000  }
0x22e: {  	[hbm4b:s3+s2] =	stream.indirect_vreg.scatter [tilespmem:s13], [sflag:$0x1], $0x80, v4, vm0, $0xb8;
	[tilespmem:$0x10100] =	vst v63  }
0x22f: {  	s14 =	simm.s32 $0x8800;
	v3 =	vperm.xlane v3, v2  }
0x230: {  	[hbm4b:s4+s2] =	stream.indirect_vreg.scatter [tilespmem:s14], [sflag:$0x1], $0x80, v4, vm0, $0xb8;
	[tilespmem:$0x10100] =	vst v63  }
0x231: {  	v3 =	vadd.s32 v1, v3  }
0x232: {  	[hbm4b:s5+s2] =	stream.indirect_vreg.scatter [tilespmem:s15], [sflag:$0x1], $0x80, v4, vm0, $0xb8;
	[tilespmem:$0x10100] =	vst v63  }
0x233: {  	_ = 	snop  }
0x234: {  	[hbm4b:s6+s2] =	stream.indirect_vreg.scatter [tilespmem:s16], [sflag:$0x1], $0x80, v4, vm0, $0xb8;
	[tilespmem:$0x10100] =	vst v63  }
0x235: {  	_ = 	snop  }
0x236: {  	[hbm4b:s3+s2] =	stream.indirect_vreg.scatter [tilespmem:s17], [sflag:$0x1], $0x80, v3, vm0, $0xb8;
	[tilespmem:$0x10100] =	vst v63  }
0x237: {  	_ = 	snop  }
0x238: {  	[hbm4b:s4+s2] =	stream.indirect_vreg.scatter [tilespmem:s19], [sflag:$0x1], $0x80, v3, vm0, $0xb8;
	[tilespmem:$0x10100] =	vst v63  }
0x239: {  	s17 =	simm.s32 $0xB000  }
0x23a: {  	[hbm4b:s5+s2] =	stream.indirect_vreg.scatter [tilespmem:s17], [sflag:$0x1], $0x80, v3, vm0, $0xb8;
	[tilespmem:$0x10100] =	vst v63  }
0x23b: {  	s19 =	simm.s32 $0xB800  }
0x23c: {  	[hbm4b:s6+s2] =	stream.indirect_vreg.scatter [tilespmem:s19], [sflag:$0x1], $0x80, v3, vm0, $0xb8;
	[tilespmem:$0x10100] =	vst v63  }
0x23d: {  	v3 =	vld [tilespmem:$0x100B0];
	_ =	sdelay $0x4  }
0x23e: {  	v55 =	vshll.u32 v3, $0x3  }
0x23f: {  	v3 =	vand.u32 $0x7, v3;
	v4 =	vand.u32 $0xFFFFFFC0, v55  }
0x240: {  	v3 =	vor.u32 v3, v4  }
0x241: {  	v4 =	vperm.xlane v3, v0;
	_ =	sdelay $0x1  }
0x242: {  	v4 =	vadd.s32 v1, v4;
	_ =	sdelay $0x4  }
0x243: {  	[hbm4b:s3+s2] =	stream.indirect_vreg.scatter [tilespmem:s21], [sflag:$0x1], $0x80, v4, vm0, $0xb8;
	[tilespmem:$0x10100] =	vst v63  }
0x244: {  	v3 =	vperm.xlane v3, v2  }
0x245: {  	[hbm4b:s4+s2] =	stream.indirect_vreg.scatter [tilespmem:s22], [sflag:$0x1], $0x80, v4, vm0, $0xb8;
	[tilespmem:$0x10100] =	vst v63  }
0x246: {  	v3 =	vadd.s32 v1, v3;
	s21 =	simm.s32 $0xD000  }
0x247: {  	[hbm4b:s5+s2] =	stream.indirect_vreg.scatter [tilespmem:s21], [sflag:$0x1], $0x80, v4, vm0, $0xb8;
	[tilespmem:$0x10100] =	vst v63  }
0x248: {  	_ = 	snop  }
0x249: {  	[hbm4b:s6+s2] =	stream.indirect_vreg.scatter [tilespmem:s1], [sflag:$0x1], $0x80, v4, vm0, $0xb8;
	[tilespmem:$0x10100] =	vst v63  }
0x24a: {  	_ = 	snop  }
0x24b: {  	[hbm4b:s3+s2] =	stream.indirect_vreg.scatter [tilespmem:s9], [sflag:$0x1], $0x80, v3, vm0, $0xb8;
	[tilespmem:$0x10100] =	vst v63  }
0x24c: {  	_ = 	snop  }
0x24d: {  	[hbm4b:s4+s2] =	stream.indirect_vreg.scatter [tilespmem:s10], [sflag:$0x1], $0x80, v3, vm0, $0xb8;
	[tilespmem:$0x10100] =	vst v63  }
0x24e: {  	_ = 	snop  }
0x24f: {  	[hbm4b:s5+s2] =	stream.indirect_vreg.scatter [tilespmem:s11], [sflag:$0x1], $0x80, v3, vm0, $0xb8;
	[tilespmem:$0x10100] =	vst v63  }
0x250: {  	s22 =	simm.s32 $0xF800  }
0x251: {  	[hbm4b:s6+s2] =	stream.indirect_vreg.scatter [tilespmem:s22], [sflag:$0x1], $0x80, v3, vm0, $0xb8;
	[tilespmem:$0x10100] =	vst v63  }
0x252: {  	_ =	swait.ge [sflag:s18], $0x10000  }
0x253: {  	[sflag:s18] =	ssyncset.done $0x0  }
0x254: {  	s0 =	rddreg [dreg:$0xc];
	[sflag:s18] =	ssyncadd.s32 $0xFFFF0000  }
0x255: {  	[tilespmem:s2], [sflag:$0x2] =	stream.linear.gather [hbm4b:s0+s2], $0x10000, $0x38;
	[tilespmem:$0x10100] =	vst v63  }
0x256: {  	_ =	swait.ge [sflag:s8], $0x10000  }
0x257: {  	[sflag:s8] =	ssyncset.done $0x0  }
0x258: {  	s9 =	simm.s32 $0x10000;
	s1 =	rddreg [dreg:$0xd];
	[sflag:s8] =	ssyncadd.s32 $0xFFFF0000  }
0x259: {  	[tilespmem:s9], [sflag:$0x2] =	stream.linear.gather [hbm4b:s1+s2], $0x40, $0x38;
	[tilespmem:$0x10100] =	vst v63  }
0x25a: {  	_ =	swait.ge [sflag:s8], $0x40  }
0x25b: {  	[sflag:s8] =	ssyncset.done $0x0  }
0x25c: {  	s11 =	simm.s32 $0x10080;
	s10 =	rddreg [dreg:$0xe];
	[sflag:s8] =	ssyncadd.s32 $0xFFFFFFC0  }
0x25d: {  	[tilespmem:s11], [sflag:$0x2] =	stream.linear.gather [hbm4b:s10+s2], $0x40, $0x38;
	[tilespmem:$0x10100] =	vst v63  }
0x25e: {  	_ =	swait.ge [sflag:s8], $0x40  }
0x25f: {  	[sflag:s8] =	ssyncset.done $0x0  }
0x260: {  	[sflag:s8] =	ssyncadd.s32 $0xFFFFFFC0  }
0x261: {  	v3 =	vld [tilespmem:$0x10000];
	_ =	sdelay $0x4  }
0x262: {  	v56 =	vshll.u32 v3, $0x3  }
0x263: {  	v3 =	vand.u32 $0x7, v3;
	v4 =	vand.u32 $0xFFFFFFC0, v56  }
0x264: {  	v3 =	vor.u32 v3, v4  }
0x265: {  	v4 =	vperm.xlane v3, v0;
	_ =	sdelay $0x1  }
0x266: {  	v4 =	vadd.s32 v1, v4;
	_ =	sdelay $0x4  }
0x267: {  	[hbm4b:s3+s2] =	stream.indirect_vreg.scatter [tilespmem:s2], [sflag:$0x1], $0x80, v4, vm0, $0xb8;
	[tilespmem:$0x10100] =	vst v63  }
0x268: {  	s20 =	simm.s32 $0x800;
	v3 =	vperm.xlane v3, v2  }
0x269: {  	[hbm4b:s4+s2] =	stream.indirect_vreg.scatter [tilespmem:s20], [sflag:$0x1], $0x80, v4, vm0, $0xb8;
	[tilespmem:$0x10100] =	vst v63  }
0x26a: {  	s16 =	simm.s32 $0x1000;
	v3 =	vadd.s32 v1, v3  }
0x26b: {  	[hbm4b:s5+s2] =	stream.indirect_vreg.scatter [tilespmem:s16], [sflag:$0x1], $0x80, v4, vm0, $0xb8;
	[tilespmem:$0x10100] =	vst v63  }
0x26c: {  	s17 =	simm.s32 $0x1800  }
0x26d: {  	[hbm4b:s6+s2] =	stream.indirect_vreg.scatter [tilespmem:s17], [sflag:$0x1], $0x80, v4, vm0, $0xb8;
	[tilespmem:$0x10100] =	vst v63  }
0x26e: {  	s19 =	simm.s32 $0x2000  }
0x26f: {  	[hbm4b:s3+s2] =	stream.indirect_vreg.scatter [tilespmem:s19], [sflag:$0x1], $0x80, v3, vm0, $0xb8;
	[tilespmem:$0x10100] =	vst v63  }
0x270: {  	s21 =	simm.s32 $0x2800  }
0x271: {  	[hbm4b:s4+s2] =	stream.indirect_vreg.scatter [tilespmem:s21], [sflag:$0x1], $0x80, v3, vm0, $0xb8;
	[tilespmem:$0x10100] =	vst v63  }
0x272: {  	s22 =	simm.s32 $0x3000  }
0x273: {  	[hbm4b:s5+s2] =	stream.indirect_vreg.scatter [tilespmem:s22], [sflag:$0x1], $0x80, v3, vm0, $0xb8;
	[tilespmem:$0x10100] =	vst v63  }
0x274: {  	s29 =	simm.s32 $0x3800  }
0x275: {  	[hbm4b:s6+s2] =	stream.indirect_vreg.scatter [tilespmem:s29], [sflag:$0x1], $0x80, v3, vm0, $0xb8;
	[tilespmem:$0x10100] =	vst v63  }
0x276: {  	v3 =	vld [tilespmem:$0x10010];
	_ =	sdelay $0x4  }
0x277: {  	v57 =	vshll.u32 v3, $0x3  }
0x278: {  	v3 =	vand.u32 $0x7, v3;
	v4 =	vand.u32 $0xFFFFFFC0, v57  }
0x279: {  	v3 =	vor.u32 v3, v4  }
0x27a: {  	v4 =	vperm.xlane v3, v0;
	_ =	sdelay $0x1  }
0x27b: {  	v4 =	vadd.s32 v1, v4;
	_ =	sdelay $0x3  }
0x27c: {  	s1 =	simm.s32 $0x4000  }
0x27d: {  	[hbm4b:s3+s2] =	stream.indirect_vreg.scatter [tilespmem:s1], [sflag:$0x1], $0x80, v4, vm0, $0xb8;
	[tilespmem:$0x10100] =	vst v63  }
0x27e: {  	s24 =	simm.s32 $0x4800;
	v3 =	vperm.xlane v3, v2  }
0x27f: {  	[hbm4b:s4+s2] =	stream.indirect_vreg.scatter [tilespmem:s24], [sflag:$0x1], $0x80, v4, vm0, $0xb8;
	[tilespmem:$0x10100] =	vst v63  }
0x280: {  	s25 =	simm.s32 $0x5000;
	v3 =	vadd.s32 v1, v3  }
0x281: {  	[hbm4b:s5+s2] =	stream.indirect_vreg.scatter [tilespmem:s25], [sflag:$0x1], $0x80, v4, vm0, $0xb8;
	[tilespmem:$0x10100] =	vst v63  }
0x282: {  	s28 =	simm.s32 $0x5800  }
0x283: {  	[hbm4b:s6+s2] =	stream.indirect_vreg.scatter [tilespmem:s28], [sflag:$0x1], $0x80, v4, vm0, $0xb8;
	[tilespmem:$0x10100] =	vst v63  }
0x284: {  	s23 =	simm.s32 $0x6000  }
0x285: {  	[hbm4b:s3+s2] =	stream.indirect_vreg.scatter [tilespmem:s23], [sflag:$0x1], $0x80, v3, vm0, $0xb8;
	[tilespmem:$0x10100] =	vst v63  }
0x286: {  	s26 =	simm.s32 $0x6800  }
0x287: {  	[hbm4b:s4+s2] =	stream.indirect_vreg.scatter [tilespmem:s26], [sflag:$0x1], $0x80, v3, vm0, $0xb8;
	[tilespmem:$0x10100] =	vst v63  }
0x288: {  	s30 =	simm.s32 $0x7000  }
0x289: {  	[hbm4b:s5+s2] =	stream.indirect_vreg.scatter [tilespmem:s30], [sflag:$0x1], $0x80, v3, vm0, $0xb8;
	[tilespmem:$0x10100] =	vst v63  }
0x28a: {  	s17 =	simm.s32 $0x7800  }
0x28b: {  	[hbm4b:s6+s2] =	stream.indirect_vreg.scatter [tilespmem:s17], [sflag:$0x1], $0x80, v3, vm0, $0xb8;
	[tilespmem:$0x10100] =	vst v63  }
0x28c: {  	v3 =	vld [tilespmem:$0x10020];
	_ =	sdelay $0x4  }
0x28d: {  	v58 =	vshll.u32 v3, $0x3  }
0x28e: {  	v3 =	vand.u32 $0x7, v3;
	v4 =	vand.u32 $0xFFFFFFC0, v58  }
0x28f: {  	v3 =	vor.u32 v3, v4  }
0x290: {  	v4 =	vperm.xlane v3, v0;
	_ =	sdelay $0x1  }
0x291: {  	v4 =	vadd.s32 v1, v4;
	_ =	sdelay $0x3  }
0x292: {  	s19 =	simm.s32 $0x8000  }
0x293: {  	[hbm4b:s3+s2] =	stream.indirect_vreg.scatter [tilespmem:s19], [sflag:$0x1], $0x80, v4, vm0, $0xb8;
	[tilespmem:$0x10100] =	vst v63  }
0x294: {  	s21 =	simm.s32 $0x8800;
	v3 =	vperm.xlane v3, v2  }
0x295: {  	[hbm4b:s4+s2] =	stream.indirect_vreg.scatter [tilespmem:s21], [sflag:$0x1], $0x80, v4, vm0, $0xb8;
	[tilespmem:$0x10100] =	vst v63  }
0x296: {  	s31 =	simm.s32 $0x9000;
	v3 =	vadd.s32 v1, v3  }
0x297: {  	[hbm4b:s5+s2] =	stream.indirect_vreg.scatter [tilespmem:s31], [sflag:$0x1], $0x80, v4, vm0, $0xb8;
	[tilespmem:$0x10100] =	vst v63  }
0x298: {  	s22 =	simm.s32 $0x9800  }
0x299: {  	[hbm4b:s6+s2] =	stream.indirect_vreg.scatter [tilespmem:s22], [sflag:$0x1], $0x80, v4, vm0, $0xb8;
	[tilespmem:$0x10100] =	vst v63  }
0x29a: {  	s1 =	simm.s32 $0xA000  }
0x29b: {  	[hbm4b:s3+s2] =	stream.indirect_vreg.scatter [tilespmem:s1], [sflag:$0x1], $0x80, v3, vm0, $0xb8;
	[tilespmem:$0x10100] =	vst v63  }
0x29c: {  	s7 =	simm.s32 $0xA800  }
0x29d: {  	[hbm4b:s4+s2] =	stream.indirect_vreg.scatter [tilespmem:s7], [sflag:$0x1], $0x80, v3, vm0, $0xb8;
	[tilespmem:$0x10100] =	vst v63  }
0x29e: {  	s19 =	simm.s32 $0xB000  }
0x29f: {  	[hbm4b:s5+s2] =	stream.indirect_vreg.scatter [tilespmem:s19], [sflag:$0x1], $0x80, v3, vm0, $0xb8;
	[tilespmem:$0x10100] =	vst v63  }
0x2a0: {  	s19 =	simm.s32 $0xB800  }
0x2a1: {  	[hbm4b:s6+s2] =	stream.indirect_vreg.scatter [tilespmem:s19], [sflag:$0x1], $0x80, v3, vm0, $0xb8;
	[tilespmem:$0x10100] =	vst v63  }
0x2a2: {  	v3 =	vld [tilespmem:$0x10030];
	_ =	sdelay $0x4  }
0x2a3: {  	v59 =	vshll.u32 v3, $0x3  }
0x2a4: {  	v3 =	vand.u32 $0x7, v3;
	v4 =	vand.u32 $0xFFFFFFC0, v59  }
0x2a5: {  	v3 =	vor.u32 v3, v4  }
0x2a6: {  	v4 =	vperm.xlane v3, v0;
	_ =	sdelay $0x1  }
0x2a7: {  	v4 =	vadd.s32 v1, v4;
	_ =	sdelay $0x3  }
0x2a8: {  	s22 =	simm.s32 $0xC000  }
0x2a9: {  	[hbm4b:s3+s2] =	stream.indirect_vreg.scatter [tilespmem:s22], [sflag:$0x1], $0x80, v4, vm0, $0xb8;
	[tilespmem:$0x10100] =	vst v63  }
0x2aa: {  	s1 =	simm.s32 $0xC800;
	v3 =	vperm.xlane v3, v2  }
0x2ab: {  	[hbm4b:s4+s2] =	stream.indirect_vreg.scatter [tilespmem:s1], [sflag:$0x1], $0x80, v4, vm0, $0xb8;
	[tilespmem:$0x10100] =	vst v63  }
0x2ac: {  	s0 =	simm.s32 $0xD000;
	v3 =	vadd.s32 v1, v3  }
0x2ad: {  	[hbm4b:s5+s2] =	stream.indirect_vreg.scatter [tilespmem:s0], [sflag:$0x1], $0x80, v4, vm0, $0xb8;
	[tilespmem:$0x10100] =	vst v63  }
0x2ae: {  	s12 =	simm.s32 $0xD800  }
0x2af: {  	[hbm4b:s6+s2] =	stream.indirect_vreg.scatter [tilespmem:s12], [sflag:$0x1], $0x80, v4, vm0, $0xb8;
	[tilespmem:$0x10100] =	vst v63  }
0x2b0: {  	s13 =	simm.s32 $0xE000  }
0x2b1: {  	[hbm4b:s3+s2] =	stream.indirect_vreg.scatter [tilespmem:s13], [sflag:$0x1], $0x80, v3, vm0, $0xb8;
	[tilespmem:$0x10100] =	vst v63  }
0x2b2: {  	s14 =	simm.s32 $0xE800  }
0x2b3: {  	[hbm4b:s4+s2] =	stream.indirect_vreg.scatter [tilespmem:s14], [sflag:$0x1], $0x80, v3, vm0, $0xb8;
	[tilespmem:$0x10100] =	vst v63  }
0x2b4: {  	s15 =	simm.s32 $0xF000  }
0x2b5: {  	[hbm4b:s5+s2] =	stream.indirect_vreg.scatter [tilespmem:s15], [sflag:$0x1], $0x80, v3, vm0, $0xb8;
	[tilespmem:$0x10100] =	vst v63  }
0x2b6: {  	s1 =	simm.s32 $0xF800  }
0x2b7: {  	[hbm4b:s6+s2] =	stream.indirect_vreg.scatter [tilespmem:s1], [sflag:$0x1], $0x80, v3, vm0, $0xb8;
	[tilespmem:$0x10100] =	vst v63  }
0x2b8: {  	_ =	swait.ge [sflag:s18], $0x10000  }
0x2b9: {  	[sflag:s18] =	ssyncset.done $0x0  }
0x2ba: {  	[sflag:s18] =	ssyncadd.s32 $0xFFFF0000  }
0x2bb: {  	v3 =	vld [tilespmem:$0x10080];
	_ =	sdelay $0x4  }
0x2bc: {  	v60 =	vshll.u32 v3, $0x3  }
0x2bd: {  	v3 =	vand.u32 $0x7, v3;
	v4 =	vand.u32 $0xFFFFFFC0, v60  }
0x2be: {  	v3 =	vor.u32 v3, v4  }
0x2bf: {  	v4 =	vperm.xlane v3, v0;
	_ =	sdelay $0x1  }
0x2c0: {  	v4 =	vadd.s32 v1, v4;
	_ =	sdelay $0x4  }
0x2c1: {  	[hbm4b:s3+s2] =	stream.indirect_vreg.scatter [tilespmem:s2], [sflag:$0x1], $0x80, v4, vm0, $0xb8;
	[tilespmem:$0x10100] =	vst v63  }
0x2c2: {  	s20 =	simm.s32 $0x800;
	v3 =	vperm.xlane v3, v2  }
0x2c3: {  	[hbm4b:s4+s2] =	stream.indirect_vreg.scatter [tilespmem:s20], [sflag:$0x1], $0x80, v4, vm0, $0xb8;
	[tilespmem:$0x10100] =	vst v63  }
0x2c4: {  	v3 =	vadd.s32 v1, v3;
	s20 =	simm.s32 $0x1000  }
0x2c5: {  	[hbm4b:s5+s2] =	stream.indirect_vreg.scatter [tilespmem:s20], [sflag:$0x1], $0x80, v4, vm0, $0xb8;
	[tilespmem:$0x10100] =	vst v63  }
0x2c6: {  	s9 =	simm.s32 $0x1800  }
0x2c7: {  	[hbm4b:s6+s2] =	stream.indirect_vreg.scatter [tilespmem:s9], [sflag:$0x1], $0x80, v4, vm0, $0xb8;
	[tilespmem:$0x10100] =	vst v63  }
0x2c8: {  	s10 =	simm.s32 $0x2000  }
0x2c9: {  	[hbm4b:s3+s2] =	stream.indirect_vreg.scatter [tilespmem:s10], [sflag:$0x1], $0x80, v3, vm0, $0xb8;
	[tilespmem:$0x10100] =	vst v63  }
0x2ca: {  	s11 =	simm.s32 $0x2800  }
0x2cb: {  	[hbm4b:s4+s2] =	stream.indirect_vreg.scatter [tilespmem:s11], [sflag:$0x1], $0x80, v3, vm0, $0xb8;
	[tilespmem:$0x10100] =	vst v63  }
0x2cc: {  	s16 =	simm.s32 $0x3000  }
0x2cd: {  	[hbm4b:s5+s2] =	stream.indirect_vreg.scatter [tilespmem:s16], [sflag:$0x1], $0x80, v3, vm0, $0xb8;
	[tilespmem:$0x10100] =	vst v63  }
0x2ce: {  	s29 =	simm.s32 $0x3800  }
0x2cf: {  	[hbm4b:s6+s2] =	stream.indirect_vreg.scatter [tilespmem:s29], [sflag:$0x1], $0x80, v3, vm0, $0xb8;
	[tilespmem:$0x10100] =	vst v63  }
0x2d0: {  	v3 =	vld [tilespmem:$0x10090];
	_ =	sdelay $0x4  }
0x2d1: {  	v61 =	vshll.u32 v3, $0x3  }
0x2d2: {  	v3 =	vand.u32 $0x7, v3;
	v4 =	vand.u32 $0xFFFFFFC0, v61  }
0x2d3: {  	v3 =	vor.u32 v3, v4  }
0x2d4: {  	v4 =	vperm.xlane v3, v0;
	_ =	sdelay $0x1  }
0x2d5: {  	v4 =	vadd.s32 v1, v4;
	_ =	sdelay $0x3  }
0x2d6: {  	s20 =	simm.s32 $0x4000  }
0x2d7: {  	[hbm4b:s3+s2] =	stream.indirect_vreg.scatter [tilespmem:s20], [sflag:$0x1], $0x80, v4, vm0, $0xb8;
	[tilespmem:$0x10100] =	vst v63  }
0x2d8: {  	s24 =	simm.s32 $0x4800;
	v3 =	vperm.xlane v3, v2  }
0x2d9: {  	[hbm4b:s4+s2] =	stream.indirect_vreg.scatter [tilespmem:s24], [sflag:$0x1], $0x80, v4, vm0, $0xb8;
	[tilespmem:$0x10100] =	vst v63  }
0x2da: {  	s25 =	simm.s32 $0x5000;
	v3 =	vadd.s32 v1, v3  }
0x2db: {  	[hbm4b:s5+s2] =	stream.indirect_vreg.scatter [tilespmem:s25], [sflag:$0x1], $0x80, v4, vm0, $0xb8;
	[tilespmem:$0x10100] =	vst v63  }
0x2dc: {  	s28 =	simm.s32 $0x5800  }
0x2dd: {  	[hbm4b:s6+s2] =	stream.indirect_vreg.scatter [tilespmem:s28], [sflag:$0x1], $0x80, v4, vm0, $0xb8;
	[tilespmem:$0x10100] =	vst v63  }
0x2de: {  	s23 =	simm.s32 $0x6000  }
0x2df: {  	[hbm4b:s3+s2] =	stream.indirect_vreg.scatter [tilespmem:s23], [sflag:$0x1], $0x80, v3, vm0, $0xb8;
	[tilespmem:$0x10100] =	vst v63  }
0x2e0: {  	s26 =	simm.s32 $0x6800  }
0x2e1: {  	[hbm4b:s4+s2] =	stream.indirect_vreg.scatter [tilespmem:s26], [sflag:$0x1], $0x80, v3, vm0, $0xb8;
	[tilespmem:$0x10100] =	vst v63  }
0x2e2: {  	s30 =	simm.s32 $0x7000  }
0x2e3: {  	[hbm4b:s5+s2] =	stream.indirect_vreg.scatter [tilespmem:s30], [sflag:$0x1], $0x80, v3, vm0, $0xb8;
	[tilespmem:$0x10100] =	vst v63  }
0x2e4: {  	s24 =	simm.s32 $0x7800  }
0x2e5: {  	[hbm4b:s6+s2] =	stream.indirect_vreg.scatter [tilespmem:s24], [sflag:$0x1], $0x80, v3, vm0, $0xb8;
	[tilespmem:$0x10100] =	vst v63  }
0x2e6: {  	v3 =	vld [tilespmem:$0x100A0];
	_ =	sdelay $0x4  }
0x2e7: {  	v62 =	vshll.u32 v3, $0x3  }
0x2e8: {  	v3 =	vand.u32 $0x7, v3;
	v4 =	vand.u32 $0xFFFFFFC0, v62  }
0x2e9: {  	v3 =	vor.u32 v3, v4  }
0x2ea: {  	v4 =	vperm.xlane v3, v0;
	_ =	sdelay $0x1  }
0x2eb: {  	v4 =	vadd.s32 v1, v4;
	_ =	sdelay $0x3  }
0x2ec: {  	s25 =	simm.s32 $0x8000  }
0x2ed: {  	[hbm4b:s3+s2] =	stream.indirect_vreg.scatter [tilespmem:s25], [sflag:$0x1], $0x80, v4, vm0, $0xb8;
	[tilespmem:$0x10100] =	vst v63  }
0x2ee: {  	s26 =	simm.s32 $0x8800;
	v3 =	vperm.xlane v3, v2  }
0x2ef: {  	[hbm4b:s4+s2] =	stream.indirect_vreg.scatter [tilespmem:s26], [sflag:$0x1], $0x80, v4, vm0, $0xb8;
	[tilespmem:$0x10100] =	vst v63  }
0x2f0: {  	s31 =	simm.s32 $0x9000;
	v3 =	vadd.s32 v1, v3  }
0x2f1: {  	[hbm4b:s5+s2] =	stream.indirect_vreg.scatter [tilespmem:s31], [sflag:$0x1], $0x80, v4, vm0, $0xb8;
	[tilespmem:$0x10100] =	vst v63  }
0x2f2: {  	s17 =	simm.s32 $0x9800  }
0x2f3: {  	[hbm4b:s6+s2] =	stream.indirect_vreg.scatter [tilespmem:s17], [sflag:$0x1], $0x80, v4, vm0, $0xb8;
	[tilespmem:$0x10100] =	vst v63  }
0x2f4: {  	s21 =	simm.s32 $0xA000  }
0x2f5: {  	[hbm4b:s3+s2] =	stream.indirect_vreg.scatter [tilespmem:s21], [sflag:$0x1], $0x80, v3, vm0, $0xb8;
	[tilespmem:$0x10100] =	vst v63  }
0x2f6: {  	s7 =	simm.s32 $0xA800  }
0x2f7: {  	[hbm4b:s4+s2] =	stream.indirect_vreg.scatter [tilespmem:s7], [sflag:$0x1], $0x80, v3, vm0, $0xb8;
	[tilespmem:$0x10100] =	vst v63  }
0x2f8: {  	s28 =	simm.s32 $0xB000  }
0x2f9: {  	[hbm4b:s5+s2] =	stream.indirect_vreg.scatter [tilespmem:s28], [sflag:$0x1], $0x80, v3, vm0, $0xb8;
	[tilespmem:$0x10100] =	vst v63  }
0x2fa: {  	_ = 	snop  }
0x2fb: {  	[hbm4b:s6+s2] =	stream.indirect_vreg.scatter [tilespmem:s19], [sflag:$0x1], $0x80, v3, vm0, $0xb8;
	[tilespmem:$0x10100] =	vst v63  }
0x2fc: {  	v3 =	vld [tilespmem:$0x100B0];
	_ =	sdelay $0x4  }
0x2fd: {  	v63 =	vshll.u32 v3, $0x3  }
0x2fe: {  	v3 =	vand.u32 $0x7, v3;
	v4 =	vand.u32 $0xFFFFFFC0, v63  }
0x2ff: {  	v3 =	vor.u32 v3, v4  }
0x300: {  	v4 =	vperm.xlane v3, v0;
	_ =	sdelay $0x1  }
0x301: {  	v4 =	vadd.s32 v1, v4;
	_ =	sdelay $0x3  }
0x302: {  	s22 =	simm.s32 $0xC000  }
0x303: {  	[hbm4b:s3+s2] =	stream.indirect_vreg.scatter [tilespmem:s22], [sflag:$0x1], $0x80, v4, vm0, $0xb8;
	[tilespmem:$0x10100] =	vst v63  }
0x304: {  	s29 =	simm.s32 $0xC800;
	v3 =	vperm.xlane v3, v2  }
0x305: {  	[hbm4b:s4+s2] =	stream.indirect_vreg.scatter [tilespmem:s29], [sflag:$0x1], $0x80, v4, vm0, $0xb8;
	[tilespmem:$0x10100] =	vst v63  }
0x306: {  	v3 =	vadd.s32 v1, v3  }
0x307: {  	[hbm4b:s5+s2] =	stream.indirect_vreg.scatter [tilespmem:s0], [sflag:$0x1], $0x80, v4, vm0, $0xb8;
	[tilespmem:$0x10100] =	vst v63  }
0x308: {  	s12 =	simm.s32 $0xD800  }
0x309: {  	[hbm4b:s6+s2] =	stream.indirect_vreg.scatter [tilespmem:s12], [sflag:$0x1], $0x80, v4, vm0, $0xb8;
	[tilespmem:$0x10100] =	vst v63  }
0x30a: {  	s13 =	simm.s32 $0xE000  }
0x30b: {  	[hbm4b:s3+s2] =	stream.indirect_vreg.scatter [tilespmem:s13], [sflag:$0x1], $0x80, v3, vm0, $0xb8;
	[tilespmem:$0x10100] =	vst v63  }
0x30c: {  	s14 =	simm.s32 $0xE800;
	s30 =	rddreg [dreg:$0xf]  }
0x30d: {  	[hbm4b:s4+s2] =	stream.indirect_vreg.scatter [tilespmem:s14], [sflag:$0x1], $0x80, v3, vm0, $0xb8;
	[tilespmem:$0x10100] =	vst v63  }
0x30e: {  	s15 =	simm.s32 $0xF000;
	p0 =	sne.s32 s30, $0x1  }
0x30f: {  	[hbm4b:s5+s2] =	stream.indirect_vreg.scatter [tilespmem:s15], [sflag:$0x1], $0x80, v3, vm0, $0xb8;
	[tilespmem:$0x10100] =	vst v63  }
.Ltmp0:
0x310: {  	s31 =	simm.s32 $0xF800;
	(pc) =	sbr.rel @p0 .LBB2_1-.Ltmp0, $4  }
0x311: {  	[hbm4b:s6+s2] =	stream.indirect_vreg.scatter [tilespmem:s31], [sflag:$0x1], $0x80, v3, vm0, $0xb8;
	[tilespmem:$0x10100] =	vst v63  }
0x312: {  	_ =	swait.ge [sflag:s18], $0x10000  }
0x313: {  	[sflag:s18] =	ssyncset.done $0x0  }
0x314: {  	s0 =	sadd.s32 $0xFFFFFFFF, s30;
	[sflag:s18] =	ssyncadd.s32 $0xFFFF0000  }
0x315: {  	_ =	sfence.sel $0x180000  }
0x316: {  	[bflag:$0x0] =	sbarrier.arrive $0xFFFF  }
0x317: {  	_ =	strace $0x90000047  }
0x318: {  	s0 =	stileid.u32;
	[bflag:$0x2] =	sbarrier.arrive $0xFFFF  }
0x319: {  	p0 =	sne.s32 s0, $0x0;
	s0 =	rddreg [dreg:$0x2]  }
0x31a: {  	s0 =	sadd.s32 @!p0 $0x100000, s0  }
0x31b: {  	[sflag:s0] =	ssyncadd.tile.s32 @!p0 $0x1;
	_ =	shalt  }
.Lfunc_end2:
_tile_overlayer_lowered:
.L_overlay_start_2:
0x31c: {  	(tag) =	ssettag $0x2  }
0x31d: {  	s0 =	rddreg [dreg:$0x0];
	s2 =	stileid.u32  }
0x31e: {  	s1 =	rddreg [dreg:$0x1];
	p0 =	sne.s32 s2, $0x0  }
0x31f: {  	s3 =	rddreg [dreg:$0x2];
	[bflag:$0x3] =	sbarrier.arrive $0xFFFF;
	s2 =	simm.s32 @!p0 $0x1C02  }
0x320: {  	[timem:s3], [sflag:s2] =	dma.local @!p0 [hbm:s0], s1  }
0x321: {  	s0 =	simm.s32 @!p0 $0x2  }
0x322: {  	_ =	swait.ge @!p0 [sflag:s0], s1  }
0x323: {  	s1 =	ssub.s32 @!p0 $0x0, s1;
	[sflag:s0] =	ssyncset.done @!p0 $0x0  }
0x324: {  	[sflag:s0] =	ssyncadd.s32 @!p0 s1  }
0x325: {  	[bflag:$0x3] =	sbarrier.arrive $0xFFFF  }
0x326: {  	_ =	shalt  }

// kernel: kernel.9.cloned.1.call-start
scs
__scs_entry_jumppad:
0x0: {  	(pc) =	sbr.rel $0x88, $3  }
0x1: {  	(tag) =	ssettag $0x0;
	lr =	simm.s32 $0x1  }
0x2: {  	[smem:$0x3F9B] =	sst lr;
	_ =	strace $0xD0000000  }
0x3: {  	_ = 	snop  }
0x4: {  	_ = 	snop  }
0x5: {  	_ = 	snop  }
0x6: {  	_ = 	snop  }
0x7: {  	_ = 	snop  }
__scs_overlays_trampoline_lowered:
0x8: {  	[smem:$0x3FAA] =	sst s0  }
0x9: {  	[smem:$0x3FAB] =	sst s1  }
0xa: {  	[smem:$0x3FAC] =	sst s2  }
0xb: {  	[smem:$0x3FAD] =	sst s3  }
0xc: {  	[smem:$0x3FAE] =	sst s4  }
0xd: {  	[smem:$0x3FAF] =	sst s5  }
0xe: {  	[smem:$0x3FB0] =	sst s6  }
0xf: {  	[smem:$0x3FB1] =	sst s7  }
0x10: {  	[smem:$0x3FB2] =	sst s8  }
0x11: {  	[smem:$0x3FB3] =	sst s9;
	s0 =	simm.s32 @!p0 $0x0  }
0x12: {  	s1 =	sld [smem:$0x3F99];
	s0 =	simm.s32 @p0 $0x1  }
0x13: {  	[smem:$0x3FB4] =	sst s0;
	s0 =	simm.s32 @!p1 $0x0  }
0x14: {  	s2 =	sld [smem:$0x3F98];
	s0 =	simm.s32 @p1 $0x1  }
0x15: {  	[smem:$0x3FB5] =	sst s0;
	s0 =	simm.s32 @!p2 $0x0  }
0x16: {  	s3 =	sld [smem:$0x3FDB];
	s0 =	simm.s32 @p2 $0x1  }
0x17: {  	s4 =	simm.s32 $0x1BF5;
	[smem:$0x3FB7] =	sst s0  }
0x18: {  	s0 =	sld [smem:$0x3F9A];
	_ =	swait.ge [sflag:s4], $0x0  }
0x19: {  	s7 =	sld [smem:$0x3F9B]  }
0x1a: {  	s8 =	sadd.s32 $0xFFFFE003, lr  }
0x1b: {  	s9 =	sadd.s32 $0xFFFFFEF7, lr;
	s5 =	simm.s32 $0xFFFFFFFF;
	p2 =	slt.u32 s8, $0xFFFFF086  }
0x1c: {  	p1 =	slt.u32 s9, $0xF7A;
	s5 =	simm.s32 @!p2 $0x0  }
0x1d: {  	s5 =	simm.s32 @p1 $0x1;
	p0 =	seq.s32 s7, s2  }
0x1e: {  	s7 =	smul.u32 @!p0 $0xF7A, s2;
	p2 =	seq.s32 @!p0 s5, $0x0  }
0x1f: {  	s9 =	smul.u32 $0xF7A, s1;
	s8 =	simm.s32 @!p0 $0x1BF5;
	p2 =	por !p2, p0  }
0x20: {  	[sflag:s8] =	ssyncset.s32 @!p0 $0xFFFFF086;
	s6 =	sadd.s32 @!p0 s3, s7;
	s7 =	simm.s32 @!p0 $0x108  }
0x21: {  	s3 =	sadd.s32 s3, s9;
	s6 =	sadd.s32 @!p0 $0x88, s6;
	s7 =	simm.s32 @p2 $0x1082  }
0x22: {  	[simem:s7], [sflag:s8] =	dma.local @!p0 [hbm:s6], $0xF7A  }
0x23: {  	s9 =	sor.u32 $0xD0000000, s2;
	s6 =	simm.s32 $0x108;
	_ =	swait.ge @!p0 [sflag:s8], $0x0  }
0x24: {  	s3 =	sadd.s32 $0x88, s3;
	s6 =	simm.s32 @!p1 $0x1082;
	[sflag:s4] =	ssyncset.s32 $0xFFFFF086  }
0x25: {  	[simem:s6], [sflag:s4] =	dma.local [hbm:s3], $0xF7A  }
0x26: {  	[smem:$0x3F9B] =	sst s1;
	(tag) =	ssettag s2;
	_ =	strace s9  }
0x27: {  	s1 =	sld [smem:$0x3FAB]  }
0x28: {  	s2 =	sld [smem:$0x3FAC]  }
0x29: {  	s4 =	sld [smem:$0x3FAE]  }
0x2a: {  	p0 =	seq.s32 s5, $0x0;
	s5 =	sld [smem:$0x3FAF]  }
0x2b: {  	s6 =	sld [smem:$0x3FB0]  }
0x2c: {  	s7 =	sld [smem:$0x3FB1]  }
0x2d: {  	s3 =	simm.s32 $0x108;
	s8 =	sld [smem:$0x3FB2]  }
0x2e: {  	s3 =	simm.s32 @!p0 $0x1082;
	s9 =	sld [smem:$0x3FB3]  }
0x2f: {  	lr =	sadd.s32 s0, s3;
	s0 =	sld [smem:$0x3FAA]  }
0x30: {  	s3 =	sld [smem:$0x3FAD]  }
0x31: {  	[smem:$0x3FB6] =	sst s10  }
0x32: {  	s10 =	sld [smem:$0x3FB4];
	_ =	sdelay $0x3  }
0x33: {  	p0 =	seq.s32 s10, $0x1;
	s10 =	sld [smem:$0x3FB6];
	_ =	sdelay $0x3  }
0x34: {  	[smem:$0x3FB6] =	sst s10  }
0x35: {  	s10 =	sld [smem:$0x3FB5];
	_ =	sdelay $0x3  }
0x36: {  	p1 =	seq.s32 s10, $0x1;
	s10 =	sld [smem:$0x3FB6];
	_ =	sdelay $0x3  }
0x37: {  	[smem:$0x3FB6] =	sst s10  }
0x38: {  	s10 =	sld [smem:$0x3FB7]  }
0x39: {  	_ = 	snop;
	(pc) =	sbr.ind lr, $3  }
0x3a: {  	_ = 	snop  }
0x3b: {  	_ = 	snop  }
0x3c: {  	p2 =	seq.s32 s10, $0x1;
	s10 =	sld [smem:$0x3FB6]  }
0x3d: {  	_ =	shalt  }
0x3e: {  	_ =	shalt  }
0x3f: {  	_ =	shalt  }
0x40: {  	_ =	shalt  }
0x41: {  	_ =	shalt  }
0x42: {  	_ =	shalt  }
0x43: {  	_ =	shalt  }
0x44: {  	_ =	shalt  }
0x45: {  	_ =	shalt  }
0x46: {  	_ =	shalt  }
0x47: {  	_ =	shalt  }
0x48: {  	_ =	shalt  }
0x49: {  	_ =	shalt  }
0x4a: {  	_ =	shalt  }
0x4b: {  	_ =	shalt  }
0x4c: {  	_ =	shalt  }
0x4d: {  	_ =	shalt  }
0x4e: {  	_ =	shalt  }
0x4f: {  	_ =	shalt  }
0x50: {  	_ =	shalt  }
0x51: {  	_ =	shalt  }
0x52: {  	_ =	shalt  }
0x53: {  	_ =	shalt  }
0x54: {  	_ =	shalt  }
0x55: {  	_ =	shalt  }
0x56: {  	_ =	shalt  }
0x57: {  	_ =	shalt  }
0x58: {  	_ =	shalt  }
0x59: {  	_ =	shalt  }
0x5a: {  	_ =	shalt  }
0x5b: {  	_ =	shalt  }
0x5c: {  	_ =	shalt  }
0x5d: {  	_ =	shalt  }
0x5e: {  	_ =	shalt  }
0x5f: {  	_ =	shalt  }
0x60: {  	_ =	shalt  }
0x61: {  	_ =	shalt  }
0x62: {  	_ =	shalt  }
0x63: {  	_ =	shalt  }
0x64: {  	_ =	shalt  }
0x65: {  	_ =	shalt  }
0x66: {  	_ =	shalt  }
0x67: {  	_ =	shalt  }
0x68: {  	_ =	shalt  }
0x69: {  	_ =	shalt  }
0x6a: {  	_ =	shalt  }
0x6b: {  	_ =	shalt  }
0x6c: {  	_ =	shalt  }
0x6d: {  	_ =	shalt  }
0x6e: {  	_ =	shalt  }
0x6f: {  	_ =	shalt  }
0x70: {  	_ =	shalt  }
0x71: {  	_ =	shalt  }
0x72: {  	_ =	shalt  }
0x73: {  	_ =	shalt  }
0x74: {  	_ =	shalt  }
0x75: {  	_ =	shalt  }
0x76: {  	_ =	shalt  }
0x77: {  	_ =	shalt  }
0x78: {  	_ =	shalt  }
0x79: {  	_ =	shalt  }
0x7a: {  	_ =	shalt  }
0x7b: {  	_ =	shalt  }
0x7c: {  	_ =	shalt  }
0x7d: {  	_ =	shalt  }
0x7e: {  	_ =	shalt  }
0x7f: {  	_ =	shalt  }
0x80: {  	_ =	shalt  }
0x81: {  	_ =	shalt  }
0x82: {  	_ =	shalt  }
0x83: {  	_ =	shalt  }
0x84: {  	_ =	shalt  }
0x85: {  	_ =	shalt  }
0x86: {  	_ =	shalt  }
0x87: {  	_ =	shalt  }
.Lfunc_end0:
.L_simem_size_0:
called_computation.1_lowered:
.L_overlay_start_0:
0x88: {  	s2 =	sld [smem:$0x3FD9]  }
0x89: {  	s3 =	sld [smem:$0x3FFE];
	_ =	sdelay $0x1  }
0x8a: {  	s1 =	srdreg.scid  }
0x8b: {  	s0 =	sand.u32 $0x1, s1  }
0x8c: {  	s16 =	sshll.u32 s0, $0xA;
	s2 =	sadd.s32 s3, s2  }
0x8d: {  	s2 =	sadd.s32 s2, s16  }
0x8e: {  	[smem:$0x3FC2] =	sst s2  }
0x8f: {  	_ = 	snop  }
0x90: {  	(tm) =	ssettm $0x1  }
0x91: {  	s17 =	sld [smem:$0x3FFB];
	_ =	sdelay $0x3  }
0x92: {  	_ =	strace s17  }
0x93: {  	s2 =	sld [smem:$0x3FFC];
	_ =	sdelay $0x3  }
0x94: {  	_ =	strace s2  }
0x95: {  	s2 =	sld [smem:$0x3FFD];
	_ =	sdelay $0x3  }
0x96: {  	_ =	strace s2  }
0x97: {  	_ =	strace $0x8FFFFFFF  }
0x98: {  	s18 =	sld [smem:$0x3FDB];
	_ =	sdelay $0x1  }
0x99: {  	s19 =	simm.s32 $_scs_section_size  }
0x9a: {  	s4 =	simm.s32 $_size__tile_overlayer_lowered;
	s5 =	simm.s32 $_tile_overlayer_lowered  }
0x9b: {  	s22 =	simm.s32 $0x1BFF;
	s21 =	sshll.u32 s5, $0x1;
	s2 =	sadd.s32 s19, s18  }
0x9c: {  	s6 =	simm.s32 $0x0;
	s20 =	sshll.u32 s4, $0x1;
	s4 =	sadd.s32 s21, s2  }
0x9d: {  	[timem:s6], [sflag:s22] =	dma.local [hbm:s4], s20  }
0x9e: {  	_ =	swait.ge [sflag:s22], s20  }
0x9f: {  	s3 =	ssub.s32 $0x0, s20;
	[sflag:s22] =	ssyncset.done $0x0  }
0xa0: {  	[sflag:s22] =	ssyncadd.s32 s3;
	_ =	sdelay $0x1  }
0xa1: {  	s23 =	simm.s32 $0x1B8B  }
0xa2: {  	_ =	swait.ge [sflag:s23], $0x1  }
0xa3: {  	[sflag:s23] =	ssyncset.done $0x0  }
0xa4: {  	s25 =	simm.s32 $0x1B8E;
	s24 =	sld [smem:$0x3FFE];
	[sflag:s23] =	ssyncadd.s32 $0xFFFFFFFF  }
0xa5: {  	s26 =	simm.s32 $execute0_lowered;
	[smem:$0x3FD2] =	sst s25  }
0xa6: {  	s4 =	sshll.u32 s26, $0x1;
	_ =	strace $0x80000049;
	[dreg:$0x1] =	wrdreg $0xFFFFFFFF  }
0xa7: {  	s28 =	simm.s32 $_size_execute0_lowered;
	s2 =	sadd.s32 s2, s4;
	[dreg:$0x0] =	wrdreg $0x0  }
0xa8: {  	s4 =	sshll.u32 s28, $0x1;
	[dreg:$0x2] =	wrdreg s2  }
0xa9: {  	[dreg:$0x3] =	wrdreg s4  }
0xaa: {  	[dreg:$0x4] =	wrdreg $0xC0  }
0xab: {  	_ =	task [dreg:s6], $0x5FFFF  }
0xac: {  	[dreg:$0x1] =	wrdreg $0xFFFFFFFF  }
0xad: {  	[dreg:$0x0] =	wrdreg $0x60  }
0xae: {  	[dreg:$0x2] =	wrdreg s24  }
0xaf: {  	[dreg:$0x3] =	wrdreg $0x9  }
0xb0: {  	_ =	task.clear_ibuf [dreg:s6], $0x4FFFF;
	_ =	strace $0x90000049  }
0xb1: {  	s29 =	simm.s32 $0x9;
	_ =	strace $0x8000004B  }
0xb2: {  	_ =	swait.ge [sflag:s29], $0x1  }
0xb3: {  	[sflag:s29] =	ssyncadd.s32 $0xFFFFFFFF  }
0xb4: {  	_ =	strace $0x9000004B  }
0xb5: {  	_ =	sfence  }
0xb6: {  	s30 =	sld [smem:$0x0];
	_ =	sdelay $0x2  }
0xb7: {  	s31 =	sshll.u32 s1, $0xD;
	s1 =	sshrl.u32 s1, $0x2  }
0xb8: {  	s3 =	sand.u32 $0x4000, s31;
	s1 =	sadd.s32 s1, s30  }
0xb9: {  	s0 =	sor.u32 s3, s0;
	s1 =	sshll.u32 s1, $0x11  }
0xba: {  	s0 =	sor.u32 s1, s0  }
0xbb: {  	s0 =	sadd.s32 $0x8F2B, s0  }
0xbc: {  	[sflag:s0] =	ssyncadd.remote.s32 $0x1  }
0xbd: {  	_ =	sfence.sel $0xFFFF  }
0xbe: {  	[dreg:$0x0] =	wrdreg $0xFFFFFFFF;
	(pc) =	sbr.abs _section_cstart, $3  }
0xbf: {  	[dreg:$0x1] =	wrdreg $0xFFFFFFFF  }
0xc0: {  	_ =	task.clear_ibuf [dreg:s6], $0x2FFFF;
	_ =	strace $0x9FFFFFFF  }
0xc1: {  	(tm) =	ssettm $0x7FFFFFFF  }
tec
execute0_lowered:
.L_overlay_start_1:
0x0: {  	(tag) =	ssettag $0x1  }
0x1: {  	s0 =	rddreg [dreg:$0x0]  }
0x2: {  	s2 =	simm.s32 $0x0;
	s1 =	srdreg.scid;
	s3 =	stileid.u32  }
0x3: {  	[smem:$0x7FF] =	sst s2;
	s1 =	sand.u32 $0x1, s1;
	s4 =	sshll.u32 s3, $0x9  }
0x4: {  	s3 =	sadd.s32 $0x221A00, s0;
	s6 =	sadd.s32 $0x221200, s0;
	s5 =	sshll.u32 s1, $0x8  }
0x5: {  	s7 =	sadd.s32 $0x221600, s0;
	s31 =	sadd.s32 $0x20600, s0;
	s4 =	sor.u32 s5, s4  }
0x6: {  	s9 =	sadd.s32 $0x120600, s0;
	_ =	strace $0x8000004A;
	s8 =	sshrl.u32 s4, $0x3  }
0x7: {  	s1 =	ssub.s32 $0x2, s1;
	s11 =	sshll.u32 s4, $0x7;
	s10 =	sadd.s32 s6, s8  }
0x8: {  	s5 =	sadd.s32 $0x221C00, s0;
	s12 =	sadd.s32 s31, s11;
	[dreg:$0x2] =	wrdreg s10  }
0x9: {  	s13 =	sor.u32 $0x40, s4;
	s8 =	sadd.s32 s7, s8;
	[dreg:$0x3] =	wrdreg s12  }
0xa: {  	s14 =	sadd.s32 s9, s11;
	s15 =	sshrl.u32 s13, $0x3;
	[dreg:$0x4] =	wrdreg s8  }
0xb: {  	s19 =	sor.u32 $0x80, s4;
	[dreg:$0x5] =	wrdreg s14;
	s16 =	sadd.s32 s6, s15  }
0xc: {  	s21 =	sshrl.u32 s19, $0x3;
	s18 =	sadd.s32 s7, s15;
	[dreg:$0x6] =	wrdreg s16  }
0xd: {  	s11 =	sshll.u32 s19, $0x7;
	s22 =	sadd.s32 s6, s21;
	[dreg:$0x8] =	wrdreg s18  }
0xe: {  	s4 =	sor.u32 $0xC0, s4;
	s23 =	sadd.s32 s31, s11;
	[dreg:$0xa] =	wrdreg s22  }
0xf: {  	s26 =	sshrl.u32 s4, $0x3;
	s24 =	sadd.s32 s7, s21;
	[dreg:$0xb] =	wrdreg s23  }
0x10: {  	s28 =	sshll.u32 s4, $0x7;
	s25 =	sadd.s32 s9, s11;
	[dreg:$0xc] =	wrdreg s24  }
0x11: {  	s4 =	sadd.s32 $0x221B00, s0;
	s6 =	sadd.s32 s6, s26;
	[dreg:$0xd] =	wrdreg s25  }
0x12: {  	s10 =	sshll.u32 s13, $0x7;
	s29 =	sadd.s32 s31, s28;
	[dreg:$0xe] =	wrdreg s6  }
0x13: {  	s12 =	sshrl.u32 s1, $0x1;
	s7 =	sadd.s32 s7, s26;
	[dreg:$0xf] =	wrdreg s29  }
0x14: {  	s17 =	sadd.s32 s31, s10;
	s20 =	sadd.s32 s9, s10;
	[dreg:$0x10] =	wrdreg s7  }
0x15: {  	v2 =	vlaneseq.u32;
	s1 =	ssub.s32 s1, s12;
	s6 =	sadd.s32 $0x221D00, s0;
	[dreg:$0x7] =	wrdreg s17  }
0x16: {  	vm0 =	vmmov $0xffff;
	v1 =	vshrl.u32 v2, $0x3;
	s31 =	sadd.s32 s9, s28;
	s9 =	simm.s32 $0x2;
	[dreg:$0x9] =	wrdreg s20  }
0x17: {  	v0 =	vand.u32 $0x7, v2;
	v2 =	vor.u32 $0x8, v2;
	v1 =	vmul.u32 $0x8, v1;
	[dreg:$0x11] =	wrdreg s31;
	s30 =	smax.u32 s1, $0x1;
	s17 =	simm.s32 $0x1  }
.LBB2_1:
0x18: {  	s18 =	rddreg [dreg:$0x2];
	s0 =	simm.s32 $0x10000  }
0x19: {  	[tilespmem:s0], [sflag:$0x2] =	stream.linear.gather [hbm4b:s18+s2], $0x40, $0x38;
	[tilespmem:$0x10080] =	vst v63  }
0x1a: {  	_ =	swait.ge [sflag:s9], $0x40  }
0x1b: {  	[sflag:s9] =	ssyncset.done $0x0  }
0x1c: {  	[sflag:s9] =	ssyncadd.s32 $0xFFFFFFC0  }
0x1d: {  	v3 =	vld [tilespmem:$0x10000];
	_ =	sdelay $0x4  }
0x1e: {  	v4 =	vshll.u32 v3, $0x3  }
0x1f: {  	v3 =	vand.u32 $0x7, v3;
	v4 =	vand.u32 $0xFFFFFFC0, v4  }
0x20: {  	v3 =	vor.u32 v3, v4  }
0x21: {  	v4 =	vperm.xlane v3, v0;
	_ =	sdelay $0x1  }
0x22: {  	v4 =	vadd.s32 v1, v4;
	_ =	sdelay $0x4  }
0x23: {  	[tilespmem:s2], [sflag:$0x1] =	stream.indirect_vreg.gather [hbm4b:s3+s2], $0x80, v4, vm0, $0xb8;
	[tilespmem:$0x10080] =	vst v63  }
0x24: {  	s16 =	simm.s32 $0x800;
	v3 =	vperm.xlane v3, v2  }
0x25: {  	[tilespmem:s16], [sflag:$0x1] =	stream.indirect_vreg.gather [hbm4b:s4+s2], $0x80, v4, vm0, $0xb8;
	[tilespmem:$0x10080] =	vst v63  }
0x26: {  	s18 =	simm.s32 $0x1000;
	v3 =	vadd.s32 v1, v3  }
0x27: {  	[tilespmem:s18], [sflag:$0x1] =	stream.indirect_vreg.gather [hbm4b:s5+s2], $0x80, v4, vm0, $0xb8;
	[tilespmem:$0x10080] =	vst v63  }
0x28: {  	s19 =	simm.s32 $0x1800  }
0x29: {  	[tilespmem:s19], [sflag:$0x1] =	stream.indirect_vreg.gather [hbm4b:s6+s2], $0x80, v4, vm0, $0xb8;
	[tilespmem:$0x10080] =	vst v63  }
0x2a: {  	s20 =	simm.s32 $0x2000  }
0x2b: {  	[tilespmem:s20], [sflag:$0x1] =	stream.indirect_vreg.gather [hbm4b:s3+s2], $0x80, v3, vm0, $0xb8;
	[tilespmem:$0x10080] =	vst v63  }
0x2c: {  	s21 =	simm.s32 $0x2800  }
0x2d: {  	[tilespmem:s21], [sflag:$0x1] =	stream.indirect_vreg.gather [hbm4b:s4+s2], $0x80, v3, vm0, $0xb8;
	[tilespmem:$0x10080] =	vst v63  }
0x2e: {  	s22 =	simm.s32 $0x3000  }
0x2f: {  	[tilespmem:s22], [sflag:$0x1] =	stream.indirect_vreg.gather [hbm4b:s5+s2], $0x80, v3, vm0, $0xb8;
	[tilespmem:$0x10080] =	vst v63  }
0x30: {  	s23 =	simm.s32 $0x3800  }
0x31: {  	[tilespmem:s23], [sflag:$0x1] =	stream.indirect_vreg.gather [hbm4b:s6+s2], $0x80, v3, vm0, $0xb8;
	[tilespmem:$0x10080] =	vst v63  }
0x32: {  	v3 =	vld [tilespmem:$0x10010];
	_ =	sdelay $0x4  }
0x33: {  	v33 =	vshll.u32 v3, $0x3  }
0x34: {  	v3 =	vand.u32 $0x7, v3;
	v4 =	vand.u32 $0xFFFFFFC0, v33  }
0x35: {  	v3 =	vor.u32 v3, v4  }
0x36: {  	v4 =	vperm.xlane v3, v0;
	_ =	sdelay $0x1  }
0x37: {  	v4 =	vadd.s32 v1, v4;
	_ =	sdelay $0x3  }
0x38: {  	s24 =	simm.s32 $0x4000  }
0x39: {  	[tilespmem:s24], [sflag:$0x1] =	stream.indirect_vreg.gather [hbm4b:s3+s2], $0x80, v4, vm0, $0xb8;
	[tilespmem:$0x10080] =	vst v63  }
0x3a: {  	s25 =	simm.s32 $0x4800;
	v3 =	vperm.xlane v3, v2  }
0x3b: {  	[tilespmem:s25], [sflag:$0x1] =	stream.indirect_vreg.gather [hbm4b:s4+s2], $0x80, v4, vm0, $0xb8;
	[tilespmem:$0x10080] =	vst v63  }
0x3c: {  	s26 =	simm.s32 $0x5000;
	v3 =	vadd.s32 v1, v3  }
0x3d: {  	[tilespmem:s26], [sflag:$0x1] =	stream.indirect_vreg.gather [hbm4b:s5+s2], $0x80, v4, vm0, $0xb8;
	[tilespmem:$0x10080] =	vst v63  }
0x3e: {  	s28 =	simm.s32 $0x5800  }
0x3f: {  	[tilespmem:s28], [sflag:$0x1] =	stream.indirect_vreg.gather [hbm4b:s6+s2], $0x80, v4, vm0, $0xb8;
	[tilespmem:$0x10080] =	vst v63  }
0x40: {  	s29 =	simm.s32 $0x6000  }
0x41: {  	[tilespmem:s29], [sflag:$0x1] =	stream.indirect_vreg.gather [hbm4b:s3+s2], $0x80, v3, vm0, $0xb8;
	[tilespmem:$0x10080] =	vst v63  }
0x42: {  	s31 =	simm.s32 $0x6800  }
0x43: {  	[tilespmem:s31], [sflag:$0x1] =	stream.indirect_vreg.gather [hbm4b:s4+s2], $0x80, v3, vm0, $0xb8;
	[tilespmem:$0x10080] =	vst v63  }
0x44: {  	s15 =	simm.s32 $0x7000  }
0x45: {  	[tilespmem:s15], [sflag:$0x1] =	stream.indirect_vreg.gather [hbm4b:s5+s2], $0x80, v3, vm0, $0xb8;
	[tilespmem:$0x10080] =	vst v63  }
0x46: {  	s18 =	simm.s32 $0x7800  }
0x47: {  	[tilespmem:s18], [sflag:$0x1] =	stream.indirect_vreg.gather [hbm4b:s6+s2], $0x80, v3, vm0, $0xb8;
	[tilespmem:$0x10080] =	vst v63  }
0x48: {  	v3 =	vld [tilespmem:$0x10020];
	_ =	sdelay $0x4  }
0x49: {  	v34 =	vshll.u32 v3, $0x3  }
0x4a: {  	v3 =	vand.u32 $0x7, v3;
	v4 =	vand.u32 $0xFFFFFFC0, v34  }
0x4b: {  	v3 =	vor.u32 v3, v4  }
0x4c: {  	v4 =	vperm.xlane v3, v0;
	_ =	sdelay $0x1  }
0x4d: {  	v4 =	vadd.s32 v1, v4;
	_ =	sdelay $0x3  }
0x4e: {  	s19 =	simm.s32 $0x8000  }
0x4f: {  	[tilespmem:s19], [sflag:$0x1] =	stream.indirect_vreg.gather [hbm4b:s3+s2], $0x80, v4, vm0, $0xb8;
	[tilespmem:$0x10080] =	vst v63  }
0x50: {  	s20 =	simm.s32 $0x8800;
	v3 =	vperm.xlane v3, v2  }
0x51: {  	[tilespmem:s20], [sflag:$0x1] =	stream.indirect_vreg.gather [hbm4b:s4+s2], $0x80, v4, vm0, $0xb8;
	[tilespmem:$0x10080] =	vst v63  }
0x52: {  	s21 =	simm.s32 $0x9000;
	v3 =	vadd.s32 v1, v3  }
0x53: {  	[tilespmem:s21], [sflag:$0x1] =	stream.indirect_vreg.gather [hbm4b:s5+s2], $0x80, v4, vm0, $0xb8;
	[tilespmem:$0x10080] =	vst v63  }
0x54: {  	s22 =	simm.s32 $0x9800  }
0x55: {  	[tilespmem:s22], [sflag:$0x1] =	stream.indirect_vreg.gather [hbm4b:s6+s2], $0x80, v4, vm0, $0xb8;
	[tilespmem:$0x10080] =	vst v63  }
0x56: {  	s23 =	simm.s32 $0xA000  }
0x57: {  	[tilespmem:s23], [sflag:$0x1] =	stream.indirect_vreg.gather [hbm4b:s3+s2], $0x80, v3, vm0, $0xb8;
	[tilespmem:$0x10080] =	vst v63  }
0x58: {  	s24 =	simm.s32 $0xA800  }
0x59: {  	[tilespmem:s24], [sflag:$0x1] =	stream.indirect_vreg.gather [hbm4b:s4+s2], $0x80, v3, vm0, $0xb8;
	[tilespmem:$0x10080] =	vst v63  }
0x5a: {  	s25 =	simm.s32 $0xB000  }
0x5b: {  	[tilespmem:s25], [sflag:$0x1] =	stream.indirect_vreg.gather [hbm4b:s5+s2], $0x80, v3, vm0, $0xb8;
	[tilespmem:$0x10080] =	vst v63  }
0x5c: {  	s26 =	simm.s32 $0xB800  }
0x5d: {  	[tilespmem:s26], [sflag:$0x1] =	stream.indirect_vreg.gather [hbm4b:s6+s2], $0x80, v3, vm0, $0xb8;
	[tilespmem:$0x10080] =	vst v63  }
0x5e: {  	v3 =	vld [tilespmem:$0x10030];
	_ =	sdelay $0x4  }
0x5f: {  	v35 =	vshll.u32 v3, $0x3  }
0x60: {  	v3 =	vand.u32 $0x7, v3;
	v4 =	vand.u32 $0xFFFFFFC0, v35  }
0x61: {  	v3 =	vor.u32 v3, v4  }
0x62: {  	v4 =	vperm.xlane v3, v0;
	_ =	sdelay $0x1  }
0x63: {  	v4 =	vadd.s32 v1, v4;
	_ =	sdelay $0x3  }
0x64: {  	s28 =	simm.s32 $0xC000  }
0x65: {  	[tilespmem:s28], [sflag:$0x1] =	stream.indirect_vreg.gather [hbm4b:s3+s2], $0x80, v4, vm0, $0xb8;
	[tilespmem:$0x10080] =	vst v63  }
0x66: {  	s0 =	simm.s32 $0xC800;
	v3 =	vperm.xlane v3, v2  }
0x67: {  	[tilespmem:s0], [sflag:$0x1] =	stream.indirect_vreg.gather [hbm4b:s4+s2], $0x80, v4, vm0, $0xb8;
	[tilespmem:$0x10080] =	vst v63  }
0x68: {  	s15 =	simm.s32 $0xD000;
	v3 =	vadd.s32 v1, v3  }
0x69: {  	[tilespmem:s15], [sflag:$0x1] =	stream.indirect_vreg.gather [hbm4b:s5+s2], $0x80, v4, vm0, $0xb8;
	[tilespmem:$0x10080] =	vst v63  }
0x6a: {  	s19 =	simm.s32 $0xD800  }
0x6b: {  	[tilespmem:s19], [sflag:$0x1] =	stream.indirect_vreg.gather [hbm4b:s6+s2], $0x80, v4, vm0, $0xb8;
	[tilespmem:$0x10080] =	vst v63  }
0x6c: {  	s22 =	simm.s32 $0xE000  }
0x6d: {  	[tilespmem:s22], [sflag:$0x1] =	stream.indirect_vreg.gather [hbm4b:s3+s2], $0x80, v3, vm0, $0xb8;
	[tilespmem:$0x10080] =	vst v63  }
0x6e: {  	s24 =	simm.s32 $0xE800  }
0x6f: {  	[tilespmem:s24], [sflag:$0x1] =	stream.indirect_vreg.gather [hbm4b:s4+s2], $0x80, v3, vm0, $0xb8;
	[tilespmem:$0x10080] =	vst v63  }
0x70: {  	s25 =	simm.s32 $0xF000  }
0x71: {  	[tilespmem:s25], [sflag:$0x1] =	stream.indirect_vreg.gather [hbm4b:s5+s2], $0x80, v3, vm0, $0xb8;
	[tilespmem:$0x10080] =	vst v63  }
0x72: {  	s0 =	simm.s32 $0xF800  }
0x73: {  	[tilespmem:s0], [sflag:$0x1] =	stream.indirect_vreg.gather [hbm4b:s6+s2], $0x80, v3, vm0, $0xb8;
	[tilespmem:$0x10080] =	vst v63  }
0x74: {  	_ =	swait.ge [sflag:s17], $0x10000  }
0x75: {  	[sflag:s17] =	ssyncset.done $0x0  }
0x76: {  	s15 =	rddreg [dreg:$0x3];
	[sflag:s17] =	ssyncadd.s32 $0xFFFF0000  }
0x77: {  	[hbm4b:s15+s2] =	stream.linear.scatter [tilespmem:s2], [sflag:$0x2], $0x10000, $0x38;
	[tilespmem:$0x10080] =	vst v63  }
0x78: {  	_ =	swait.ge [sflag:s9], $0x10000  }
0x79: {  	[sflag:s9] =	ssyncset.done $0x0  }
0x7a: {  	s12 =	simm.s32 $0x10000;
	s19 =	rddreg [dreg:$0x4];
	[sflag:s9] =	ssyncadd.s32 $0xFFFF0000  }
0x7b: {  	[tilespmem:s12], [sflag:$0x2] =	stream.linear.gather [hbm4b:s19+s2], $0x40, $0x38;
	[tilespmem:$0x10080] =	vst v63  }
0x7c: {  	_ =	swait.ge [sflag:s9], $0x40  }
0x7d: {  	[sflag:s9] =	ssyncset.done $0x0  }
0x7e: {  	[sflag:s9] =	ssyncadd.s32 $0xFFFFFFC0  }
0x7f: {  	v3 =	vld [tilespmem:$0x10000];
	_ =	sdelay $0x4  }
0x80: {  	v36 =	vshll.u32 v3, $0x3  }
0x81: {  	v3 =	vand.u32 $0x7, v3;
	v4 =	vand.u32 $0xFFFFFFC0, v36  }
0x82: {  	v3 =	vor.u32 v3, v4  }
0x83: {  	v4 =	vperm.xlane v3, v0;
	_ =	sdelay $0x1  }
0x84: {  	v4 =	vadd.s32 v1, v4;
	_ =	sdelay $0x4  }
0x85: {  	[tilespmem:s2], [sflag:$0x1] =	stream.indirect_vreg.gather [hbm4b:s3+s2], $0x80, v4, vm0, $0xb8;
	[tilespmem:$0x10080] =	vst v63  }
0x86: {  	s13 =	simm.s32 $0x800;
	v3 =	vperm.xlane v3, v2  }
0x87: {  	[tilespmem:s13], [sflag:$0x1] =	stream.indirect_vreg.gather [hbm4b:s4+s2], $0x80, v4, vm0, $0xb8;
	[tilespmem:$0x10080] =	vst v63  }
0x88: {  	s1 =	simm.s32 $0x1000;
	v3 =	vadd.s32 v1, v3  }
0x89: {  	[tilespmem:s1], [sflag:$0x1] =	stream.indirect_vreg.gather [hbm4b:s5+s2], $0x80, v4, vm0, $0xb8;
	[tilespmem:$0x10080] =	vst v63  }
0x8a: {  	s7 =	simm.s32 $0x1800  }
0x8b: {  	[tilespmem:s7], [sflag:$0x1] =	stream.indirect_vreg.gather [hbm4b:s6+s2], $0x80, v4, vm0, $0xb8;
	[tilespmem:$0x10080] =	vst v63  }
0x8c: {  	s8 =	simm.s32 $0x2000  }
0x8d: {  	[tilespmem:s8], [sflag:$0x1] =	stream.indirect_vreg.gather [hbm4b:s3+s2], $0x80, v3, vm0, $0xb8;
	[tilespmem:$0x10080] =	vst v63  }
0x8e: {  	s10 =	simm.s32 $0x2800  }
0x8f: {  	[tilespmem:s10], [sflag:$0x1] =	stream.indirect_vreg.gather [hbm4b:s4+s2], $0x80, v3, vm0, $0xb8;
	[tilespmem:$0x10080] =	vst v63  }
0x90: {  	s11 =	simm.s32 $0x3000  }
0x91: {  	[tilespmem:s11], [sflag:$0x1] =	stream.indirect_vreg.gather [hbm4b:s5+s2], $0x80, v3, vm0, $0xb8;
	[tilespmem:$0x10080] =	vst v63  }
0x92: {  	s14 =	simm.s32 $0x3800  }
0x93: {  	[tilespmem:s14], [sflag:$0x1] =	stream.indirect_vreg.gather [hbm4b:s6+s2], $0x80, v3, vm0, $0xb8;
	[tilespmem:$0x10080] =	vst v63  }
0x94: {  	v3 =	vld [tilespmem:$0x10010];
	_ =	sdelay $0x4  }
0x95: {  	v37 =	vshll.u32 v3, $0x3  }
0x96: {  	v3 =	vand.u32 $0x7, v3;
	v4 =	vand.u32 $0xFFFFFFC0, v37  }
0x97: {  	v3 =	vor.u32 v3, v4  }
0x98: {  	v4 =	vperm.xlane v3, v0;
	_ =	sdelay $0x1  }
0x99: {  	v4 =	vadd.s32 v1, v4;
	_ =	sdelay $0x3  }
0x9a: {  	s15 =	simm.s32 $0x4000  }
0x9b: {  	[tilespmem:s15], [sflag:$0x1] =	stream.indirect_vreg.gather [hbm4b:s3+s2], $0x80, v4, vm0, $0xb8;
	[tilespmem:$0x10080] =	vst v63  }
0x9c: {  	s16 =	simm.s32 $0x4800;
	v3 =	vperm.xlane v3, v2  }
0x9d: {  	[tilespmem:s16], [sflag:$0x1] =	stream.indirect_vreg.gather [hbm4b:s4+s2], $0x80, v4, vm0, $0xb8;
	[tilespmem:$0x10080] =	vst v63  }
0x9e: {  	v3 =	vadd.s32 v1, v3;
	s16 =	simm.s32 $0x5000  }
0x9f: {  	[tilespmem:s16], [sflag:$0x1] =	stream.indirect_vreg.gather [hbm4b:s5+s2], $0x80, v4, vm0, $0xb8;
	[tilespmem:$0x10080] =	vst v63  }
0xa0: {  	s19 =	simm.s32 $0x5800  }
0xa1: {  	[tilespmem:s19], [sflag:$0x1] =	stream.indirect_vreg.gather [hbm4b:s6+s2], $0x80, v4, vm0, $0xb8;
	[tilespmem:$0x10080] =	vst v63  }
0xa2: {  	s0 =	simm.s32 $0x6000  }
0xa3: {  	[tilespmem:s0], [sflag:$0x1] =	stream.indirect_vreg.gather [hbm4b:s3+s2], $0x80, v3, vm0, $0xb8;
	[tilespmem:$0x10080] =	vst v63  }
0xa4: {  	s1 =	simm.s32 $0x6800  }
0xa5: {  	[tilespmem:s1], [sflag:$0x1] =	stream.indirect_vreg.gather [hbm4b:s4+s2], $0x80, v3, vm0, $0xb8;
	[tilespmem:$0x10080] =	vst v63  }
0xa6: {  	s7 =	simm.s32 $0x7000  }
0xa7: {  	[tilespmem:s7], [sflag:$0x1] =	stream.indirect_vreg.gather [hbm4b:s5+s2], $0x80, v3, vm0, $0xb8;
	[tilespmem:$0x10080] =	vst v63  }
0xa8: {  	s12 =	simm.s32 $0x7800  }
0xa9: {  	[tilespmem:s12], [sflag:$0x1] =	stream.indirect_vreg.gather [hbm4b:s6+s2], $0x80, v3, vm0, $0xb8;
	[tilespmem:$0x10080] =	vst v63  }
0xaa: {  	v3 =	vld [tilespmem:$0x10020];
	_ =	sdelay $0x4  }
0xab: {  	v38 =	vshll.u32 v3, $0x3  }
0xac: {  	v3 =	vand.u32 $0x7, v3;
	v4 =	vand.u32 $0xFFFFFFC0, v38  }
0xad: {  	v3 =	vor.u32 v3, v4  }
0xae: {  	v4 =	vperm.xlane v3, v0;
	_ =	sdelay $0x1  }
0xaf: {  	v4 =	vadd.s32 v1, v4;
	_ =	sdelay $0x3  }
0xb0: {  	s13 =	simm.s32 $0x8000  }
0xb1: {  	[tilespmem:s13], [sflag:$0x1] =	stream.indirect_vreg.gather [hbm4b:s3+s2], $0x80, v4, vm0, $0xb8;
	[tilespmem:$0x10080] =	vst v63  }
0xb2: {  	s14 =	simm.s32 $0x8800;
	v3 =	vperm.xlane v3, v2  }
0xb3: {  	[tilespmem:s14], [sflag:$0x1] =	stream.indirect_vreg.gather [hbm4b:s4+s2], $0x80, v4, vm0, $0xb8;
	[tilespmem:$0x10080] =	vst v63  }
0xb4: {  	s8 =	simm.s32 $0x9000;
	v3 =	vadd.s32 v1, v3  }
0xb5: {  	[tilespmem:s8], [sflag:$0x1] =	stream.indirect_vreg.gather [hbm4b:s5+s2], $0x80, v4, vm0, $0xb8;
	[tilespmem:$0x10080] =	vst v63  }
0xb6: {  	s10 =	simm.s32 $0x9800  }
0xb7: {  	[tilespmem:s10], [sflag:$0x1] =	stream.indirect_vreg.gather [hbm4b:s6+s2], $0x80, v4, vm0, $0xb8;
	[tilespmem:$0x10080] =	vst v63  }
0xb8: {  	s11 =	simm.s32 $0xA000  }
0xb9: {  	[tilespmem:s11], [sflag:$0x1] =	stream.indirect_vreg.gather [hbm4b:s3+s2], $0x80, v3, vm0, $0xb8;
	[tilespmem:$0x10080] =	vst v63  }
0xba: {  	s29 =	simm.s32 $0xA800  }
0xbb: {  	[tilespmem:s29], [sflag:$0x1] =	stream.indirect_vreg.gather [hbm4b:s4+s2], $0x80, v3, vm0, $0xb8;
	[tilespmem:$0x10080] =	vst v63  }
0xbc: {  	s31 =	simm.s32 $0xB000  }
0xbd: {  	[tilespmem:s31], [sflag:$0x1] =	stream.indirect_vreg.gather [hbm4b:s5+s2], $0x80, v3, vm0, $0xb8;
	[tilespmem:$0x10080] =	vst v63  }
0xbe: {  	s23 =	simm.s32 $0xB800  }
0xbf: {  	[tilespmem:s23], [sflag:$0x1] =	stream.indirect_vreg.gather [hbm4b:s6+s2], $0x80, v3, vm0, $0xb8;
	[tilespmem:$0x10080] =	vst v63  }
0xc0: {  	v3 =	vld [tilespmem:$0x10030];
	_ =	sdelay $0x4  }
0xc1: {  	v39 =	vshll.u32 v3, $0x3  }
0xc2: {  	v3 =	vand.u32 $0x7, v3;
	v4 =	vand.u32 $0xFFFFFFC0, v39  }
0xc3: {  	v3 =	vor.u32 v3, v4  }
0xc4: {  	v4 =	vperm.xlane v3, v0;
	_ =	sdelay $0x1  }
0xc5: {  	v4 =	vadd.s32 v1, v4;
	_ =	sdelay $0x3  }
0xc6: {  	s20 =	simm.s32 $0xC000  }
0xc7: {  	[tilespmem:s20], [sflag:$0x1] =	stream.indirect_vreg.gather [hbm4b:s3+s2], $0x80, v4, vm0, $0xb8;
	[tilespmem:$0x10080] =	vst v63  }
0xc8: {  	s21 =	simm.s32 $0xC800;
	v3 =	vperm.xlane v3, v2  }
0xc9: {  	[tilespmem:s21], [sflag:$0x1] =	stream.indirect_vreg.gather [hbm4b:s4+s2], $0x80, v4, vm0, $0xb8;
	[tilespmem:$0x10080] =	vst v63  }
0xca: {  	v3 =	vadd.s32 v1, v3;
	s21 =	simm.s32 $0xD000  }
0xcb: {  	[tilespmem:s21], [sflag:$0x1] =	stream.indirect_vreg.gather [hbm4b:s5+s2], $0x80, v4, vm0, $0xb8;
	[tilespmem:$0x10080] =	vst v63  }
0xcc: {  	s23 =	simm.s32 $0xD800  }
0xcd: {  	[tilespmem:s23], [sflag:$0x1] =	stream.indirect_vreg.gather [hbm4b:s6+s2], $0x80, v4, vm0, $0xb8;
	[tilespmem:$0x10080] =	vst v63  }
0xce: {  	s26 =	simm.s32 $0xE000  }
0xcf: {  	[tilespmem:s26], [sflag:$0x1] =	stream.indirect_vreg.gather [hbm4b:s3+s2], $0x80, v3, vm0, $0xb8;
	[tilespmem:$0x10080] =	vst v63  }
0xd0: {  	s28 =	simm.s32 $0xE800  }
0xd1: {  	[tilespmem:s28], [sflag:$0x1] =	stream.indirect_vreg.gather [hbm4b:s4+s2], $0x80, v3, vm0, $0xb8;
	[tilespmem:$0x10080] =	vst v63  }
0xd2: {  	s28 =	simm.s32 $0xF000  }
0xd3: {  	[tilespmem:s28], [sflag:$0x1] =	stream.indirect_vreg.gather [hbm4b:s5+s2], $0x80, v3, vm0, $0xb8;
	[tilespmem:$0x10080] =	vst v63  }
0xd4: {  	s22 =	simm.s32 $0xF800  }
0xd5: {  	[tilespmem:s22], [sflag:$0x1] =	stream.indirect_vreg.gather [hbm4b:s6+s2], $0x80, v3, vm0, $0xb8;
	[tilespmem:$0x10080] =	vst v63  }
0xd6: {  	_ =	swait.ge [sflag:s17], $0x10000  }
0xd7: {  	[sflag:s17] =	ssyncset.done $0x0  }
0xd8: {  	s20 =	rddreg [dreg:$0x5];
	[sflag:s17] =	ssyncadd.s32 $0xFFFF0000  }
0xd9: {  	[hbm4b:s20+s2] =	stream.linear.scatter [tilespmem:s2], [sflag:$0x2], $0x10000, $0x38;
	[tilespmem:$0x10080] =	vst v63  }
0xda: {  	_ =	swait.ge [sflag:s9], $0x10000  }
0xdb: {  	[sflag:s9] =	ssyncset.done $0x0  }
0xdc: {  	s20 =	simm.s32 $0x10000;
	s18 =	rddreg [dreg:$0x6];
	[sflag:s9] =	ssyncadd.s32 $0xFFFF0000  }
0xdd: {  	[tilespmem:s20], [sflag:$0x2] =	stream.linear.gather [hbm4b:s18+s2], $0x40, $0x38;
	[tilespmem:$0x10080] =	vst v63  }
0xde: {  	_ =	swait.ge [sflag:s9], $0x40  }
0xdf: {  	[sflag:s9] =	ssyncset.done $0x0  }
0xe0: {  	[sflag:s9] =	ssyncadd.s32 $0xFFFFFFC0  }
0xe1: {  	v3 =	vld [tilespmem:$0x10000];
	_ =	sdelay $0x4  }
0xe2: {  	v40 =	vshll.u32 v3, $0x3  }
0xe3: {  	v3 =	vand.u32 $0x7, v3;
	v4 =	vand.u32 $0xFFFFFFC0, v40  }
0xe4: {  	v3 =	vor.u32 v3, v4  }
0xe5: {  	v4 =	vperm.xlane v3, v0;
	_ =	sdelay $0x1  }
0xe6: {  	v4 =	vadd.s32 v1, v4;
	_ =	sdelay $0x4  }
0xe7: {  	[tilespmem:s2], [sflag:$0x1] =	stream.indirect_vreg.gather [hbm4b:s3+s2], $0x80, v4, vm0, $0xb8;
	[tilespmem:$0x10080] =	vst v63  }
0xe8: {  	s20 =	simm.s32 $0x800;
	v3 =	vperm.xlane v3, v2  }
0xe9: {  	[tilespmem:s20], [sflag:$0x1] =	stream.indirect_vreg.gather [hbm4b:s4+s2], $0x80, v4, vm0, $0xb8;
	[tilespmem:$0x10080] =	vst v63  }
0xea: {  	s25 =	simm.s32 $0x1000;
	v3 =	vadd.s32 v1, v3  }
0xeb: {  	[tilespmem:s25], [sflag:$0x1] =	stream.indirect_vreg.gather [hbm4b:s5+s2], $0x80, v4, vm0, $0xb8;
	[tilespmem:$0x10080] =	vst v63  }
0xec: {  	s20 =	simm.s32 $0x1800  }
0xed: {  	[tilespmem:s20], [sflag:$0x1] =	stream.indirect_vreg.gather [hbm4b:s6+s2], $0x80, v4, vm0, $0xb8;
	[tilespmem:$0x10080] =	vst v63  }
0xee: {  	s25 =	simm.s32 $0x2000  }
0xef: {  	[tilespmem:s25], [sflag:$0x1] =	stream.indirect_vreg.gather [hbm4b:s3+s2], $0x80, v3, vm0, $0xb8;
	[tilespmem:$0x10080] =	vst v63  }
0xf0: {  	s20 =	simm.s32 $0x2800  }
0xf1: {  	[tilespmem:s20], [sflag:$0x1] =	stream.indirect_vreg.gather [hbm4b:s4+s2], $0x80, v3, vm0, $0xb8;
	[tilespmem:$0x10080] =	vst v63  }
0xf2: {  	s25 =	simm.s32 $0x3000  }
0xf3: {  	[tilespmem:s25], [sflag:$0x1] =	stream.indirect_vreg.gather [hbm4b:s5+s2], $0x80, v3, vm0, $0xb8;
	[tilespmem:$0x10080] =	vst v63  }
0xf4: {  	s20 =	simm.s32 $0x3800  }
0xf5: {  	[tilespmem:s20], [sflag:$0x1] =	stream.indirect_vreg.gather [hbm4b:s6+s2], $0x80, v3, vm0, $0xb8;
	[tilespmem:$0x10080] =	vst v63  }
0xf6: {  	v3 =	vld [tilespmem:$0x10010];
	_ =	sdelay $0x4  }
0xf7: {  	v41 =	vshll.u32 v3, $0x3  }
0xf8: {  	v3 =	vand.u32 $0x7, v3;
	v4 =	vand.u32 $0xFFFFFFC0, v41  }
0xf9: {  	v3 =	vor.u32 v3, v4  }
0xfa: {  	v4 =	vperm.xlane v3, v0;
	_ =	sdelay $0x1  }
0xfb: {  	v4 =	vadd.s32 v1, v4;
	_ =	sdelay $0x4  }
0xfc: {  	[tilespmem:s15], [sflag:$0x1] =	stream.indirect_vreg.gather [hbm4b:s3+s2], $0x80, v4, vm0, $0xb8;
	[tilespmem:$0x10080] =	vst v63  }
0xfd: {  	s25 =	simm.s32 $0x4800;
	v3 =	vperm.xlane v3, v2  }
0xfe: {  	[tilespmem:s25], [sflag:$0x1] =	stream.indirect_vreg.gather [hbm4b:s4+s2], $0x80, v4, vm0, $0xb8;
	[tilespmem:$0x10080] =	vst v63  }
0xff: {  	v3 =	vadd.s32 v1, v3  }
0x100: {  	[tilespmem:s16], [sflag:$0x1] =	stream.indirect_vreg.gather [hbm4b:s5+s2], $0x80, v4, vm0, $0xb8;
	[tilespmem:$0x10080] =	vst v63  }
0x101: {  	_ = 	snop  }
0x102: {  	[tilespmem:s19], [sflag:$0x1] =	stream.indirect_vreg.gather [hbm4b:s6+s2], $0x80, v4, vm0, $0xb8;
	[tilespmem:$0x10080] =	vst v63  }
0x103: {  	_ = 	snop  }
0x104: {  	[tilespmem:s0], [sflag:$0x1] =	stream.indirect_vreg.gather [hbm4b:s3+s2], $0x80, v3, vm0, $0xb8;
	[tilespmem:$0x10080] =	vst v63  }
0x105: {  	_ = 	snop  }
0x106: {  	[tilespmem:s1], [sflag:$0x1] =	stream.indirect_vreg.gather [hbm4b:s4+s2], $0x80, v3, vm0, $0xb8;
	[tilespmem:$0x10080] =	vst v63  }
0x107: {  	_ = 	snop  }
0x108: {  	[tilespmem:s7], [sflag:$0x1] =	stream.indirect_vreg.gather [hbm4b:s5+s2], $0x80, v3, vm0, $0xb8;
	[tilespmem:$0x10080] =	vst v63  }
0x109: {  	_ = 	snop  }
0x10a: {  	[tilespmem:s12], [sflag:$0x1] =	stream.indirect_vreg.gather [hbm4b:s6+s2], $0x80, v3, vm0, $0xb8;
	[tilespmem:$0x10080] =	vst v63  }
0x10b: {  	v3 =	vld [tilespmem:$0x10020];
	_ =	sdelay $0x4  }
0x10c: {  	v42 =	vshll.u32 v3, $0x3  }
0x10d: {  	v3 =	vand.u32 $0x7, v3;
	v4 =	vand.u32 $0xFFFFFFC0, v42  }
0x10e: {  	v3 =	vor.u32 v3, v4  }
0x10f: {  	v4 =	vperm.xlane v3, v0;
	_ =	sdelay $0x1  }
0x110: {  	v4 =	vadd.s32 v1, v4;
	_ =	sdelay $0x4  }
0x111: {  	[tilespmem:s13], [sflag:$0x1] =	stream.indirect_vreg.gather [hbm4b:s3+s2], $0x80, v4, vm0, $0xb8;
	[tilespmem:$0x10080] =	vst v63  }
0x112: {  	v3 =	vperm.xlane v3, v2  }
0x113: {  	[tilespmem:s14], [sflag:$0x1] =	stream.indirect_vreg.gather [hbm4b:s4+s2], $0x80, v4, vm0, $0xb8;
	[tilespmem:$0x10080] =	vst v63  }
0x114: {  	v3 =	vadd.s32 v1, v3  }
0x115: {  	[tilespmem:s8], [sflag:$0x1] =	stream.indirect_vreg.gather [hbm4b:s5+s2], $0x80, v4, vm0, $0xb8;
	[tilespmem:$0x10080] =	vst v63  }
0x116: {  	_ = 	snop  }
0x117: {  	[tilespmem:s10], [sflag:$0x1] =	stream.indirect_vreg.gather [hbm4b:s6+s2], $0x80, v4, vm0, $0xb8;
	[tilespmem:$0x10080] =	vst v63  }
0x118: {  	_ = 	snop  }
0x119: {  	[tilespmem:s11], [sflag:$0x1] =	stream.indirect_vreg.gather [hbm4b:s3+s2], $0x80, v3, vm0, $0xb8;
	[tilespmem:$0x10080] =	vst v63  }
0x11a: {  	s24 =	simm.s32 $0xA800  }
0x11b: {  	[tilespmem:s24], [sflag:$0x1] =	stream.indirect_vreg.gather [hbm4b:s4+s2], $0x80, v3, vm0, $0xb8;
	[tilespmem:$0x10080] =	vst v63  }
0x11c: {  	s29 =	simm.s32 $0xB000  }
0x11d: {  	[tilespmem:s29], [sflag:$0x1] =	stream.indirect_vreg.gather [hbm4b:s5+s2], $0x80, v3, vm0, $0xb8;
	[tilespmem:$0x10080] =	vst v63  }
0x11e: {  	s31 =	simm.s32 $0xB800  }
0x11f: {  	[tilespmem:s31], [sflag:$0x1] =	stream.indirect_vreg.gather [hbm4b:s6+s2], $0x80, v3, vm0, $0xb8;
	[tilespmem:$0x10080] =	vst v63  }
0x120: {  	v3 =	vld [tilespmem:$0x10030];
	_ =	sdelay $0x4  }
0x121: {  	v43 =	vshll.u32 v3, $0x3  }
0x122: {  	v3 =	vand.u32 $0x7, v3;
	v4 =	vand.u32 $0xFFFFFFC0, v43  }
0x123: {  	v3 =	vor.u32 v3, v4  }
0x124: {  	v4 =	vperm.xlane v3, v0;
	_ =	sdelay $0x1  }
0x125: {  	v4 =	vadd.s32 v1, v4;
	_ =	sdelay $0x3  }
0x126: {  	s31 =	simm.s32 $0xC000  }
0x127: {  	[tilespmem:s31], [sflag:$0x1] =	stream.indirect_vreg.gather [hbm4b:s3+s2], $0x80, v4, vm0, $0xb8;
	[tilespmem:$0x10080] =	vst v63  }
0x128: {  	s0 =	simm.s32 $0xC800;
	v3 =	vperm.xlane v3, v2  }
0x129: {  	[tilespmem:s0], [sflag:$0x1] =	stream.indirect_vreg.gather [hbm4b:s4+s2], $0x80, v4, vm0, $0xb8;
	[tilespmem:$0x10080] =	vst v63  }
0x12a: {  	s20 =	simm.s32 $0xD000;
	v3 =	vadd.s32 v1, v3  }
0x12b: {  	[tilespmem:s20], [sflag:$0x1] =	stream.indirect_vreg.gather [hbm4b:s5+s2], $0x80, v4, vm0, $0xb8;
	[tilespmem:$0x10080] =	vst v63  }
0x12c: {  	s23 =	simm.s32 $0xD800  }
0x12d: {  	[tilespmem:s23], [sflag:$0x1] =	stream.indirect_vreg.gather [hbm4b:s6+s2], $0x80, v4, vm0, $0xb8;
	[tilespmem:$0x10080] =	vst v63  }
0x12e: {  	s26 =	simm.s32 $0xE000  }
0x12f: {  	[tilespmem:s26], [sflag:$0x1] =	stream.indirect_vreg.gather [hbm4b:s3+s2], $0x80, v3, vm0, $0xb8;
	[tilespmem:$0x10080] =	vst v63  }
0x130: {  	s21 =	simm.s32 $0xE800  }
0x131: {  	[tilespmem:s21], [sflag:$0x1] =	stream.indirect_vreg.gather [hbm4b:s4+s2], $0x80, v3, vm0, $0xb8;
	[tilespmem:$0x10080] =	vst v63  }
0x132: {  	s28 =	simm.s32 $0xF000  }
0x133: {  	[tilespmem:s28], [sflag:$0x1] =	stream.indirect_vreg.gather [hbm4b:s5+s2], $0x80, v3, vm0, $0xb8;
	[tilespmem:$0x10080] =	vst v63  }
0x134: {  	s22 =	simm.s32 $0xF800  }
0x135: {  	[tilespmem:s22], [sflag:$0x1] =	stream.indirect_vreg.gather [hbm4b:s6+s2], $0x80, v3, vm0, $0xb8;
	[tilespmem:$0x10080] =	vst v63  }
0x136: {  	_ =	swait.ge [sflag:s17], $0x10000  }
0x137: {  	[sflag:s17] =	ssyncset.done $0x0  }
0x138: {  	s0 =	rddreg [dreg:$0x7];
	[sflag:s17] =	ssyncadd.s32 $0xFFFF0000  }
0x139: {  	[hbm4b:s0+s2] =	stream.linear.scatter [tilespmem:s2], [sflag:$0x2], $0x10000, $0x38;
	[tilespmem:$0x10080] =	vst v63  }
0x13a: {  	_ =	swait.ge [sflag:s9], $0x10000  }
0x13b: {  	[sflag:s9] =	ssyncset.done $0x0  }
0x13c: {  	s0 =	simm.s32 $0x10000;
	s18 =	rddreg [dreg:$0x8];
	[sflag:s9] =	ssyncadd.s32 $0xFFFF0000  }
0x13d: {  	[tilespmem:s0], [sflag:$0x2] =	stream.linear.gather [hbm4b:s18+s2], $0x40, $0x38;
	[tilespmem:$0x10080] =	vst v63  }
0x13e: {  	_ =	swait.ge [sflag:s9], $0x40  }
0x13f: {  	[sflag:s9] =	ssyncset.done $0x0  }
0x140: {  	[sflag:s9] =	ssyncadd.s32 $0xFFFFFFC0  }
0x141: {  	v3 =	vld [tilespmem:$0x10000];
	_ =	sdelay $0x4  }
0x142: {  	v44 =	vshll.u32 v3, $0x3  }
0x143: {  	v3 =	vand.u32 $0x7, v3;
	v4 =	vand.u32 $0xFFFFFFC0, v44  }
0x144: {  	v3 =	vor.u32 v3, v4  }
0x145: {  	v4 =	vperm.xlane v3, v0;
	_ =	sdelay $0x1  }
0x146: {  	v4 =	vadd.s32 v1, v4;
	_ =	sdelay $0x4  }
0x147: {  	[tilespmem:s2], [sflag:$0x1] =	stream.indirect_vreg.gather [hbm4b:s3+s2], $0x80, v4, vm0, $0xb8;
	[tilespmem:$0x10080] =	vst v63  }
0x148: {  	s18 =	simm.s32 $0x800;
	v3 =	vperm.xlane v3, v2  }
0x149: {  	[tilespmem:s18], [sflag:$0x1] =	stream.indirect_vreg.gather [hbm4b:s4+s2], $0x80, v4, vm0, $0xb8;
	[tilespmem:$0x10080] =	vst v63  }
0x14a: {  	s0 =	simm.s32 $0x1000;
	v3 =	vadd.s32 v1, v3  }
0x14b: {  	[tilespmem:s0], [sflag:$0x1] =	stream.indirect_vreg.gather [hbm4b:s5+s2], $0x80, v4, vm0, $0xb8;
	[tilespmem:$0x10080] =	vst v63  }
0x14c: {  	s0 =	simm.s32 $0x1800  }
0x14d: {  	[tilespmem:s0], [sflag:$0x1] =	stream.indirect_vreg.gather [hbm4b:s6+s2], $0x80, v4, vm0, $0xb8;
	[tilespmem:$0x10080] =	vst v63  }
0x14e: {  	s0 =	simm.s32 $0x2000  }
0x14f: {  	[tilespmem:s0], [sflag:$0x1] =	stream.indirect_vreg.gather [hbm4b:s3+s2], $0x80, v3, vm0, $0xb8;
	[tilespmem:$0x10080] =	vst v63  }
0x150: {  	s0 =	simm.s32 $0x2800  }
0x151: {  	[tilespmem:s0], [sflag:$0x1] =	stream.indirect_vreg.gather [hbm4b:s4+s2], $0x80, v3, vm0, $0xb8;
	[tilespmem:$0x10080] =	vst v63  }
0x152: {  	s0 =	simm.s32 $0x3000  }
0x153: {  	[tilespmem:s0], [sflag:$0x1] =	stream.indirect_vreg.gather [hbm4b:s5+s2], $0x80, v3, vm0, $0xb8;
	[tilespmem:$0x10080] =	vst v63  }
0x154: {  	s18 =	simm.s32 $0x3800  }
0x155: {  	[tilespmem:s18], [sflag:$0x1] =	stream.indirect_vreg.gather [hbm4b:s6+s2], $0x80, v3, vm0, $0xb8;
	[tilespmem:$0x10080] =	vst v63  }
0x156: {  	v3 =	vld [tilespmem:$0x10010];
	_ =	sdelay $0x4  }
0x157: {  	v45 =	vshll.u32 v3, $0x3  }
0x158: {  	v3 =	vand.u32 $0x7, v3;
	v4 =	vand.u32 $0xFFFFFFC0, v45  }
0x159: {  	v3 =	vor.u32 v3, v4  }
0x15a: {  	v4 =	vperm.xlane v3, v0;
	_ =	sdelay $0x1  }
0x15b: {  	v4 =	vadd.s32 v1, v4;
	_ =	sdelay $0x3  }
0x15c: {  	s15 =	simm.s32 $0x4000  }
0x15d: {  	[tilespmem:s15], [sflag:$0x1] =	stream.indirect_vreg.gather [hbm4b:s3+s2], $0x80, v4, vm0, $0xb8;
	[tilespmem:$0x10080] =	vst v63  }
0x15e: {  	s18 =	simm.s32 $0x4800;
	v3 =	vperm.xlane v3, v2  }
0x15f: {  	[tilespmem:s18], [sflag:$0x1] =	stream.indirect_vreg.gather [hbm4b:s4+s2], $0x80, v4, vm0, $0xb8;
	[tilespmem:$0x10080] =	vst v63  }
0x160: {  	s16 =	simm.s32 $0x5000;
	v3 =	vadd.s32 v1, v3  }
0x161: {  	[tilespmem:s16], [sflag:$0x1] =	stream.indirect_vreg.gather [hbm4b:s5+s2], $0x80, v4, vm0, $0xb8;
	[tilespmem:$0x10080] =	vst v63  }
0x162: {  	s19 =	simm.s32 $0x5800  }
0x163: {  	[tilespmem:s19], [sflag:$0x1] =	stream.indirect_vreg.gather [hbm4b:s6+s2], $0x80, v4, vm0, $0xb8;
	[tilespmem:$0x10080] =	vst v63  }
0x164: {  	s19 =	simm.s32 $0x6000  }
0x165: {  	[tilespmem:s19], [sflag:$0x1] =	stream.indirect_vreg.gather [hbm4b:s3+s2], $0x80, v3, vm0, $0xb8;
	[tilespmem:$0x10080] =	vst v63  }
0x166: {  	s1 =	simm.s32 $0x6800  }
0x167: {  	[tilespmem:s1], [sflag:$0x1] =	stream.indirect_vreg.gather [hbm4b:s4+s2], $0x80, v3, vm0, $0xb8;
	[tilespmem:$0x10080] =	vst v63  }
0x168: {  	s7 =	simm.s32 $0x7000  }
0x169: {  	[tilespmem:s7], [sflag:$0x1] =	stream.indirect_vreg.gather [hbm4b:s5+s2], $0x80, v3, vm0, $0xb8;
	[tilespmem:$0x10080] =	vst v63  }
0x16a: {  	s12 =	simm.s32 $0x7800  }
0x16b: {  	[tilespmem:s12], [sflag:$0x1] =	stream.indirect_vreg.gather [hbm4b:s6+s2], $0x80, v3, vm0, $0xb8;
	[tilespmem:$0x10080] =	vst v63  }
0x16c: {  	v3 =	vld [tilespmem:$0x10020];
	_ =	sdelay $0x4  }
0x16d: {  	v46 =	vshll.u32 v3, $0x3  }
0x16e: {  	v3 =	vand.u32 $0x7, v3;
	v4 =	vand.u32 $0xFFFFFFC0, v46  }
0x16f: {  	v3 =	vor.u32 v3, v4  }
0x170: {  	v4 =	vperm.xlane v3, v0;
	_ =	sdelay $0x1  }
0x171: {  	v4 =	vadd.s32 v1, v4;
	_ =	sdelay $0x3  }
0x172: {  	s13 =	simm.s32 $0x8000  }
0x173: {  	[tilespmem:s13], [sflag:$0x1] =	stream.indirect_vreg.gather [hbm4b:s3+s2], $0x80, v4, vm0, $0xb8;
	[tilespmem:$0x10080] =	vst v63  }
0x174: {  	s14 =	simm.s32 $0x8800;
	v3 =	vperm.xlane v3, v2  }
0x175: {  	[tilespmem:s14], [sflag:$0x1] =	stream.indirect_vreg.gather [hbm4b:s4+s2], $0x80, v4, vm0, $0xb8;
	[tilespmem:$0x10080] =	vst v63  }
0x176: {  	s8 =	simm.s32 $0x9000;
	v3 =	vadd.s32 v1, v3  }
0x177: {  	[tilespmem:s8], [sflag:$0x1] =	stream.indirect_vreg.gather [hbm4b:s5+s2], $0x80, v4, vm0, $0xb8;
	[tilespmem:$0x10080] =	vst v63  }
0x178: {  	s10 =	simm.s32 $0x9800  }
0x179: {  	[tilespmem:s10], [sflag:$0x1] =	stream.indirect_vreg.gather [hbm4b:s6+s2], $0x80, v4, vm0, $0xb8;
	[tilespmem:$0x10080] =	vst v63  }
0x17a: {  	s11 =	simm.s32 $0xA000  }
0x17b: {  	[tilespmem:s11], [sflag:$0x1] =	stream.indirect_vreg.gather [hbm4b:s3+s2], $0x80, v3, vm0, $0xb8;
	[tilespmem:$0x10080] =	vst v63  }
0x17c: {  	s25 =	simm.s32 $0xA800  }
0x17d: {  	[tilespmem:s25], [sflag:$0x1] =	stream.indirect_vreg.gather [hbm4b:s4+s2], $0x80, v3, vm0, $0xb8;
	[tilespmem:$0x10080] =	vst v63  }
0x17e: {  	s24 =	simm.s32 $0xB000  }
0x17f: {  	[tilespmem:s24], [sflag:$0x1] =	stream.indirect_vreg.gather [hbm4b:s5+s2], $0x80, v3, vm0, $0xb8;
	[tilespmem:$0x10080] =	vst v63  }
0x180: {  	s29 =	simm.s32 $0xB800  }
0x181: {  	[tilespmem:s29], [sflag:$0x1] =	stream.indirect_vreg.gather [hbm4b:s6+s2], $0x80, v3, vm0, $0xb8;
	[tilespmem:$0x10080] =	vst v63  }
0x182: {  	v3 =	vld [tilespmem:$0x10030];
	_ =	sdelay $0x4  }
0x183: {  	v47 =	vshll.u32 v3, $0x3  }
0x184: {  	v3 =	vand.u32 $0x7, v3;
	v4 =	vand.u32 $0xFFFFFFC0, v47  }
0x185: {  	v3 =	vor.u32 v3, v4  }
0x186: {  	v4 =	vperm.xlane v3, v0;
	_ =	sdelay $0x1  }
0x187: {  	v4 =	vadd.s32 v1, v4;
	_ =	sdelay $0x3  }
0x188: {  	s31 =	simm.s32 $0xC000  }
0x189: {  	[tilespmem:s31], [sflag:$0x1] =	stream.indirect_vreg.gather [hbm4b:s3+s2], $0x80, v4, vm0, $0xb8;
	[tilespmem:$0x10080] =	vst v63  }
0x18a: {  	s24 =	simm.s32 $0xC800;
	v3 =	vperm.xlane v3, v2  }
0x18b: {  	[tilespmem:s24], [sflag:$0x1] =	stream.indirect_vreg.gather [hbm4b:s4+s2], $0x80, v4, vm0, $0xb8;
	[tilespmem:$0x10080] =	vst v63  }
0x18c: {  	s20 =	simm.s32 $0xD000;
	v3 =	vadd.s32 v1, v3  }
0x18d: {  	[tilespmem:s20], [sflag:$0x1] =	stream.indirect_vreg.gather [hbm4b:s5+s2], $0x80, v4, vm0, $0xb8;
	[tilespmem:$0x10080] =	vst v63  }
0x18e: {  	s23 =	simm.s32 $0xD800  }
0x18f: {  	[tilespmem:s23], [sflag:$0x1] =	stream.indirect_vreg.gather [hbm4b:s6+s2], $0x80, v4, vm0, $0xb8;
	[tilespmem:$0x10080] =	vst v63  }
0x190: {  	s26 =	simm.s32 $0xE000  }
0x191: {  	[tilespmem:s26], [sflag:$0x1] =	stream.indirect_vreg.gather [hbm4b:s3+s2], $0x80, v3, vm0, $0xb8;
	[tilespmem:$0x10080] =	vst v63  }
0x192: {  	s21 =	simm.s32 $0xE800  }
0x193: {  	[tilespmem:s21], [sflag:$0x1] =	stream.indirect_vreg.gather [hbm4b:s4+s2], $0x80, v3, vm0, $0xb8;
	[tilespmem:$0x10080] =	vst v63  }
0x194: {  	s28 =	simm.s32 $0xF000  }
0x195: {  	[tilespmem:s28], [sflag:$0x1] =	stream.indirect_vreg.gather [hbm4b:s5+s2], $0x80, v3, vm0, $0xb8;
	[tilespmem:$0x10080] =	vst v63  }
0x196: {  	s22 =	simm.s32 $0xF800  }
0x197: {  	[tilespmem:s22], [sflag:$0x1] =	stream.indirect_vreg.gather [hbm4b:s6+s2], $0x80, v3, vm0, $0xb8;
	[tilespmem:$0x10080] =	vst v63  }
0x198: {  	_ =	swait.ge [sflag:s17], $0x10000  }
0x199: {  	[sflag:s17] =	ssyncset.done $0x0  }
0x19a: {  	s28 =	rddreg [dreg:$0x9];
	[sflag:s17] =	ssyncadd.s32 $0xFFFF0000  }
0x19b: {  	[hbm4b:s28+s2] =	stream.linear.scatter [tilespmem:s2], [sflag:$0x2], $0x10000, $0x38;
	[tilespmem:$0x10080] =	vst v63  }
0x19c: {  	_ =	swait.ge [sflag:s9], $0x10000  }
0x19d: {  	[sflag:s9] =	ssyncset.done $0x0  }
0x19e: {  	s28 =	simm.s32 $0x10000;
	s18 =	rddreg [dreg:$0xa];
	[sflag:s9] =	ssyncadd.s32 $0xFFFF0000  }
0x19f: {  	[tilespmem:s28], [sflag:$0x2] =	stream.linear.gather [hbm4b:s18+s2], $0x40, $0x38;
	[tilespmem:$0x10080] =	vst v63  }
0x1a0: {  	_ =	swait.ge [sflag:s9], $0x40  }
0x1a1: {  	[sflag:s9] =	ssyncset.done $0x0  }
0x1a2: {  	[sflag:s9] =	ssyncadd.s32 $0xFFFFFFC0  }
0x1a3: {  	v3 =	vld [tilespmem:$0x10000];
	_ =	sdelay $0x4  }
0x1a4: {  	v48 =	vshll.u32 v3, $0x3  }
0x1a5: {  	v3 =	vand.u32 $0x7, v3;
	v4 =	vand.u32 $0xFFFFFFC0, v48  }
0x1a6: {  	v3 =	vor.u32 v3, v4  }
0x1a7: {  	v4 =	vperm.xlane v3, v0;
	_ =	sdelay $0x1  }
0x1a8: {  	v4 =	vadd.s32 v1, v4;
	_ =	sdelay $0x4  }
0x1a9: {  	[tilespmem:s2], [sflag:$0x1] =	stream.indirect_vreg.gather [hbm4b:s3+s2], $0x80, v4, vm0, $0xb8;
	[tilespmem:$0x10080] =	vst v63  }
0x1aa: {  	s28 =	simm.s32 $0x800;
	v3 =	vperm.xlane v3, v2  }
0x1ab: {  	[tilespmem:s28], [sflag:$0x1] =	stream.indirect_vreg.gather [hbm4b:s4+s2], $0x80, v4, vm0, $0xb8;
	[tilespmem:$0x10080] =	vst v63  }
0x1ac: {  	v3 =	vadd.s32 v1, v3;
	s28 =	simm.s32 $0x1000  }
0x1ad: {  	[tilespmem:s28], [sflag:$0x1] =	stream.indirect_vreg.gather [hbm4b:s5+s2], $0x80, v4, vm0, $0xb8;
	[tilespmem:$0x10080] =	vst v63  }
0x1ae: {  	s28 =	simm.s32 $0x1800  }
0x1af: {  	[tilespmem:s28], [sflag:$0x1] =	stream.indirect_vreg.gather [hbm4b:s6+s2], $0x80, v4, vm0, $0xb8;
	[tilespmem:$0x10080] =	vst v63  }
0x1b0: {  	s28 =	simm.s32 $0x2000  }
0x1b1: {  	[tilespmem:s28], [sflag:$0x1] =	stream.indirect_vreg.gather [hbm4b:s3+s2], $0x80, v3, vm0, $0xb8;
	[tilespmem:$0x10080] =	vst v63  }
0x1b2: {  	s28 =	simm.s32 $0x2800  }
0x1b3: {  	[tilespmem:s28], [sflag:$0x1] =	stream.indirect_vreg.gather [hbm4b:s4+s2], $0x80, v3, vm0, $0xb8;
	[tilespmem:$0x10080] =	vst v63  }
0x1b4: {  	s28 =	simm.s32 $0x3000  }
0x1b5: {  	[tilespmem:s28], [sflag:$0x1] =	stream.indirect_vreg.gather [hbm4b:s5+s2], $0x80, v3, vm0, $0xb8;
	[tilespmem:$0x10080] =	vst v63  }
0x1b6: {  	s28 =	simm.s32 $0x3800  }
0x1b7: {  	[tilespmem:s28], [sflag:$0x1] =	stream.indirect_vreg.gather [hbm4b:s6+s2], $0x80, v3, vm0, $0xb8;
	[tilespmem:$0x10080] =	vst v63  }
0x1b8: {  	v3 =	vld [tilespmem:$0x10010];
	_ =	sdelay $0x4  }
0x1b9: {  	v49 =	vshll.u32 v3, $0x3  }
0x1ba: {  	v3 =	vand.u32 $0x7, v3;
	v4 =	vand.u32 $0xFFFFFFC0, v49  }
0x1bb: {  	v3 =	vor.u32 v3, v4  }
0x1bc: {  	v4 =	vperm.xlane v3, v0;
	_ =	sdelay $0x1  }
0x1bd: {  	v4 =	vadd.s32 v1, v4;
	_ =	sdelay $0x3  }
0x1be: {  	s15 =	simm.s32 $0x4000  }
0x1bf: {  	[tilespmem:s15], [sflag:$0x1] =	stream.indirect_vreg.gather [hbm4b:s3+s2], $0x80, v4, vm0, $0xb8;
	[tilespmem:$0x10080] =	vst v63  }
0x1c0: {  	s28 =	simm.s32 $0x4800;
	v3 =	vperm.xlane v3, v2  }
0x1c1: {  	[tilespmem:s28], [sflag:$0x1] =	stream.indirect_vreg.gather [hbm4b:s4+s2], $0x80, v4, vm0, $0xb8;
	[tilespmem:$0x10080] =	vst v63  }
0x1c2: {  	s16 =	simm.s32 $0x5000;
	v3 =	vadd.s32 v1, v3  }
0x1c3: {  	[tilespmem:s16], [sflag:$0x1] =	stream.indirect_vreg.gather [hbm4b:s5+s2], $0x80, v4, vm0, $0xb8;
	[tilespmem:$0x10080] =	vst v63  }
0x1c4: {  	s18 =	simm.s32 $0x5800  }
0x1c5: {  	[tilespmem:s18], [sflag:$0x1] =	stream.indirect_vreg.gather [hbm4b:s6+s2], $0x80, v4, vm0, $0xb8;
	[tilespmem:$0x10080] =	vst v63  }
0x1c6: {  	s0 =	simm.s32 $0x6000  }
0x1c7: {  	[tilespmem:s0], [sflag:$0x1] =	stream.indirect_vreg.gather [hbm4b:s3+s2], $0x80, v3, vm0, $0xb8;
	[tilespmem:$0x10080] =	vst v63  }
0x1c8: {  	s1 =	simm.s32 $0x6800  }
0x1c9: {  	[tilespmem:s1], [sflag:$0x1] =	stream.indirect_vreg.gather [hbm4b:s4+s2], $0x80, v3, vm0, $0xb8;
	[tilespmem:$0x10080] =	vst v63  }
0x1ca: {  	s7 =	simm.s32 $0x7000  }
0x1cb: {  	[tilespmem:s7], [sflag:$0x1] =	stream.indirect_vreg.gather [hbm4b:s5+s2], $0x80, v3, vm0, $0xb8;
	[tilespmem:$0x10080] =	vst v63  }
0x1cc: {  	s12 =	simm.s32 $0x7800  }
0x1cd: {  	[tilespmem:s12], [sflag:$0x1] =	stream.indirect_vreg.gather [hbm4b:s6+s2], $0x80, v3, vm0, $0xb8;
	[tilespmem:$0x10080] =	vst v63  }
0x1ce: {  	v3 =	vld [tilespmem:$0x10020];
	_ =	sdelay $0x4  }
0x1cf: {  	v50 =	vshll.u32 v3, $0x3  }
0x1d0: {  	v3 =	vand.u32 $0x7, v3;
	v4 =	vand.u32 $0xFFFFFFC0, v50  }
0x1d1: {  	v3 =	vor.u32 v3, v4  }
0x1d2: {  	v4 =	vperm.xlane v3, v0;
	_ =	sdelay $0x1  }
0x1d3: {  	v4 =	vadd.s32 v1, v4;
	_ =	sdelay $0x3  }
0x1d4: {  	s13 =	simm.s32 $0x8000  }
0x1d5: {  	[tilespmem:s13], [sflag:$0x1] =	stream.indirect_vreg.gather [hbm4b:s3+s2], $0x80, v4, vm0, $0xb8;
	[tilespmem:$0x10080] =	vst v63  }
0x1d6: {  	s14 =	simm.s32 $0x8800;
	v3 =	vperm.xlane v3, v2  }
0x1d7: {  	[tilespmem:s14], [sflag:$0x1] =	stream.indirect_vreg.gather [hbm4b:s4+s2], $0x80, v4, vm0, $0xb8;
	[tilespmem:$0x10080] =	vst v63  }
0x1d8: {  	s8 =	simm.s32 $0x9000;
	v3 =	vadd.s32 v1, v3  }
0x1d9: {  	[tilespmem:s8], [sflag:$0x1] =	stream.indirect_vreg.gather [hbm4b:s5+s2], $0x80, v4, vm0, $0xb8;
	[tilespmem:$0x10080] =	vst v63  }
0x1da: {  	s10 =	simm.s32 $0x9800  }
0x1db: {  	[tilespmem:s10], [sflag:$0x1] =	stream.indirect_vreg.gather [hbm4b:s6+s2], $0x80, v4, vm0, $0xb8;
	[tilespmem:$0x10080] =	vst v63  }
0x1dc: {  	s11 =	simm.s32 $0xA000  }
0x1dd: {  	[tilespmem:s11], [sflag:$0x1] =	stream.indirect_vreg.gather [hbm4b:s3+s2], $0x80, v3, vm0, $0xb8;
	[tilespmem:$0x10080] =	vst v63  }
0x1de: {  	s25 =	simm.s32 $0xA800  }
0x1df: {  	[tilespmem:s25], [sflag:$0x1] =	stream.indirect_vreg.gather [hbm4b:s4+s2], $0x80, v3, vm0, $0xb8;
	[tilespmem:$0x10080] =	vst v63  }
0x1e0: {  	s19 =	simm.s32 $0xB000  }
0x1e1: {  	[tilespmem:s19], [sflag:$0x1] =	stream.indirect_vreg.gather [hbm4b:s5+s2], $0x80, v3, vm0, $0xb8;
	[tilespmem:$0x10080] =	vst v63  }
0x1e2: {  	s29 =	simm.s32 $0xB800  }
0x1e3: {  	[tilespmem:s29], [sflag:$0x1] =	stream.indirect_vreg.gather [hbm4b:s6+s2], $0x80, v3, vm0, $0xb8;
	[tilespmem:$0x10080] =	vst v63  }
0x1e4: {  	v3 =	vld [tilespmem:$0x10030];
	_ =	sdelay $0x4  }
0x1e5: {  	v51 =	vshll.u32 v3, $0x3  }
0x1e6: {  	v3 =	vand.u32 $0x7, v3;
	v4 =	vand.u32 $0xFFFFFFC0, v51  }
0x1e7: {  	v3 =	vor.u32 v3, v4  }
0x1e8: {  	v4 =	vperm.xlane v3, v0;
	_ =	sdelay $0x1  }
0x1e9: {  	v4 =	vadd.s32 v1, v4;
	_ =	sdelay $0x3  }
0x1ea: {  	s31 =	simm.s32 $0xC000  }
0x1eb: {  	[tilespmem:s31], [sflag:$0x1] =	stream.indirect_vreg.gather [hbm4b:s3+s2], $0x80, v4, vm0, $0xb8;
	[tilespmem:$0x10080] =	vst v63  }
0x1ec: {  	s19 =	simm.s32 $0xC800;
	v3 =	vperm.xlane v3, v2  }
0x1ed: {  	[tilespmem:s19], [sflag:$0x1] =	stream.indirect_vreg.gather [hbm4b:s4+s2], $0x80, v4, vm0, $0xb8;
	[tilespmem:$0x10080] =	vst v63  }
0x1ee: {  	s20 =	simm.s32 $0xD000;
	v3 =	vadd.s32 v1, v3  }
0x1ef: {  	[tilespmem:s20], [sflag:$0x1] =	stream.indirect_vreg.gather [hbm4b:s5+s2], $0x80, v4, vm0, $0xb8;
	[tilespmem:$0x10080] =	vst v63  }
0x1f0: {  	s23 =	simm.s32 $0xD800  }
0x1f1: {  	[tilespmem:s23], [sflag:$0x1] =	stream.indirect_vreg.gather [hbm4b:s6+s2], $0x80, v4, vm0, $0xb8;
	[tilespmem:$0x10080] =	vst v63  }
0x1f2: {  	s24 =	simm.s32 $0xE000  }
0x1f3: {  	[tilespmem:s24], [sflag:$0x1] =	stream.indirect_vreg.gather [hbm4b:s3+s2], $0x80, v3, vm0, $0xb8;
	[tilespmem:$0x10080] =	vst v63  }
0x1f4: {  	s21 =	simm.s32 $0xE800  }
0x1f5: {  	[tilespmem:s21], [sflag:$0x1] =	stream.indirect_vreg.gather [hbm4b:s4+s2], $0x80, v3, vm0, $0xb8;
	[tilespmem:$0x10080] =	vst v63  }
0x1f6: {  	s26 =	simm.s32 $0xF000  }
0x1f7: {  	[tilespmem:s26], [sflag:$0x1] =	stream.indirect_vreg.gather [hbm4b:s5+s2], $0x80, v3, vm0, $0xb8;
	[tilespmem:$0x10080] =	vst v63  }
0x1f8: {  	s22 =	simm.s32 $0xF800  }
0x1f9: {  	[tilespmem:s22], [sflag:$0x1] =	stream.indirect_vreg.gather [hbm4b:s6+s2], $0x80, v3, vm0, $0xb8;
	[tilespmem:$0x10080] =	vst v63  }
0x1fa: {  	_ =	swait.ge [sflag:s17], $0x10000  }
0x1fb: {  	[sflag:s17] =	ssyncset.done $0x0  }
0x1fc: {  	s26 =	rddreg [dreg:$0xb];
	[sflag:s17] =	ssyncadd.s32 $0xFFFF0000  }
0x1fd: {  	[hbm4b:s26+s2] =	stream.linear.scatter [tilespmem:s2], [sflag:$0x2], $0x10000, $0x38;
	[tilespmem:$0x10080] =	vst v63  }
0x1fe: {  	_ =	swait.ge [sflag:s9], $0x10000  }
0x1ff: {  	[sflag:s9] =	ssyncset.done $0x0  }
0x200: {  	s26 =	simm.s32 $0x10000;
	s18 =	rddreg [dreg:$0xc];
	[sflag:s9] =	ssyncadd.s32 $0xFFFF0000  }
0x201: {  	[tilespmem:s26], [sflag:$0x2] =	stream.linear.gather [hbm4b:s18+s2], $0x40, $0x38;
	[tilespmem:$0x10080] =	vst v63  }
0x202: {  	_ =	swait.ge [sflag:s9], $0x40  }
0x203: {  	[sflag:s9] =	ssyncset.done $0x0  }
0x204: {  	[sflag:s9] =	ssyncadd.s32 $0xFFFFFFC0  }
0x205: {  	v3 =	vld [tilespmem:$0x10000];
	_ =	sdelay $0x4  }
0x206: {  	v52 =	vshll.u32 v3, $0x3  }
0x207: {  	v3 =	vand.u32 $0x7, v3;
	v4 =	vand.u32 $0xFFFFFFC0, v52  }
0x208: {  	v3 =	vor.u32 v3, v4  }
0x209: {  	v4 =	vperm.xlane v3, v0;
	_ =	sdelay $0x1  }
0x20a: {  	v4 =	vadd.s32 v1, v4;
	_ =	sdelay $0x4  }
0x20b: {  	[tilespmem:s2], [sflag:$0x1] =	stream.indirect_vreg.gather [hbm4b:s3+s2], $0x80, v4, vm0, $0xb8;
	[tilespmem:$0x10080] =	vst v63  }
0x20c: {  	s26 =	simm.s32 $0x800;
	v3 =	vperm.xlane v3, v2  }
0x20d: {  	[tilespmem:s26], [sflag:$0x1] =	stream.indirect_vreg.gather [hbm4b:s4+s2], $0x80, v4, vm0, $0xb8;
	[tilespmem:$0x10080] =	vst v63  }
0x20e: {  	v3 =	vadd.s32 v1, v3;
	s26 =	simm.s32 $0x1000  }
0x20f: {  	[tilespmem:s26], [sflag:$0x1] =	stream.indirect_vreg.gather [hbm4b:s5+s2], $0x80, v4, vm0, $0xb8;
	[tilespmem:$0x10080] =	vst v63  }
0x210: {  	s26 =	simm.s32 $0x1800  }
0x211: {  	[tilespmem:s26], [sflag:$0x1] =	stream.indirect_vreg.gather [hbm4b:s6+s2], $0x80, v4, vm0, $0xb8;
	[tilespmem:$0x10080] =	vst v63  }
0x212: {  	s26 =	simm.s32 $0x2000  }
0x213: {  	[tilespmem:s26], [sflag:$0x1] =	stream.indirect_vreg.gather [hbm4b:s3+s2], $0x80, v3, vm0, $0xb8;
	[tilespmem:$0x10080] =	vst v63  }
0x214: {  	s26 =	simm.s32 $0x2800  }
0x215: {  	[tilespmem:s26], [sflag:$0x1] =	stream.indirect_vreg.gather [hbm4b:s4+s2], $0x80, v3, vm0, $0xb8;
	[tilespmem:$0x10080] =	vst v63  }
0x216: {  	s26 =	simm.s32 $0x3000  }
0x217: {  	[tilespmem:s26], [sflag:$0x1] =	stream.indirect_vreg.gather [hbm4b:s5+s2], $0x80, v3, vm0, $0xb8;
	[tilespmem:$0x10080] =	vst v63  }
0x218: {  	s26 =	simm.s32 $0x3800  }
0x219: {  	[tilespmem:s26], [sflag:$0x1] =	stream.indirect_vreg.gather [hbm4b:s6+s2], $0x80, v3, vm0, $0xb8;
	[tilespmem:$0x10080] =	vst v63  }
0x21a: {  	v3 =	vld [tilespmem:$0x10010];
	_ =	sdelay $0x4  }
0x21b: {  	v53 =	vshll.u32 v3, $0x3  }
0x21c: {  	v3 =	vand.u32 $0x7, v3;
	v4 =	vand.u32 $0xFFFFFFC0, v53  }
0x21d: {  	v3 =	vor.u32 v3, v4  }
0x21e: {  	v4 =	vperm.xlane v3, v0;
	_ =	sdelay $0x1  }
0x21f: {  	v4 =	vadd.s32 v1, v4;
	_ =	sdelay $0x3  }
0x220: {  	s26 =	simm.s32 $0x4000  }
0x221: {  	[tilespmem:s26], [sflag:$0x1] =	stream.indirect_vreg.gather [hbm4b:s3+s2], $0x80, v4, vm0, $0xb8;
	[tilespmem:$0x10080] =	vst v63  }
0x222: {  	s18 =	simm.s32 $0x4800;
	v3 =	vperm.xlane v3, v2  }
0x223: {  	[tilespmem:s18], [sflag:$0x1] =	stream.indirect_vreg.gather [hbm4b:s4+s2], $0x80, v4, vm0, $0xb8;
	[tilespmem:$0x10080] =	vst v63  }
0x224: {  	s16 =	simm.s32 $0x5000;
	v3 =	vadd.s32 v1, v3  }
0x225: {  	[tilespmem:s16], [sflag:$0x1] =	stream.indirect_vreg.gather [hbm4b:s5+s2], $0x80, v4, vm0, $0xb8;
	[tilespmem:$0x10080] =	vst v63  }
0x226: {  	s15 =	simm.s32 $0x5800  }
0x227: {  	[tilespmem:s15], [sflag:$0x1] =	stream.indirect_vreg.gather [hbm4b:s6+s2], $0x80, v4, vm0, $0xb8;
	[tilespmem:$0x10080] =	vst v63  }
0x228: {  	s0 =	simm.s32 $0x6000  }
0x229: {  	[tilespmem:s0], [sflag:$0x1] =	stream.indirect_vreg.gather [hbm4b:s3+s2], $0x80, v3, vm0, $0xb8;
	[tilespmem:$0x10080] =	vst v63  }
0x22a: {  	s1 =	simm.s32 $0x6800  }
0x22b: {  	[tilespmem:s1], [sflag:$0x1] =	stream.indirect_vreg.gather [hbm4b:s4+s2], $0x80, v3, vm0, $0xb8;
	[tilespmem:$0x10080] =	vst v63  }
0x22c: {  	s7 =	simm.s32 $0x7000  }
0x22d: {  	[tilespmem:s7], [sflag:$0x1] =	stream.indirect_vreg.gather [hbm4b:s5+s2], $0x80, v3, vm0, $0xb8;
	[tilespmem:$0x10080] =	vst v63  }
0x22e: {  	s28 =	simm.s32 $0x7800  }
0x22f: {  	[tilespmem:s28], [sflag:$0x1] =	stream.indirect_vreg.gather [hbm4b:s6+s2], $0x80, v3, vm0, $0xb8;
	[tilespmem:$0x10080] =	vst v63  }
0x230: {  	v3 =	vld [tilespmem:$0x10020];
	_ =	sdelay $0x4  }
0x231: {  	v54 =	vshll.u32 v3, $0x3  }
0x232: {  	v3 =	vand.u32 $0x7, v3;
	v4 =	vand.u32 $0xFFFFFFC0, v54  }
0x233: {  	v3 =	vor.u32 v3, v4  }
0x234: {  	v4 =	vperm.xlane v3, v0;
	_ =	sdelay $0x1  }
0x235: {  	v4 =	vadd.s32 v1, v4;
	_ =	sdelay $0x3  }
0x236: {  	s13 =	simm.s32 $0x8000  }
0x237: {  	[tilespmem:s13], [sflag:$0x1] =	stream.indirect_vreg.gather [hbm4b:s3+s2], $0x80, v4, vm0, $0xb8;
	[tilespmem:$0x10080] =	vst v63  }
0x238: {  	s14 =	simm.s32 $0x8800;
	v3 =	vperm.xlane v3, v2  }
0x239: {  	[tilespmem:s14], [sflag:$0x1] =	stream.indirect_vreg.gather [hbm4b:s4+s2], $0x80, v4, vm0, $0xb8;
	[tilespmem:$0x10080] =	vst v63  }
0x23a: {  	s8 =	simm.s32 $0x9000;
	v3 =	vadd.s32 v1, v3  }
0x23b: {  	[tilespmem:s8], [sflag:$0x1] =	stream.indirect_vreg.gather [hbm4b:s5+s2], $0x80, v4, vm0, $0xb8;
	[tilespmem:$0x10080] =	vst v63  }
0x23c: {  	s10 =	simm.s32 $0x9800  }
0x23d: {  	[tilespmem:s10], [sflag:$0x1] =	stream.indirect_vreg.gather [hbm4b:s6+s2], $0x80, v4, vm0, $0xb8;
	[tilespmem:$0x10080] =	vst v63  }
0x23e: {  	s11 =	simm.s32 $0xA000  }
0x23f: {  	[tilespmem:s11], [sflag:$0x1] =	stream.indirect_vreg.gather [hbm4b:s3+s2], $0x80, v3, vm0, $0xb8;
	[tilespmem:$0x10080] =	vst v63  }
0x240: {  	s25 =	simm.s32 $0xA800  }
0x241: {  	[tilespmem:s25], [sflag:$0x1] =	stream.indirect_vreg.gather [hbm4b:s4+s2], $0x80, v3, vm0, $0xb8;
	[tilespmem:$0x10080] =	vst v63  }
0x242: {  	s12 =	simm.s32 $0xB000  }
0x243: {  	[tilespmem:s12], [sflag:$0x1] =	stream.indirect_vreg.gather [hbm4b:s5+s2], $0x80, v3, vm0, $0xb8;
	[tilespmem:$0x10080] =	vst v63  }
0x244: {  	s29 =	simm.s32 $0xB800  }
0x245: {  	[tilespmem:s29], [sflag:$0x1] =	stream.indirect_vreg.gather [hbm4b:s6+s2], $0x80, v3, vm0, $0xb8;
	[tilespmem:$0x10080] =	vst v63  }
0x246: {  	v3 =	vld [tilespmem:$0x10030];
	_ =	sdelay $0x4  }
0x247: {  	v55 =	vshll.u32 v3, $0x3  }
0x248: {  	v3 =	vand.u32 $0x7, v3;
	v4 =	vand.u32 $0xFFFFFFC0, v55  }
0x249: {  	v3 =	vor.u32 v3, v4  }
0x24a: {  	v4 =	vperm.xlane v3, v0;
	_ =	sdelay $0x1  }
0x24b: {  	v4 =	vadd.s32 v1, v4;
	_ =	sdelay $0x3  }
0x24c: {  	s31 =	simm.s32 $0xC000  }
0x24d: {  	[tilespmem:s31], [sflag:$0x1] =	stream.indirect_vreg.gather [hbm4b:s3+s2], $0x80, v4, vm0, $0xb8;
	[tilespmem:$0x10080] =	vst v63  }
0x24e: {  	s18 =	simm.s32 $0xC800;
	v3 =	vperm.xlane v3, v2  }
0x24f: {  	[tilespmem:s18], [sflag:$0x1] =	stream.indirect_vreg.gather [hbm4b:s4+s2], $0x80, v4, vm0, $0xb8;
	[tilespmem:$0x10080] =	vst v63  }
0x250: {  	s19 =	simm.s32 $0xD000;
	v3 =	vadd.s32 v1, v3  }
0x251: {  	[tilespmem:s19], [sflag:$0x1] =	stream.indirect_vreg.gather [hbm4b:s5+s2], $0x80, v4, vm0, $0xb8;
	[tilespmem:$0x10080] =	vst v63  }
0x252: {  	s23 =	simm.s32 $0xD800  }
0x253: {  	[tilespmem:s23], [sflag:$0x1] =	stream.indirect_vreg.gather [hbm4b:s6+s2], $0x80, v4, vm0, $0xb8;
	[tilespmem:$0x10080] =	vst v63  }
0x254: {  	s24 =	simm.s32 $0xE000  }
0x255: {  	[tilespmem:s24], [sflag:$0x1] =	stream.indirect_vreg.gather [hbm4b:s3+s2], $0x80, v3, vm0, $0xb8;
	[tilespmem:$0x10080] =	vst v63  }
0x256: {  	s20 =	simm.s32 $0xE800  }
0x257: {  	[tilespmem:s20], [sflag:$0x1] =	stream.indirect_vreg.gather [hbm4b:s4+s2], $0x80, v3, vm0, $0xb8;
	[tilespmem:$0x10080] =	vst v63  }
0x258: {  	s21 =	simm.s32 $0xF000  }
0x259: {  	[tilespmem:s21], [sflag:$0x1] =	stream.indirect_vreg.gather [hbm4b:s5+s2], $0x80, v3, vm0, $0xb8;
	[tilespmem:$0x10080] =	vst v63  }
0x25a: {  	s22 =	simm.s32 $0xF800  }
0x25b: {  	[tilespmem:s22], [sflag:$0x1] =	stream.indirect_vreg.gather [hbm4b:s6+s2], $0x80, v3, vm0, $0xb8;
	[tilespmem:$0x10080] =	vst v63  }
0x25c: {  	_ =	swait.ge [sflag:s17], $0x10000  }
0x25d: {  	[sflag:s17] =	ssyncset.done $0x0  }
0x25e: {  	s19 =	rddreg [dreg:$0xd];
	[sflag:s17] =	ssyncadd.s32 $0xFFFF0000  }
0x25f: {  	[hbm4b:s19+s2] =	stream.linear.scatter [tilespmem:s2], [sflag:$0x2], $0x10000, $0x38;
	[tilespmem:$0x10080] =	vst v63  }
0x260: {  	_ =	swait.ge [sflag:s9], $0x10000  }
0x261: {  	[sflag:s9] =	ssyncset.done $0x0  }
0x262: {  	s22 =	simm.s32 $0x10000;
	s21 =	rddreg [dreg:$0xe];
	[sflag:s9] =	ssyncadd.s32 $0xFFFF0000  }
0x263: {  	[tilespmem:s22], [sflag:$0x2] =	stream.linear.gather [hbm4b:s21+s2], $0x40, $0x38;
	[tilespmem:$0x10080] =	vst v63  }
0x264: {  	_ =	swait.ge [sflag:s9], $0x40  }
0x265: {  	[sflag:s9] =	ssyncset.done $0x0  }
0x266: {  	[sflag:s9] =	ssyncadd.s32 $0xFFFFFFC0  }
0x267: {  	v3 =	vld [tilespmem:$0x10000];
	_ =	sdelay $0x4  }
0x268: {  	v56 =	vshll.u32 v3, $0x3  }
0x269: {  	v3 =	vand.u32 $0x7, v3;
	v4 =	vand.u32 $0xFFFFFFC0, v56  }
0x26a: {  	v3 =	vor.u32 v3, v4  }
0x26b: {  	v4 =	vperm.xlane v3, v0;
	_ =	sdelay $0x1  }
0x26c: {  	v4 =	vadd.s32 v1, v4;
	_ =	sdelay $0x4  }
0x26d: {  	[tilespmem:s2], [sflag:$0x1] =	stream.indirect_vreg.gather [hbm4b:s3+s2], $0x80, v4, vm0, $0xb8;
	[tilespmem:$0x10080] =	vst v63  }
0x26e: {  	s24 =	simm.s32 $0x800;
	v3 =	vperm.xlane v3, v2  }
0x26f: {  	[tilespmem:s24], [sflag:$0x1] =	stream.indirect_vreg.gather [hbm4b:s4+s2], $0x80, v4, vm0, $0xb8;
	[tilespmem:$0x10080] =	vst v63  }
0x270: {  	s29 =	simm.s32 $0x1000;
	v3 =	vadd.s32 v1, v3  }
0x271: {  	[tilespmem:s29], [sflag:$0x1] =	stream.indirect_vreg.gather [hbm4b:s5+s2], $0x80, v4, vm0, $0xb8;
	[tilespmem:$0x10080] =	vst v63  }
0x272: {  	s19 =	simm.s32 $0x1800  }
0x273: {  	[tilespmem:s19], [sflag:$0x1] =	stream.indirect_vreg.gather [hbm4b:s6+s2], $0x80, v4, vm0, $0xb8;
	[tilespmem:$0x10080] =	vst v63  }
0x274: {  	s22 =	simm.s32 $0x2000  }
0x275: {  	[tilespmem:s22], [sflag:$0x1] =	stream.indirect_vreg.gather [hbm4b:s3+s2], $0x80, v3, vm0, $0xb8;
	[tilespmem:$0x10080] =	vst v63  }
0x276: {  	s24 =	simm.s32 $0x2800  }
0x277: {  	[tilespmem:s24], [sflag:$0x1] =	stream.indirect_vreg.gather [hbm4b:s4+s2], $0x80, v3, vm0, $0xb8;
	[tilespmem:$0x10080] =	vst v63  }
0x278: {  	s29 =	simm.s32 $0x3000  }
0x279: {  	[tilespmem:s29], [sflag:$0x1] =	stream.indirect_vreg.gather [hbm4b:s5+s2], $0x80, v3, vm0, $0xb8;
	[tilespmem:$0x10080] =	vst v63  }
0x27a: {  	s19 =	simm.s32 $0x3800  }
0x27b: {  	[tilespmem:s19], [sflag:$0x1] =	stream.indirect_vreg.gather [hbm4b:s6+s2], $0x80, v3, vm0, $0xb8;
	[tilespmem:$0x10080] =	vst v63  }
0x27c: {  	v3 =	vld [tilespmem:$0x10010];
	_ =	sdelay $0x4  }
0x27d: {  	v57 =	vshll.u32 v3, $0x3  }
0x27e: {  	v3 =	vand.u32 $0x7, v3;
	v4 =	vand.u32 $0xFFFFFFC0, v57  }
0x27f: {  	v3 =	vor.u32 v3, v4  }
0x280: {  	v4 =	vperm.xlane v3, v0;
	_ =	sdelay $0x1  }
0x281: {  	v4 =	vadd.s32 v1, v4;
	_ =	sdelay $0x3  }
0x282: {  	s26 =	simm.s32 $0x4000  }
0x283: {  	[tilespmem:s26], [sflag:$0x1] =	stream.indirect_vreg.gather [hbm4b:s3+s2], $0x80, v4, vm0, $0xb8;
	[tilespmem:$0x10080] =	vst v63  }
0x284: {  	s22 =	simm.s32 $0x4800;
	v3 =	vperm.xlane v3, v2  }
0x285: {  	[tilespmem:s22], [sflag:$0x1] =	stream.indirect_vreg.gather [hbm4b:s4+s2], $0x80, v4, vm0, $0xb8;
	[tilespmem:$0x10080] =	vst v63  }
0x286: {  	v3 =	vadd.s32 v1, v3;
	s26 =	simm.s32 $0x5000  }
0x287: {  	[tilespmem:s26], [sflag:$0x1] =	stream.indirect_vreg.gather [hbm4b:s5+s2], $0x80, v4, vm0, $0xb8;
	[tilespmem:$0x10080] =	vst v63  }
0x288: {  	s16 =	simm.s32 $0x5800  }
0x289: {  	[tilespmem:s16], [sflag:$0x1] =	stream.indirect_vreg.gather [hbm4b:s6+s2], $0x80, v4, vm0, $0xb8;
	[tilespmem:$0x10080] =	vst v63  }
0x28a: {  	s0 =	simm.s32 $0x6000  }
0x28b: {  	[tilespmem:s0], [sflag:$0x1] =	stream.indirect_vreg.gather [hbm4b:s3+s2], $0x80, v3, vm0, $0xb8;
	[tilespmem:$0x10080] =	vst v63  }
0x28c: {  	s1 =	simm.s32 $0x6800  }
0x28d: {  	[tilespmem:s1], [sflag:$0x1] =	stream.indirect_vreg.gather [hbm4b:s4+s2], $0x80, v3, vm0, $0xb8;
	[tilespmem:$0x10080] =	vst v63  }
0x28e: {  	s7 =	simm.s32 $0x7000  }
0x28f: {  	[tilespmem:s7], [sflag:$0x1] =	stream.indirect_vreg.gather [hbm4b:s5+s2], $0x80, v3, vm0, $0xb8;
	[tilespmem:$0x10080] =	vst v63  }
0x290: {  	s29 =	simm.s32 $0x7800  }
0x291: {  	[tilespmem:s29], [sflag:$0x1] =	stream.indirect_vreg.gather [hbm4b:s6+s2], $0x80, v3, vm0, $0xb8;
	[tilespmem:$0x10080] =	vst v63  }
0x292: {  	v3 =	vld [tilespmem:$0x10020];
	_ =	sdelay $0x4  }
0x293: {  	v58 =	vshll.u32 v3, $0x3  }
0x294: {  	v3 =	vand.u32 $0x7, v3;
	v4 =	vand.u32 $0xFFFFFFC0, v58  }
0x295: {  	v3 =	vor.u32 v3, v4  }
0x296: {  	v4 =	vperm.xlane v3, v0;
	_ =	sdelay $0x1  }
0x297: {  	v4 =	vadd.s32 v1, v4;
	_ =	sdelay $0x3  }
0x298: {  	s13 =	simm.s32 $0x8000  }
0x299: {  	[tilespmem:s13], [sflag:$0x1] =	stream.indirect_vreg.gather [hbm4b:s3+s2], $0x80, v4, vm0, $0xb8;
	[tilespmem:$0x10080] =	vst v63  }
0x29a: {  	s14 =	simm.s32 $0x8800;
	v3 =	vperm.xlane v3, v2  }
0x29b: {  	[tilespmem:s14], [sflag:$0x1] =	stream.indirect_vreg.gather [hbm4b:s4+s2], $0x80, v4, vm0, $0xb8;
	[tilespmem:$0x10080] =	vst v63  }
0x29c: {  	s8 =	simm.s32 $0x9000;
	v3 =	vadd.s32 v1, v3  }
0x29d: {  	[tilespmem:s8], [sflag:$0x1] =	stream.indirect_vreg.gather [hbm4b:s5+s2], $0x80, v4, vm0, $0xb8;
	[tilespmem:$0x10080] =	vst v63  }
0x29e: {  	s10 =	simm.s32 $0x9800  }
0x29f: {  	[tilespmem:s10], [sflag:$0x1] =	stream.indirect_vreg.gather [hbm4b:s6+s2], $0x80, v4, vm0, $0xb8;
	[tilespmem:$0x10080] =	vst v63  }
0x2a0: {  	s11 =	simm.s32 $0xA000  }
0x2a1: {  	[tilespmem:s11], [sflag:$0x1] =	stream.indirect_vreg.gather [hbm4b:s3+s2], $0x80, v3, vm0, $0xb8;
	[tilespmem:$0x10080] =	vst v63  }
0x2a2: {  	s28 =	simm.s32 $0xA800  }
0x2a3: {  	[tilespmem:s28], [sflag:$0x1] =	stream.indirect_vreg.gather [hbm4b:s4+s2], $0x80, v3, vm0, $0xb8;
	[tilespmem:$0x10080] =	vst v63  }
0x2a4: {  	s12 =	simm.s32 $0xB000  }
0x2a5: {  	[tilespmem:s12], [sflag:$0x1] =	stream.indirect_vreg.gather [hbm4b:s5+s2], $0x80, v3, vm0, $0xb8;
	[tilespmem:$0x10080] =	vst v63  }
0x2a6: {  	s18 =	simm.s32 $0xB800  }
0x2a7: {  	[tilespmem:s18], [sflag:$0x1] =	stream.indirect_vreg.gather [hbm4b:s6+s2], $0x80, v3, vm0, $0xb8;
	[tilespmem:$0x10080] =	vst v63  }
0x2a8: {  	v3 =	vld [tilespmem:$0x10030];
	_ =	sdelay $0x4  }
0x2a9: {  	v59 =	vshll.u32 v3, $0x3  }
0x2aa: {  	v3 =	vand.u32 $0x7, v3;
	v4 =	vand.u32 $0xFFFFFFC0, v59  }
0x2ab: {  	v3 =	vor.u32 v3, v4  }
0x2ac: {  	v4 =	vperm.xlane v3, v0;
	_ =	sdelay $0x1  }
0x2ad: {  	v4 =	vadd.s32 v1, v4;
	_ =	sdelay $0x3  }
0x2ae: {  	s14 =	simm.s32 $0xC000  }
0x2af: {  	[tilespmem:s14], [sflag:$0x1] =	stream.indirect_vreg.gather [hbm4b:s3+s2], $0x80, v4, vm0, $0xb8;
	[tilespmem:$0x10080] =	vst v63  }
0x2b0: {  	s18 =	simm.s32 $0xC800;
	v3 =	vperm.xlane v3, v2  }
0x2b1: {  	[tilespmem:s18], [sflag:$0x1] =	stream.indirect_vreg.gather [hbm4b:s4+s2], $0x80, v4, vm0, $0xb8;
	[tilespmem:$0x10080] =	vst v63  }
0x2b2: {  	s15 =	simm.s32 $0xD000;
	v3 =	vadd.s32 v1, v3  }
0x2b3: {  	[tilespmem:s15], [sflag:$0x1] =	stream.indirect_vreg.gather [hbm4b:s5+s2], $0x80, v4, vm0, $0xb8;
	[tilespmem:$0x10080] =	vst v63  }
0x2b4: {  	s23 =	simm.s32 $0xD800  }
0x2b5: {  	[tilespmem:s23], [sflag:$0x1] =	stream.indirect_vreg.gather [hbm4b:s6+s2], $0x80, v4, vm0, $0xb8;
	[tilespmem:$0x10080] =	vst v63  }
0x2b6: {  	s25 =	simm.s32 $0xE000  }
0x2b7: {  	[tilespmem:s25], [sflag:$0x1] =	stream.indirect_vreg.gather [hbm4b:s3+s2], $0x80, v3, vm0, $0xb8;
	[tilespmem:$0x10080] =	vst v63  }
0x2b8: {  	s20 =	simm.s32 $0xE800  }
0x2b9: {  	[tilespmem:s20], [sflag:$0x1] =	stream.indirect_vreg.gather [hbm4b:s4+s2], $0x80, v3, vm0, $0xb8;
	[tilespmem:$0x10080] =	vst v63  }
0x2ba: {  	s31 =	simm.s32 $0xF000  }
0x2bb: {  	[tilespmem:s31], [sflag:$0x1] =	stream.indirect_vreg.gather [hbm4b:s5+s2], $0x80, v3, vm0, $0xb8;
	[tilespmem:$0x10080] =	vst v63  }
0x2bc: {  	s25 =	simm.s32 $0xF800  }
0x2bd: {  	[tilespmem:s25], [sflag:$0x1] =	stream.indirect_vreg.gather [hbm4b:s6+s2], $0x80, v3, vm0, $0xb8;
	[tilespmem:$0x10080] =	vst v63  }
0x2be: {  	_ =	swait.ge [sflag:s17], $0x10000  }
0x2bf: {  	[sflag:s17] =	ssyncset.done $0x0  }
0x2c0: {  	s31 =	rddreg [dreg:$0xf];
	[sflag:s17] =	ssyncadd.s32 $0xFFFF0000  }
0x2c1: {  	[hbm4b:s31+s2] =	stream.linear.scatter [tilespmem:s2], [sflag:$0x2], $0x10000, $0x38;
	[tilespmem:$0x10080] =	vst v63  }
0x2c2: {  	_ =	swait.ge [sflag:s9], $0x10000  }
0x2c3: {  	[sflag:s9] =	ssyncset.done $0x0  }
0x2c4: {  	s31 =	simm.s32 $0x10000;
	s18 =	rddreg [dreg:$0x10];
	[sflag:s9] =	ssyncadd.s32 $0xFFFF0000  }
0x2c5: {  	[tilespmem:s31], [sflag:$0x2] =	stream.linear.gather [hbm4b:s18+s2], $0x40, $0x38;
	[tilespmem:$0x10080] =	vst v63  }
0x2c6: {  	_ =	swait.ge [sflag:s9], $0x40  }
0x2c7: {  	[sflag:s9] =	ssyncset.done $0x0  }
0x2c8: {  	[sflag:s9] =	ssyncadd.s32 $0xFFFFFFC0  }
0x2c9: {  	v3 =	vld [tilespmem:$0x10000];
	_ =	sdelay $0x4  }
0x2ca: {  	v60 =	vshll.u32 v3, $0x3  }
0x2cb: {  	v3 =	vand.u32 $0x7, v3;
	v4 =	vand.u32 $0xFFFFFFC0, v60  }
0x2cc: {  	v3 =	vor.u32 v3, v4  }
0x2cd: {  	v4 =	vperm.xlane v3, v0;
	_ =	sdelay $0x1  }
0x2ce: {  	v4 =	vadd.s32 v1, v4;
	_ =	sdelay $0x4  }
0x2cf: {  	[tilespmem:s2], [sflag:$0x1] =	stream.indirect_vreg.gather [hbm4b:s3+s2], $0x80, v4, vm0, $0xb8;
	[tilespmem:$0x10080] =	vst v63  }
0x2d0: {  	s31 =	simm.s32 $0x800;
	v3 =	vperm.xlane v3, v2  }
0x2d1: {  	[tilespmem:s31], [sflag:$0x1] =	stream.indirect_vreg.gather [hbm4b:s4+s2], $0x80, v4, vm0, $0xb8;
	[tilespmem:$0x10080] =	vst v63  }
0x2d2: {  	s21 =	simm.s32 $0x1000;
	v3 =	vadd.s32 v1, v3  }
0x2d3: {  	[tilespmem:s21], [sflag:$0x1] =	stream.indirect_vreg.gather [hbm4b:s5+s2], $0x80, v4, vm0, $0xb8;
	[tilespmem:$0x10080] =	vst v63  }
0x2d4: {  	s21 =	simm.s32 $0x1800  }
0x2d5: {  	[tilespmem:s21], [sflag:$0x1] =	stream.indirect_vreg.gather [hbm4b:s6+s2], $0x80, v4, vm0, $0xb8;
	[tilespmem:$0x10080] =	vst v63  }
0x2d6: {  	s31 =	simm.s32 $0x2000  }
0x2d7: {  	[tilespmem:s31], [sflag:$0x1] =	stream.indirect_vreg.gather [hbm4b:s3+s2], $0x80, v3, vm0, $0xb8;
	[tilespmem:$0x10080] =	vst v63  }
0x2d8: {  	s21 =	simm.s32 $0x2800  }
0x2d9: {  	[tilespmem:s21], [sflag:$0x1] =	stream.indirect_vreg.gather [hbm4b:s4+s2], $0x80, v3, vm0, $0xb8;
	[tilespmem:$0x10080] =	vst v63  }
0x2da: {  	s31 =	simm.s32 $0x3000  }
0x2db: {  	[tilespmem:s31], [sflag:$0x1] =	stream.indirect_vreg.gather [hbm4b:s5+s2], $0x80, v3, vm0, $0xb8;
	[tilespmem:$0x10080] =	vst v63  }
0x2dc: {  	s21 =	simm.s32 $0x3800  }
0x2dd: {  	[tilespmem:s21], [sflag:$0x1] =	stream.indirect_vreg.gather [hbm4b:s6+s2], $0x80, v3, vm0, $0xb8;
	[tilespmem:$0x10080] =	vst v63  }
0x2de: {  	v3 =	vld [tilespmem:$0x10010];
	_ =	sdelay $0x4  }
0x2df: {  	v61 =	vshll.u32 v3, $0x3  }
0x2e0: {  	v3 =	vand.u32 $0x7, v3;
	v4 =	vand.u32 $0xFFFFFFC0, v61  }
0x2e1: {  	v3 =	vor.u32 v3, v4  }
0x2e2: {  	v4 =	vperm.xlane v3, v0;
	_ =	sdelay $0x1  }
0x2e3: {  	v4 =	vadd.s32 v1, v4;
	_ =	sdelay $0x3  }
0x2e4: {  	s24 =	simm.s32 $0x4000  }
0x2e5: {  	[tilespmem:s24], [sflag:$0x1] =	stream.indirect_vreg.gather [hbm4b:s3+s2], $0x80, v4, vm0, $0xb8;
	[tilespmem:$0x10080] =	vst v63  }
0x2e6: {  	v3 =	vperm.xlane v3, v2;
	s24 =	simm.s32 $0x4800  }
0x2e7: {  	[tilespmem:s24], [sflag:$0x1] =	stream.indirect_vreg.gather [hbm4b:s4+s2], $0x80, v4, vm0, $0xb8;
	[tilespmem:$0x10080] =	vst v63  }
0x2e8: {  	s19 =	simm.s32 $0x5000;
	v3 =	vadd.s32 v1, v3  }
0x2e9: {  	[tilespmem:s19], [sflag:$0x1] =	stream.indirect_vreg.gather [hbm4b:s5+s2], $0x80, v4, vm0, $0xb8;
	[tilespmem:$0x10080] =	vst v63  }
0x2ea: {  	s16 =	simm.s32 $0x5800  }
0x2eb: {  	[tilespmem:s16], [sflag:$0x1] =	stream.indirect_vreg.gather [hbm4b:s6+s2], $0x80, v4, vm0, $0xb8;
	[tilespmem:$0x10080] =	vst v63  }
0x2ec: {  	s22 =	simm.s32 $0x6000  }
0x2ed: {  	[tilespmem:s22], [sflag:$0x1] =	stream.indirect_vreg.gather [hbm4b:s3+s2], $0x80, v3, vm0, $0xb8;
	[tilespmem:$0x10080] =	vst v63  }
0x2ee: {  	s0 =	simm.s32 $0x6800  }
0x2ef: {  	[tilespmem:s0], [sflag:$0x1] =	stream.indirect_vreg.gather [hbm4b:s4+s2], $0x80, v3, vm0, $0xb8;
	[tilespmem:$0x10080] =	vst v63  }
0x2f0: {  	s1 =	simm.s32 $0x7000  }
0x2f1: {  	[tilespmem:s1], [sflag:$0x1] =	stream.indirect_vreg.gather [hbm4b:s5+s2], $0x80, v3, vm0, $0xb8;
	[tilespmem:$0x10080] =	vst v63  }
0x2f2: {  	s29 =	simm.s32 $0x7800  }
0x2f3: {  	[tilespmem:s29], [sflag:$0x1] =	stream.indirect_vreg.gather [hbm4b:s6+s2], $0x80, v3, vm0, $0xb8;
	[tilespmem:$0x10080] =	vst v63  }
0x2f4: {  	v3 =	vld [tilespmem:$0x10020];
	_ =	sdelay $0x4  }
0x2f5: {  	v62 =	vshll.u32 v3, $0x3  }
0x2f6: {  	v3 =	vand.u32 $0x7, v3;
	v4 =	vand.u32 $0xFFFFFFC0, v62  }
0x2f7: {  	v3 =	vor.u32 v3, v4  }
0x2f8: {  	v4 =	vperm.xlane v3, v0;
	_ =	sdelay $0x1  }
0x2f9: {  	v4 =	vadd.s32 v1, v4;
	_ =	sdelay $0x3  }
0x2fa: {  	s26 =	simm.s32 $0x8000  }
0x2fb: {  	[tilespmem:s26], [sflag:$0x1] =	stream.indirect_vreg.gather [hbm4b:s3+s2], $0x80, v4, vm0, $0xb8;
	[tilespmem:$0x10080] =	vst v63  }
0x2fc: {  	s13 =	simm.s32 $0x8800;
	v3 =	vperm.xlane v3, v2  }
0x2fd: {  	[tilespmem:s13], [sflag:$0x1] =	stream.indirect_vreg.gather [hbm4b:s4+s2], $0x80, v4, vm0, $0xb8;
	[tilespmem:$0x10080] =	vst v63  }
0x2fe: {  	s7 =	simm.s32 $0x9000;
	v3 =	vadd.s32 v1, v3  }
0x2ff: {  	[tilespmem:s7], [sflag:$0x1] =	stream.indirect_vreg.gather [hbm4b:s5+s2], $0x80, v4, vm0, $0xb8;
	[tilespmem:$0x10080] =	vst v63  }
0x300: {  	s8 =	simm.s32 $0x9800  }
0x301: {  	[tilespmem:s8], [sflag:$0x1] =	stream.indirect_vreg.gather [hbm4b:s6+s2], $0x80, v4, vm0, $0xb8;
	[tilespmem:$0x10080] =	vst v63  }
0x302: {  	s10 =	simm.s32 $0xA000  }
0x303: {  	[tilespmem:s10], [sflag:$0x1] =	stream.indirect_vreg.gather [hbm4b:s3+s2], $0x80, v3, vm0, $0xb8;
	[tilespmem:$0x10080] =	vst v63  }
0x304: {  	s28 =	simm.s32 $0xA800  }
0x305: {  	[tilespmem:s28], [sflag:$0x1] =	stream.indirect_vreg.gather [hbm4b:s4+s2], $0x80, v3, vm0, $0xb8;
	[tilespmem:$0x10080] =	vst v63  }
0x306: {  	s11 =	simm.s32 $0xB000  }
0x307: {  	[tilespmem:s11], [sflag:$0x1] =	stream.indirect_vreg.gather [hbm4b:s5+s2], $0x80, v3, vm0, $0xb8;
	[tilespmem:$0x10080] =	vst v63  }
0x308: {  	s26 =	simm.s32 $0xB800  }
0x309: {  	[tilespmem:s26], [sflag:$0x1] =	stream.indirect_vreg.gather [hbm4b:s6+s2], $0x80, v3, vm0, $0xb8;
	[tilespmem:$0x10080] =	vst v63  }
0x30a: {  	v3 =	vld [tilespmem:$0x10030];
	_ =	sdelay $0x4  }
0x30b: {  	v63 =	vshll.u32 v3, $0x3  }
0x30c: {  	v3 =	vand.u32 $0x7, v3;
	v4 =	vand.u32 $0xFFFFFFC0, v63  }
0x30d: {  	v3 =	vor.u32 v3, v4  }
0x30e: {  	v4 =	vperm.xlane v3, v0;
	_ =	sdelay $0x1  }
0x30f: {  	v4 =	vadd.s32 v1, v4;
	_ =	sdelay $0x3  }
0x310: {  	s28 =	simm.s32 $0xC000  }
0x311: {  	[tilespmem:s28], [sflag:$0x1] =	stream.indirect_vreg.gather [hbm4b:s3+s2], $0x80, v4, vm0, $0xb8;
	[tilespmem:$0x10080] =	vst v63  }
0x312: {  	s29 =	simm.s32 $0xC800;
	v3 =	vperm.xlane v3, v2  }
0x313: {  	[tilespmem:s29], [sflag:$0x1] =	stream.indirect_vreg.gather [hbm4b:s4+s2], $0x80, v4, vm0, $0xb8;
	[tilespmem:$0x10080] =	vst v63  }
0x314: {  	s12 =	simm.s32 $0xD000;
	v3 =	vadd.s32 v1, v3  }
0x315: {  	[tilespmem:s12], [sflag:$0x1] =	stream.indirect_vreg.gather [hbm4b:s5+s2], $0x80, v4, vm0, $0xb8;
	[tilespmem:$0x10080] =	vst v63  }
0x316: {  	s15 =	simm.s32 $0xD800  }
0x317: {  	[tilespmem:s15], [sflag:$0x1] =	stream.indirect_vreg.gather [hbm4b:s6+s2], $0x80, v4, vm0, $0xb8;
	[tilespmem:$0x10080] =	vst v63  }
0x318: {  	s23 =	simm.s32 $0xE000  }
0x319: {  	[tilespmem:s23], [sflag:$0x1] =	stream.indirect_vreg.gather [hbm4b:s3+s2], $0x80, v3, vm0, $0xb8;
	[tilespmem:$0x10080] =	vst v63  }
0x31a: {  	s14 =	simm.s32 $0xE800  }
0x31b: {  	[tilespmem:s14], [sflag:$0x1] =	stream.indirect_vreg.gather [hbm4b:s4+s2], $0x80, v3, vm0, $0xb8;
	[tilespmem:$0x10080] =	vst v63  }
0x31c: {  	s20 =	simm.s32 $0xF000  }
0x31d: {  	[tilespmem:s20], [sflag:$0x1] =	stream.indirect_vreg.gather [hbm4b:s5+s2], $0x80, v3, vm0, $0xb8;
	[tilespmem:$0x10080] =	vst v63  }
0x31e: {  	s25 =	simm.s32 $0xF800  }
0x31f: {  	[tilespmem:s25], [sflag:$0x1] =	stream.indirect_vreg.gather [hbm4b:s6+s2], $0x80, v3, vm0, $0xb8;
	[tilespmem:$0x10080] =	vst v63  }
0x320: {  	_ =	swait.ge [sflag:s17], $0x10000  }
0x321: {  	p0 =	sne.s32 s30, $0x1;
	[sflag:s17] =	ssyncset.done $0x0  }
.Ltmp0:
0x322: {  	s31 =	rddreg [dreg:$0x11];
	[sflag:s17] =	ssyncadd.s32 $0xFFFF0000;
	(pc) =	sbr.rel @p0 .LBB2_1-.Ltmp0, $4  }
0x323: {  	[hbm4b:s31+s2] =	stream.linear.scatter [tilespmem:s2], [sflag:$0x2], $0x10000, $0x38;
	[tilespmem:$0x10080] =	vst v63  }
0x324: {  	_ =	swait.ge [sflag:s9], $0x10000  }
0x325: {  	[sflag:s9] =	ssyncset.done $0x0  }
0x326: {  	s30 =	sadd.s32 $0xFFFFFFFF, s30;
	[sflag:s9] =	ssyncadd.s32 $0xFFFF0000  }
0x327: {  	_ =	sfence.sel $0x180000  }
0x328: {  	[bflag:$0x0] =	sbarrier.arrive $0xFFFF  }
0x329: {  	_ =	strace $0x9000004A  }
0x32a: {  	s0 =	stileid.u32;
	[bflag:$0x2] =	sbarrier.arrive $0xFFFF  }
0x32b: {  	p0 =	sne.s32 s0, $0x0;
	s0 =	rddreg [dreg:$0x1]  }
0x32c: {  	s0 =	sadd.s32 @!p0 $0x100000, s0  }
0x32d: {  	[sflag:s0] =	ssyncadd.tile.s32 @!p0 $0x1;
	_ =	shalt  }
.Lfunc_end2:
_tile_overlayer_lowered:
.L_overlay_start_2:
0x32e: {  	(tag) =	ssettag $0x2  }
0x32f: {  	s0 =	rddreg [dreg:$0x0];
	s2 =	stileid.u32  }
0x330: {  	s1 =	rddreg [dreg:$0x1];
	p0 =	sne.s32 s2, $0x0  }
0x331: {  	s3 =	rddreg [dreg:$0x2];
	[bflag:$0x3] =	sbarrier.arrive $0xFFFF;
	s2 =	simm.s32 @!p0 $0x1C02  }
0x332: {  	[timem:s3], [sflag:s2] =	dma.local @!p0 [hbm:s0], s1  }
0x333: {  	s0 =	simm.s32 @!p0 $0x2  }
0x334: {  	_ =	swait.ge @!p0 [sflag:s0], s1  }
0x335: {  	s1 =	ssub.s32 @!p0 $0x0, s1;
	[sflag:s0] =	ssyncset.done @!p0 $0x0  }
0x336: {  	[sflag:s0] =	ssyncadd.s32 @!p0 s1  }
0x337: {  	[bflag:$0x3] =	sbarrier.arrive $0xFFFF  }
0x338: {  	_ =	shalt  }

</sc_bundles>
